<compile_context>
chip_gen: v7x
topology: tpu7x:2x2x1
jax: 0.10.2.dev20260603
libtpu: 0.0.44.dev20260713+nightly
codegen_flags: <defaults>
</compile_context>

<pallas_src>
import functools

import jax
import jax.numpy as jnp
from jax import lax
from jax.experimental import pallas as pl
from jax.experimental.pallas import tpu as pltpu
from jax.experimental.pallas import tpu_sc as plsc

_K = 8
_NEG = -1e30
_NPATH = 8


def _topk_kernel(x_ref, idx_ref, xn_ref, *, blk, pad_idx):
    i = pl.program_id(1)
    b = pl.program_id(0)
    t_total = x_ref.shape[1]

    @pl.when(i == 0)
    def _normalize():
        xa_full = x_ref[0]
        n2 = jnp.sum(xa_full * xa_full, axis=1, keepdims=True)
        xn_ref[...] = xa_full / (jnp.sqrt(n2) + 1e-8)

    row0 = i * blk

    def _path(wcols):
        xn_rows = xn_ref[pl.ds(row0, blk), :]
        sim = jax.lax.dot_general(
            xn_rows, xn_ref[:wcols, :], (((1,), (1,)), ((), ())),
            preferred_element_type=jnp.float32)

        cols = jax.lax.broadcasted_iota(jnp.int32, (blk, wcols), 1)
        rows = row0 + jax.lax.broadcasted_iota(jnp.int32, (blk, wcols), 0)
        w = jnp.where(cols <= rows, sim, _NEG)

        deg = jnp.zeros((blk, 1), jnp.int32)
        m = None
        for r in range(_K):
            t = w if m is None else jnp.where(w < m, w, _NEG)
            m = jnp.max(t, axis=1, keepdims=True)
            am = jnp.min(jnp.where(t == m, cols, jnp.int32(1 << 30)),
                         axis=1, keepdims=True)
            valid = m > -1e29
            gidx = jnp.where(valid, b * t_total + am, jnp.int32(pad_idx))
            idx_ref[0, :, r:r + 1] = gidx
            deg = deg + valid.astype(jnp.int32)
        idx_ref[0, :, _K:_K + 1] = deg

    nblk = t_total // blk
    npath = _NPATH if nblk % _NPATH == 0 and nblk >= _NPATH else 1
    per_path = nblk // npath
    for p in range(npath):
        lo, hi = p * per_path, (p + 1) * per_path
        cond = (i >= lo) & (i < hi) if p else (i < hi)

        @pl.when(cond)
        def _run(p=p):
            _path((p + 1) * per_path * blk)


def _epilogue_kernel(x_ref, ms_ref, idx_ref, gain_ref, bias_ref, lm_ref,
                     ls_ref, out_ref):
    deg = jnp.maximum(idx_ref[0, :, _K:_K + 1].astype(jnp.float32), 1.0)
    msg = ms_ref[0] / deg
    mix = jax.nn.sigmoid(lm_ref[0, 0])
    scale = jax.nn.softplus(ls_ref[0, 0]) + 0.01
    blended = mix * x_ref[0] + (1.0 - mix) * msg
    y = blended * gain_ref[0][None, :] + bias_ref[0][None, :]
    gelu = 0.5 * y * (1.0 + jax.lax.erf(y * (2.0 ** -0.5)))
    out_ref[0] = gelu * scale


def kernel(x, gain, bias, log_mix, log_scale):
    B, T, D = x.shape
    BT = B * T
    blk = min(256, T)
    grid = (B, T // blk)

    idx = pl.pallas_call(
        functools.partial(_topk_kernel, blk=blk, pad_idx=BT),
        grid=grid,
        in_specs=[pl.BlockSpec((1, T, D), lambda bb, ii: (bb, 0, 0))],
        out_specs=pl.BlockSpec((1, blk, 16), lambda bb, ii: (bb, ii, 0)),
        out_shape=jax.ShapeDtypeStruct((B, T, 16), jnp.int32),
        scratch_shapes=[pltpu.VMEM((T, D), jnp.float32)],
    )(x)

    x2d = jnp.concatenate(
        [x.reshape(BT, D), jnp.zeros((8, D), x.dtype)], axis=0)
    idx_flat = idx[:, :, :_K].reshape(BT * _K)

    NC, NS = 2, 16
    NW = NC * NS
    ntok_w = BT // NW
    CH = 8
    nchunk = ntok_w // CH

    @functools.partial(
        pl.kernel,
        out_type=jax.ShapeDtypeStruct((BT, D), jnp.float32),
        mesh=plsc.VectorSubcoreMesh(core_axis_name="c", subcore_axis_name="s"),
        scratch_types=[
            pltpu.VMEM((ntok_w * _K,), jnp.int32),
            pltpu.VMEM((CH * _K, D), jnp.float32),
            pltpu.VMEM((CH, D), jnp.float32),
            pltpu.SemaphoreType.DMA,
        ],
    )
    def _sc_gather(idx_hbm, x2d_hbm, out_hbm, idx_v, rows_v, acc_v, sem):
        wid = lax.axis_index("s") * NC + lax.axis_index("c")
        base = wid * ntok_w
        pltpu.sync_copy(idx_hbm.at[pl.ds(base * _K, ntok_w * _K)], idx_v)

        def chunk_body(c, carry):
            pltpu.async_copy(
                x2d_hbm.at[idx_v.at[pl.ds(c * (CH * _K), CH * _K)]],
                rows_v, sem).wait()

            def tok_body(t, carry2):
                def d_body(d, carry3):
                    s = pl.ds(d * 16, 16)
                    acc = rows_v[t * _K + 0, s]
                    for r in range(1, _K):
                        acc = acc + rows_v[t * _K + r, s]
                    acc_v[t, s] = acc
                    return carry3
                return lax.fori_loop(0, D // 16, d_body, carry2)

            lax.fori_loop(0, CH, tok_body, 0)
            pltpu.sync_copy(acc_v, out_hbm.at[pl.ds(base + c * CH, CH)])
            return carry

        lax.fori_loop(0, nchunk, chunk_body, 0)

    msgsum = _sc_gather(idx_flat, x2d).reshape(B, T, D)

    eblk = min(512, T)
    return pl.pallas_call(
        _epilogue_kernel,
        grid=(B, T // eblk),
        in_specs=[
            pl.BlockSpec((1, eblk, D), lambda bb, ii: (bb, ii, 0)),
            pl.BlockSpec((1, eblk, D), lambda bb, ii: (bb, ii, 0)),
            pl.BlockSpec((1, eblk, 16), lambda bb, ii: (bb, ii, 0)),
            pl.BlockSpec((1, D), lambda bb, ii: (0, 0)),
            pl.BlockSpec((1, D), lambda bb, ii: (0, 0)),
            pl.BlockSpec((1, 1), lambda bb, ii: (0, 0)),
            pl.BlockSpec((1, 1), lambda bb, ii: (0, 0)),
        ],
        out_specs=pl.BlockSpec((1, eblk, D), lambda bb, ii: (bb, ii, 0)),
        out_shape=jax.ShapeDtypeStruct((B, T, D), x.dtype),
    )(x, msgsum, idx, gain.reshape(1, D), bias.reshape(1, D),
      log_mix.reshape(1, 1), log_scale.reshape(1, 1))

# --- scband reference (transcript-rebuilt; emitter-appended) ---
"""Pipeline reference for scband-dgn1-70428873720408 (READ-ONLY COPY).

The authoritative reference and input builder live on the scoring server;
editing this copy changes nothing except your own understanding.
"""

import jax, jax.numpy as jnp
import numpy as np

K = 8

def setup_inputs(seed: int = 0) -> dict:
    key = jax.random.key(seed)
    k1, = jax.random.split(key, 1)
    B, T, D = 2, 2048, 768
    x = jax.random.normal(k1, (B, T, D), dtype=jnp.float32)
    gain = jnp.ones((D,), dtype=jnp.float32)
    bias = jnp.zeros((D,), dtype=jnp.float32)
    log_mix = jnp.zeros((), dtype=jnp.float32)
    log_scale = jnp.zeros((), dtype=jnp.float32)
    return {"x": x, "gain": gain, "bias": bias, "log_mix": log_mix, "log_scale": log_scale}


def _causal_topk_adjacency(x, k):
    # binary adjacency: for each token t, top-k cosine-similar tokens among j <= t
    B, T, D = x.shape
    xn = x / (jnp.linalg.norm(x, axis=-1, keepdims=True) + 1e-8)
    sim = jnp.einsum('btd,bsd->bts', xn, xn)
    causal = jnp.tril(jnp.ones((T, T), dtype=bool))
    sim = jnp.where(causal[None, :, :], sim, -1e4)
    vals, idx = jax.lax.top_k(sim, k)  # (B, T, K)
    valid = (vals > -1e3).astype(x.dtype)  # mask out padded (non-causal) picks
    A = jnp.zeros((B, T, T), dtype=x.dtype)
    b = jnp.arange(B)[:, None, None]
    t = jnp.arange(T)[None, :, None]
    A = A.at[b, t, idx].set(valid)
    return A


def _unweighted_aggregate(x, A):
    # mean over selected (binary) neighbors
    deg = jnp.sum(A, axis=-1, keepdims=True)
    msg = jnp.einsum('bts,bsd->btd', A, x)
    return msg / jnp.maximum(deg, 1.0)


def reference(x, gain, bias, log_mix, log_scale):
    mix = jax.nn.sigmoid(log_mix)
    scale = jax.nn.softplus(log_scale) + 0.01
    A = _causal_topk_adjacency(x, K)
    msg = _unweighted_aggregate(x, A)
    blended = mix * x + (1.0 - mix) * msg
    delta = jax.nn.gelu(blended * gain + bias, approximate=False) * scale
    return delta

if __name__ == "__main__":
    import jax
    _d = setup_inputs()
    print(jax.jit(kernel)(*tuple(_d.values())))

</pallas_src>

<mosaic_0001>
#map = affine_map<(d0, d1) -> (0)>
#map1 = affine_map<(d0, d1) -> (0, 0)>
module attributes {stable_mosaic.version = 14 : i64} {
  func.func @_sc_gather(%arg0: i32, %arg1: i32, %arg2: memref<32768xi32, #tpu.memory_space<hbm>>, %arg3: memref<4104x768xf32, #tpu.memory_space<hbm>>, %arg4: memref<4096x768xf32, #tpu.memory_space<hbm>>, %arg5: memref<1024xi32, #tpu.memory_space<vmem>>, %arg6: memref<64x768xf32, #tpu.memory_space<vmem>>, %arg7: memref<8x768xf32, #tpu.memory_space<vmem>>, %arg8: memref<!tpu.dma_semaphore, #tpu.memory_space<semaphore_mem>>) attributes {dimension_semantics = [#tpu.dimension_semantics<core_parallel>, #tpu.dimension_semantics<subcore_parallel>], iteration_bounds = array<i64: 2, 16>, scalar_prefetch = 0 : i64, scratch_operands = 4 : i64, tpu.core_type = #tpu.core_type<sc_vector_subcore>, window_params = [{transform_indices = #map}, {transform_indices = #map1}, {transform_indices = #map1}]} {
    %mul3A = arith.constant 2 : i32
    %mul3A_0 = arith.muli %arg1, %mul3A : i32
    %add3A = arith.addi %mul3A_0, %arg0 : i32
    %mul3A_1 = arith.constant 128 : i32
    %mul3A_2 = arith.muli %add3A, %mul3A_1 : i32
    %mul3A_3 = arith.constant 8 : i32
    %mul3A_4 = arith.muli %mul3A_2, %mul3A_3 : i32
    "tpu.region"() ({
      %run_scoped3A = tpu.sem_alloc : memref<!tpu.dma_semaphore, #tpu.memory_space<semaphore_mem>>
      %dma_start3A = tpu.memref_slice %arg2[%mul3A_4] : memref<32768xi32, #tpu.memory_space<hbm>> -> memref<1024xi32, #tpu.memory_space<hbm>>
      %dma_start3A_10 = tpu.memref_slice %arg2[%mul3A_4] : memref<32768xi32, #tpu.memory_space<hbm>> -> memref<1024xi32, #tpu.memory_space<hbm>>
      tpu.enqueue_dma source(%dma_start3A_10 : memref<1024xi32, #tpu.memory_space<hbm>>) target(%arg5 : memref<1024xi32, #tpu.memory_space<vmem>>) target_semaphore(%run_scoped3A : memref<!tpu.dma_semaphore, #tpu.memory_space<semaphore_mem>>)
      %dma_wait3A = tpu.memref_slice %arg2[%mul3A_4] : memref<32768xi32, #tpu.memory_space<hbm>> -> memref<1024xi32, #tpu.memory_space<hbm>>
      %dma_wait3A_11 = tpu.memref_slice %arg2[%mul3A_4] : memref<32768xi32, #tpu.memory_space<hbm>> -> memref<1024xi32, #tpu.memory_space<hbm>>
      tpu.wait_dma2 semaphore(%run_scoped3A : memref<!tpu.dma_semaphore, #tpu.memory_space<semaphore_mem>>) src(%dma_wait3A_11 : memref<1024xi32, #tpu.memory_space<hbm>>) dst(%arg5 : memref<1024xi32, #tpu.memory_space<vmem>>)
      tpu.yield
    }) : () -> ()
    %scan3A = arith.constant 0 : i32
    %scan3A_5 = arith.constant 0 : i32
    %scan3A_6 = arith.constant 16 : i32
    %scan3A_7 = arith.addi %scan3A_5, %scan3A_6 : i32
    %scan3A_8 = arith.constant 1 : i32
    scf.for %scan3A_10 = %scan3A_5 to %scan3A_7 step %scan3A_8  : i32 {
      %mul3A_11 = arith.constant 64 : i32
      %mul3A_12 = arith.muli %scan3A_10, %mul3A_11 : i32
      %dma_start3A = tpu.memref_slice %arg5[%mul3A_12] : memref<1024xi32, #tpu.memory_space<vmem>> -> memref<64xi32, #tpu.memory_space<vmem>>
      %dma_start3A_13 = arith.constant 0 : i32
      %dma_start3A_14 = arith.constant 0 : i32
      %dma_start3A_15 = tpu.memref_slice %arg3[%dma_start3A_13, %dma_start3A_14] : memref<4104x768xf32, #tpu.memory_space<hbm>> -> memref<4104x768xf32, #tpu.memory_space<hbm>>
      tpu.enqueue_indirect_dma source(%dma_start3A_15 : memref<4104x768xf32, #tpu.memory_space<hbm>>) target(%arg6 : memref<64x768xf32, #tpu.memory_space<vmem>>) offsets(%dma_start3A : memref<64xi32, #tpu.memory_space<vmem>>) semaphore(%arg8 : memref<!tpu.dma_semaphore, #tpu.memory_space<semaphore_mem>>)
      %dma_wait3A = tpu.memref_slice %arg5[%mul3A_12] : memref<1024xi32, #tpu.memory_space<vmem>> -> memref<64xi32, #tpu.memory_space<vmem>>
      %dma_wait3A_16 = arith.constant 0 : i32
      %dma_wait3A_17 = arith.constant 0 : i32
      %dma_wait3A_18 = tpu.memref_slice %arg3[%dma_wait3A_16, %dma_wait3A_17] : memref<4104x768xf32, #tpu.memory_space<hbm>> -> memref<4104x768xf32, #tpu.memory_space<hbm>>
      tpu.wait_indirect_dma semaphore(%arg8 : memref<!tpu.dma_semaphore, #tpu.memory_space<semaphore_mem>>) src(%dma_wait3A_18 : memref<4104x768xf32, #tpu.memory_space<hbm>>) dst(%arg6 : memref<64x768xf32, #tpu.memory_space<vmem>>)
      %scan3A_19 = arith.constant 0 : i32
      %scan3A_20 = arith.constant 0 : i32
      %scan3A_21 = arith.constant 8 : i32
      %scan3A_22 = arith.addi %scan3A_20, %scan3A_21 : i32
      %scan3A_23 = arith.constant 1 : i32
      scf.for %scan3A_28 = %scan3A_20 to %scan3A_22 step %scan3A_23  : i32 {
        %scan3A_29 = arith.constant 0 : i32
        %scan3A_30 = arith.constant 48 : i32
        %scan3A_31 = arith.addi %scan3A_29, %scan3A_30 : i32
        %scan3A_32 = arith.constant 1 : i32
        scf.for %scan3A_34 = %scan3A_29 to %scan3A_31 step %scan3A_32  : i32 {
          %mul3A_35 = arith.constant 16 : i32
          %mul3A_36 = arith.muli %scan3A_34, %mul3A_35 : i32
          %mul3A_37 = arith.constant 8 : i32
          %mul3A_38 = arith.muli %scan3A_28, %mul3A_37 : i32
          %add3A_39 = arith.constant 0 : i32
          %add3A_40 = arith.addi %mul3A_38, %add3A_39 : i32
          %get3A = arith.index_cast %add3A_40 : i32 to index
          %get3A_41 = arith.index_cast %mul3A_36 : i32 to index
          %get3A_42 = tpu.vector_load %arg6[%get3A, %get3A_41] {strides = array<i32>} : memref<64x768xf32, #tpu.memory_space<vmem>>, vector<1x16xf32>,
          %get3A_43 = vector.shape_cast %get3A_42 : vector<1x16xf32> to vector<16xf32>
          %mul3A_44 = arith.constant 8 : i32
          %mul3A_45 = arith.muli %scan3A_28, %mul3A_44 : i32
          %add3A_46 = arith.constant 1 : i32
          %add3A_47 = arith.addi %mul3A_45, %add3A_46 : i32
          %get3A_48 = arith.index_cast %add3A_47 : i32 to index
          %get3A_49 = arith.index_cast %mul3A_36 : i32 to index
          %get3A_50 = tpu.vector_load %arg6[%get3A_48, %get3A_49] {strides = array<i32>} : memref<64x768xf32, #tpu.memory_space<vmem>>, vector<1x16xf32>,
          %get3A_51 = vector.shape_cast %get3A_50 : vector<1x16xf32> to vector<16xf32>
          %add3A_52 = arith.addf %get3A_43, %get3A_51 : vector<16xf32>
          %mul3A_53 = arith.constant 8 : i32
          %mul3A_54 = arith.muli %scan3A_28, %mul3A_53 : i32
          %add3A_55 = arith.constant 2 : i32
          %add3A_56 = arith.addi %mul3A_54, %add3A_55 : i32
          %get3A_57 = arith.index_cast %add3A_56 : i32 to index
          %get3A_58 = arith.index_cast %mul3A_36 : i32 to index
          %get3A_59 = tpu.vector_load %arg6[%get3A_57, %get3A_58] {strides = array<i32>} : memref<64x768xf32, #tpu.memory_space<vmem>>, vector<1x16xf32>,
          %get3A_60 = vector.shape_cast %get3A_59 : vector<1x16xf32> to vector<16xf32>
          %add3A_61 = arith.addf %add3A_52, %get3A_60 : vector<16xf32>
          %mul3A_62 = arith.constant 8 : i32
          %mul3A_63 = arith.muli %scan3A_28, %mul3A_62 : i32
          %add3A_64 = arith.constant 3 : i32
          %add3A_65 = arith.addi %mul3A_63, %add3A_64 : i32
          %get3A_66 = arith.index_cast %add3A_65 : i32 to index
          %get3A_67 = arith.index_cast %mul3A_36 : i32 to index
          %get3A_68 = tpu.vector_load %arg6[%get3A_66, %get3A_67] {strides = array<i32>} : memref<64x768xf32, #tpu.memory_space<vmem>>, vector<1x16xf32>,
          %get3A_69 = vector.shape_cast %get3A_68 : vector<1x16xf32> to vector<16xf32>
          %add3A_70 = arith.addf %add3A_61, %get3A_69 : vector<16xf32>
          %mul3A_71 = arith.constant 8 : i32
          %mul3A_72 = arith.muli %scan3A_28, %mul3A_71 : i32
          %add3A_73 = arith.constant 4 : i32
          %add3A_74 = arith.addi %mul3A_72, %add3A_73 : i32
          %get3A_75 = arith.index_cast %add3A_74 : i32 to index
          %get3A_76 = arith.index_cast %mul3A_36 : i32 to index
          %get3A_77 = tpu.vector_load %arg6[%get3A_75, %get3A_76] {strides = array<i32>} : memref<64x768xf32, #tpu.memory_space<vmem>>, vector<1x16xf32>,
          %get3A_78 = vector.shape_cast %get3A_77 : vector<1x16xf32> to vector<16xf32>
          %add3A_79 = arith.addf %add3A_70, %get3A_78 : vector<16xf32>
          %mul3A_80 = arith.constant 8 : i32
          %mul3A_81 = arith.muli %scan3A_28, %mul3A_80 : i32
          %add3A_82 = arith.constant 5 : i32
          %add3A_83 = arith.addi %mul3A_81, %add3A_82 : i32
          %get3A_84 = arith.index_cast %add3A_83 : i32 to index
          %get3A_85 = arith.index_cast %mul3A_36 : i32 to index
          %get3A_86 = tpu.vector_load %arg6[%get3A_84, %get3A_85] {strides = array<i32>} : memref<64x768xf32, #tpu.memory_space<vmem>>, vector<1x16xf32>,
          %get3A_87 = vector.shape_cast %get3A_86 : vector<1x16xf32> to vector<16xf32>
          %add3A_88 = arith.addf %add3A_79, %get3A_87 : vector<16xf32>
          %mul3A_89 = arith.constant 8 : i32
          %mul3A_90 = arith.muli %scan3A_28, %mul3A_89 : i32
          %add3A_91 = arith.constant 6 : i32
          %add3A_92 = arith.addi %mul3A_90, %add3A_91 : i32
          %get3A_93 = arith.index_cast %add3A_92 : i32 to index
          %get3A_94 = arith.index_cast %mul3A_36 : i32 to index
          %get3A_95 = tpu.vector_load %arg6[%get3A_93, %get3A_94] {strides = array<i32>} : memref<64x768xf32, #tpu.memory_space<vmem>>, vector<1x16xf32>,
          %get3A_96 = vector.shape_cast %get3A_95 : vector<1x16xf32> to vector<16xf32>
          %add3A_97 = arith.addf %add3A_88, %get3A_96 : vector<16xf32>
          %mul3A_98 = arith.constant 8 : i32
          %mul3A_99 = arith.muli %scan3A_28, %mul3A_98 : i32
          %add3A_100 = arith.constant 7 : i32
          %add3A_101 = arith.addi %mul3A_99, %add3A_100 : i32
          %get3A_102 = arith.index_cast %add3A_101 : i32 to index
          %get3A_103 = arith.index_cast %mul3A_36 : i32 to index
          %get3A_104 = tpu.vector_load %arg6[%get3A_102, %get3A_103] {strides = array<i32>} : memref<64x768xf32, #tpu.memory_space<vmem>>, vector<1x16xf32>,
          %get3A_105 = vector.shape_cast %get3A_104 : vector<1x16xf32> to vector<16xf32>
          %add3A_106 = arith.addf %add3A_97, %get3A_105 : vector<16xf32>
          %swap3A = arith.index_cast %scan3A_28 : i32 to index
          %swap3A_107 = arith.index_cast %mul3A_36 : i32 to index
          %swap3A_108 = tpu.vector_load %arg7[%swap3A, %swap3A_107] {strides = array<i32>} : memref<8x768xf32, #tpu.memory_space<vmem>>, vector<1x16xf32>,
          %swap3A_109 = vector.shape_cast %swap3A_108 : vector<1x16xf32> to vector<16xf32>
          %swap3A_110 = vector.shape_cast %add3A_106 : vector<16xf32> to vector<1x16xf32>
          tpu.vector_store %arg7[%swap3A, %swap3A_107], %swap3A_110 {strides = array<i32>} : memref<8x768xf32, #tpu.memory_space<vmem>>, vector<1x16xf32>,
        }
        %scan3A_33 = arith.constant 48 : i32
      }
      %scan3A_24 = arith.constant 8 : i32
      %mul3A_25 = arith.constant 8 : i32
      %mul3A_26 = arith.muli %scan3A_10, %mul3A_25 : i32
      %add3A_27 = arith.addi %mul3A_2, %mul3A_26 : i32
      "tpu.region"() ({
        %run_scoped3A = tpu.sem_alloc : memref<!tpu.dma_semaphore, #tpu.memory_space<semaphore_mem>>
        %dma_start3A_28 = arith.constant 0 : i32
        %dma_start3A_29 = tpu.memref_slice %arg4[%add3A_27, %dma_start3A_28] : memref<4096x768xf32, #tpu.memory_space<hbm>> -> memref<8x768xf32, #tpu.memory_space<hbm>>
        %dma_start3A_30 = arith.constant 0 : i32
        %dma_start3A_31 = tpu.memref_slice %arg4[%add3A_27, %dma_start3A_30] : memref<4096x768xf32, #tpu.memory_space<hbm>> -> memref<8x768xf32, #tpu.memory_space<hbm>>
        tpu.enqueue_dma source(%arg7 : memref<8x768xf32, #tpu.memory_space<vmem>>) target(%dma_start3A_31 : memref<8x768xf32, #tpu.memory_space<hbm>>) target_semaphore(%run_scoped3A : memref<!tpu.dma_semaphore, #tpu.memory_space<semaphore_mem>>)
        %dma_wait3A_32 = arith.constant 0 : i32
        %dma_wait3A_33 = tpu.memref_slice %arg4[%add3A_27, %dma_wait3A_32] : memref<4096x768xf32, #tpu.memory_space<hbm>> -> memref<8x768xf32, #tpu.memory_space<hbm>>
        %dma_wait3A_34 = arith.constant 0 : i32
        %dma_wait3A_35 = tpu.memref_slice %arg4[%add3A_27, %dma_wait3A_34] : memref<4096x768xf32, #tpu.memory_space<hbm>> -> memref<8x768xf32, #tpu.memory_space<hbm>>
        tpu.wait_dma2 semaphore(%run_scoped3A : memref<!tpu.dma_semaphore, #tpu.memory_space<semaphore_mem>>) src(%arg7 : memref<8x768xf32, #tpu.memory_space<vmem>>) dst(%dma_wait3A_35 : memref<8x768xf32, #tpu.memory_space<hbm>>)
        tpu.yield
      }) : () -> ()
    }
    %scan3A_9 = arith.constant 16 : i32
    return
  }
}

module attributes {stable_mosaic.version = 14 : i64} {
  func.func @_epilogue_kernel(%arg0: i32, %arg1: i32, %arg2: memref<1x512x768xf32, #tpu.memory_space<vmem>>, %arg3: memref<1x512x768xf32, #tpu.memory_space<vmem>>, %arg4: memref<1x512x16xi32, #tpu.memory_space<vmem>>, %arg5: memref<1x768xf32, #tpu.memory_space<vmem>>, %arg6: memref<1x768xf32, #tpu.memory_space<vmem>>, %arg7: memref<1x1xf32, #tpu.memory_space<vmem>>, %arg8: memref<1x1xf32, #tpu.memory_space<vmem>>, %arg9: memref<1x512x768xf32, #tpu.memory_space<vmem>>) attributes {dimension_semantics = [#tpu.dimension_semantics<arbitrary>, #tpu.dimension_semantics<arbitrary>], iteration_bounds = array<i64: 2, 4>, scalar_prefetch = 0 : i64, scratch_operands = 0 : i64, tpu.core_type = #tpu.core_type<tc>, window_params = [{transform_indices = @transform_0, window_bounds = array<i64: 1, 512, 768>}, {transform_indices = @transform_1, window_bounds = array<i64: 1, 512, 768>}, {transform_indices = @transform_2, window_bounds = array<i64: 1, 512, 16>}, {pipeline_mode = #tpu.pipeline_mode<synchronous>, transform_indices = @transform_3, window_bounds = array<i64: 1, 768>}, {pipeline_mode = #tpu.pipeline_mode<synchronous>, transform_indices = @transform_4, window_bounds = array<i64: 1, 768>}, {pipeline_mode = #tpu.pipeline_mode<synchronous>, transform_indices = @transform_5, window_bounds = array<i64: 1, 1>}, {pipeline_mode = #tpu.pipeline_mode<synchronous>, transform_indices = @transform_6, window_bounds = array<i64: 1, 1>}, {transform_indices = @transform_7, window_bounds = array<i64: 1, 512, 768>}]} {
    %get3A = arith.constant 0 : index
    %get3A_0 = arith.constant 0 : index
    %get3A_1 = arith.constant 8 : index
    %get3A_2 = vector.load %arg4[%get3A, %get3A_0, %get3A_1] : memref<1x512x16xi32, #tpu.memory_space<vmem>>, vector<1x512x1xi32>
    %get3A_3 = vector.shape_cast %get3A_2 : vector<1x512x1xi32> to vector<512x1xi32>
    %convert_element_type3A = arith.sitofp %get3A_3 : vector<512x1xi32> to vector<512x1xf32>
    %max3A = arith.constant 1.000000e+00 : f32
    %max3A_4 = vector.broadcast %max3A : f32 to vector<512x1xf32>
    %max3A_5 = arith.maximumf %convert_element_type3A, %max3A_4 : vector<512x1xf32>
    %get3A_6 = arith.constant 0 : index
    %get3A_7 = arith.constant 0 : index
    %get3A_8 = arith.constant 0 : index
    %get3A_9 = vector.load %arg3[%get3A_6, %get3A_7, %get3A_8] : memref<1x512x768xf32, #tpu.memory_space<vmem>>, vector<1x512x768xf32>
    %get3A_10 = vector.shape_cast %get3A_9 : vector<1x512x768xf32> to vector<512x768xf32>
    %div3A = vector.broadcast %max3A_5 : vector<512x1xf32> to vector<512x768xf32>
    %div3A_11 = arith.divf %get3A_10, %div3A : vector<512x768xf32>
    %get3A_12 = arith.constant 0 : index
    %get3A_13 = arith.constant 0 : index
    %get3A_14 = vector.load %arg7[%get3A_12, %get3A_13] : memref<1x1xf32, #tpu.memory_space<vmem>>, vector<1x1xf32>
    %get3A_15 = vector.extract %get3A_14[0, 0] : f32 from vector<1x1xf32>
    %logistic3A = arith.negf %get3A_15 : f32
    %logistic3A_16 = math.exp %logistic3A : f32
    %logistic3A_17 = arith.constant 1.000000e+00 : f32
    %logistic3A_18 = arith.addf %logistic3A_17, %logistic3A_16 : f32
    %logistic3A_19 = arith.divf %logistic3A_17, %logistic3A_18 : f32
    %get3A_20 = arith.constant 0 : index
    %get3A_21 = arith.constant 0 : index
    %get3A_22 = vector.load %arg8[%get3A_20, %get3A_21] : memref<1x1xf32, #tpu.memory_space<vmem>>, vector<1x1xf32>
    %get3A_23 = vector.extract %get3A_22[0, 0] : f32 from vector<1x1xf32>
    %custom_jvp_call3A = arith.constant 0.000000e+00 : f32
    %max3A_24 = arith.maximumf %get3A_23, %custom_jvp_call3A : f32
    %sub3A = arith.subf %get3A_23, %custom_jvp_call3A : f32
    %ne3A = arith.cmpf one, %sub3A, %sub3A : f32
    %add3A = arith.addf %get3A_23, %custom_jvp_call3A : f32
    %abs3A = math.absf %sub3A : f32
    %neg3A = arith.constant 0.000000e+00 : f32
    %neg3A_25 = arith.subf %neg3A, %abs3A : f32
    %exp3A = math.exp %neg3A_25 : f32
    %log1p3A = math.log1p %exp3A : f32
    %add3A_26 = arith.addf %max3A_24, %log1p3A : f32
    %select_n3A = arith.select %ne3A, %add3A, %add3A_26 : f32
    %add3A_27 = arith.constant 0.00999999977 : f32
    %add3A_28 = arith.addf %select_n3A, %add3A_27 : f32
    %get3A_29 = arith.constant 0 : index
    %get3A_30 = arith.constant 0 : index
    %get3A_31 = arith.constant 0 : index
    %get3A_32 = vector.load %arg2[%get3A_29, %get3A_30, %get3A_31] : memref<1x512x768xf32, #tpu.memory_space<vmem>>, vector<1x512x768xf32>
    %get3A_33 = vector.shape_cast %get3A_32 : vector<1x512x768xf32> to vector<512x768xf32>
    %mul3A = vector.broadcast %logistic3A_19 : f32 to vector<512x768xf32>
    %mul3A_34 = arith.mulf %mul3A, %get3A_33 : vector<512x768xf32>
    %sub3A_35 = arith.constant 1.000000e+00 : f32
    %sub3A_36 = arith.subf %sub3A_35, %logistic3A_19 : f32
    %mul3A_37 = vector.broadcast %sub3A_36 : f32 to vector<512x768xf32>
    %mul3A_38 = arith.mulf %mul3A_37, %div3A_11 : vector<512x768xf32>
    %add3A_39 = arith.addf %mul3A_34, %mul3A_38 : vector<512x768xf32>
    %get3A_40 = arith.constant 0 : index
    %get3A_41 = arith.constant 0 : index
    %get3A_42 = vector.load %arg5[%get3A_40, %get3A_41] : memref<1x768xf32, #tpu.memory_space<vmem>>, vector<1x768xf32>
    %get3A_43 = vector.shape_cast %get3A_42 : vector<1x768xf32> to vector<768xf32>
    %broadcast_in_dim3A = vector.shape_cast %get3A_43 : vector<768xf32> to vector<1x768xf32>
    %mul3A_44 = vector.broadcast %broadcast_in_dim3A : vector<1x768xf32> to vector<512x768xf32>
    %mul3A_45 = arith.mulf %add3A_39, %mul3A_44 : vector<512x768xf32>
    %get3A_46 = arith.constant 0 : index
    %get3A_47 = arith.constant 0 : index
    %get3A_48 = vector.load %arg6[%get3A_46, %get3A_47] : memref<1x768xf32, #tpu.memory_space<vmem>>, vector<1x768xf32>
    %get3A_49 = vector.shape_cast %get3A_48 : vector<1x768xf32> to vector<768xf32>
    %broadcast_in_dim3A_50 = vector.shape_cast %get3A_49 : vector<768xf32> to vector<1x768xf32>
    %add3A_51 = vector.broadcast %broadcast_in_dim3A_50 : vector<1x768xf32> to vector<512x768xf32>
    %add3A_52 = arith.addf %mul3A_45, %add3A_51 : vector<512x768xf32>
    %mul3A_53 = arith.constant 5.000000e-01 : f32
    %mul3A_54 = vector.broadcast %mul3A_53 : f32 to vector<512x768xf32>
    %mul3A_55 = arith.mulf %mul3A_54, %add3A_52 : vector<512x768xf32>
    %mul3A_56 = arith.constant 0.707106769 : f32
    %mul3A_57 = vector.broadcast %mul3A_56 : f32 to vector<512x768xf32>
    %mul3A_58 = arith.mulf %add3A_52, %mul3A_57 : vector<512x768xf32>
    %erf3A = math.erf %mul3A_58 : vector<512x768xf32>
    %add3A_59 = arith.constant 1.000000e+00 : f32
    %add3A_60 = vector.broadcast %add3A_59 : f32 to vector<512x768xf32>
    %add3A_61 = arith.addf %add3A_60, %erf3A : vector<512x768xf32>
    %mul3A_62 = arith.mulf %mul3A_55, %add3A_61 : vector<512x768xf32>
    %mul3A_63 = vector.broadcast %add3A_28 : f32 to vector<512x768xf32>
    %mul3A_64 = arith.mulf %mul3A_62, %mul3A_63 : vector<512x768xf32>
    %swap3A = arith.constant 0 : index
    %swap3A_65 = arith.constant 0 : index
    %swap3A_66 = arith.constant 0 : index
    %swap3A_67 = vector.load %arg9[%swap3A, %swap3A_65, %swap3A_66] : memref<1x512x768xf32, #tpu.memory_space<vmem>>, vector<1x512x768xf32>
    %swap3A_68 = vector.shape_cast %swap3A_67 : vector<1x512x768xf32> to vector<512x768xf32>
    %swap3A_69 = vector.shape_cast %mul3A_64 : vector<512x768xf32> to vector<1x512x768xf32>
    tpu.vector_store %arg9[%swap3A, %swap3A_65, %swap3A_66], %swap3A_69 {strides = array<i32>} : memref<1x512x768xf32, #tpu.memory_space<vmem>>, vector<1x512x768xf32>,
    return
  }
  func.func @transform_0(%arg0: i32, %arg1: i32) -> (i32, i32, i32) {
    %c0_i32 = arith.constant 0 : i32
    %c0_i32_0 = arith.constant 0 : i32
    return %arg0, %arg1, %c0_i32 : i32, i32, i32
  }
  func.func @transform_1(%arg0: i32, %arg1: i32) -> (i32, i32, i32) {
    %c0_i32 = arith.constant 0 : i32
    %c0_i32_0 = arith.constant 0 : i32
    return %arg0, %arg1, %c0_i32 : i32, i32, i32
  }
  func.func @transform_2(%arg0: i32, %arg1: i32) -> (i32, i32, i32) {
    %c0_i32 = arith.constant 0 : i32
    %c0_i32_0 = arith.constant 0 : i32
    return %arg0, %arg1, %c0_i32 : i32, i32, i32
  }
  func.func @transform_3(%arg0: i32, %arg1: i32) -> (i32, i32) {
    %c0_i32 = arith.constant 0 : i32
    %c0_i32_0 = arith.constant 0 : i32
    %c0_i32_1 = arith.constant 0 : i32
    return %c0_i32, %c0_i32_0 : i32, i32
  }
  func.func @transform_4(%arg0: i32, %arg1: i32) -> (i32, i32) {
    %c0_i32 = arith.constant 0 : i32
    %c0_i32_0 = arith.constant 0 : i32
    %c0_i32_1 = arith.constant 0 : i32
    return %c0_i32, %c0_i32_0 : i32, i32
  }
  func.func @transform_5(%arg0: i32, %arg1: i32) -> (i32, i32) {
    %c0_i32 = arith.constant 0 : i32
    %c0_i32_0 = arith.constant 0 : i32
    %c0_i32_1 = arith.constant 0 : i32
    return %c0_i32, %c0_i32_0 : i32, i32
  }
  func.func @transform_6(%arg0: i32, %arg1: i32) -> (i32, i32) {
    %c0_i32 = arith.constant 0 : i32
    %c0_i32_0 = arith.constant 0 : i32
    %c0_i32_1 = arith.constant 0 : i32
    return %c0_i32, %c0_i32_0 : i32, i32
  }
  func.func @transform_7(%arg0: i32, %arg1: i32) -> (i32, i32, i32) {
    %c0_i32 = arith.constant 0 : i32
    %c0_i32_0 = arith.constant 0 : i32
    return %arg0, %arg1, %c0_i32 : i32, i32, i32
  }
}

module attributes {stable_mosaic.version = 14 : i64} {
  func.func @_topk_kernel(%arg0: i32, %arg1: i32, %arg2: memref<1x2048x768xf32, #tpu.memory_space<vmem>>, %arg3: memref<1x256x16xi32, #tpu.memory_space<vmem>>, %arg4: memref<2048x768xf32, #tpu.memory_space<vmem>>) attributes {dimension_semantics = [#tpu.dimension_semantics<arbitrary>, #tpu.dimension_semantics<arbitrary>], iteration_bounds = array<i64: 2, 8>, scalar_prefetch = 0 : i64, scratch_operands = 1 : i64, tpu.core_type = #tpu.core_type<tc>, window_params = [{transform_indices = @transform_0, window_bounds = array<i64: 1, 2048, 768>}, {transform_indices = @transform_1, window_bounds = array<i64: 1, 256, 16>}]} {
    %eq3A = arith.constant 0 : i32
    %eq3A_0 = arith.cmpi eq, %arg1, %eq3A : i32
    %convert_element_type3A = arith.extui %eq3A_0 : i1 to i32
    %cond3A = arith.constant 0 : i32
    %cond3A_1 = arith.cmpi ne, %convert_element_type3A, %cond3A : i32
    scf.if %cond3A_1 {
      %get3A = arith.constant 0 : index
      %get3A_61 = arith.constant 0 : index
      %get3A_62 = arith.constant 0 : index
      %get3A_63 = vector.load %arg2[%get3A, %get3A_61, %get3A_62] : memref<1x2048x768xf32, #tpu.memory_space<vmem>>, vector<1x2048x768xf32>
      %get3A_64 = vector.shape_cast %get3A_63 : vector<1x2048x768xf32> to vector<2048x768xf32>
      %mul3A_65 = arith.mulf %get3A_64, %get3A_64 : vector<2048x768xf32>
      %reduce_sum3A = arith.constant dense<0.000000e+00> : vector<2048xf32>
      %reduce_sum3A_66 = vector.multi_reduction <add>, %mul3A_65, %reduce_sum3A [1] : vector<2048x768xf32> to vector<2048xf32>
      %broadcast_in_dim3A = vector.shape_cast %reduce_sum3A_66 : vector<2048xf32> to vector<2048x1xf32>
      %sqrt3A = math.sqrt %broadcast_in_dim3A : vector<2048x1xf32>
      %add3A = arith.constant 9.99999993E-9 : f32
      %add3A_67 = vector.broadcast %add3A : f32 to vector<2048x1xf32>
      %add3A_68 = arith.addf %sqrt3A, %add3A_67 : vector<2048x1xf32>
      %div3A = vector.broadcast %add3A_68 : vector<2048x1xf32> to vector<2048x768xf32>
      %div3A_69 = arith.divf %get3A_64, %div3A : vector<2048x768xf32>
      %swap3A = arith.constant 0 : index
      %swap3A_70 = arith.constant 0 : index
      %swap3A_71 = vector.load %arg4[%swap3A, %swap3A_70] : memref<2048x768xf32, #tpu.memory_space<vmem>>, vector<2048x768xf32>
      tpu.vector_store %arg4[%swap3A, %swap3A_70], %div3A_69 {strides = array<i32>} : memref<2048x768xf32, #tpu.memory_space<vmem>>, vector<2048x768xf32>,
    } else {
    }
    %mul3A = arith.constant 256 : i32
    %mul3A_2 = arith.muli %arg1, %mul3A : i32
    %lt3A = arith.constant 1 : i32
    %lt3A_3 = arith.cmpi slt, %arg1, %lt3A : i32
    %convert_element_type3A_4 = arith.extui %lt3A_3 : i1 to i32
    %cond3A_5 = arith.constant 0 : i32
    %cond3A_6 = arith.cmpi ne, %convert_element_type3A_4, %cond3A_5 : i32
    scf.if %cond3A_6 {
      %get3A = arith.index_cast %mul3A_2 : i32 to index
      %get3A_61 = arith.constant 0 : index
      %get3A_62 = vector.load %arg4[%get3A, %get3A_61] : memref<2048x768xf32, #tpu.memory_space<vmem>>, vector<256x768xf32>
      %get3A_63 = arith.constant 0 : index
      %get3A_64 = arith.constant 0 : index
      %get3A_65 = vector.load %arg4[%get3A_63, %get3A_64] : memref<2048x768xf32, #tpu.memory_space<vmem>>, vector<256x768xf32>
      %dot_general3A = arith.constant dense<0.000000e+00> : vector<256x256xf32>
      %dot_general3A_66 = tpu.matmul %get3A_62, %get3A_65, %dot_general3A {dimension_numbers = #tpu.dot_dimension_numbers<[1], [1], [0], [0], [0, 0, 1, 0], [], []>, transpose_lhs_hint = false} : vector<256x768xf32>, vector<256x768xf32>, vector<256x256xf32> -> vector<256x256xf32>
      %iota3A = tpu.iota {dimensions = array<i32: 1>} : vector<256x256xi32>
      %iota3A_67 = tpu.iota {dimensions = array<i32: 0>} : vector<256x256xi32>
      %add3A = vector.broadcast %mul3A_2 : i32 to vector<256x256xi32>
      %add3A_68 = arith.addi %add3A, %iota3A_67 : vector<256x256xi32>
      %le3A = arith.cmpi sle, %iota3A, %add3A_68 : vector<256x256xi32>
      %jit3A = arith.constant -1.000000e+30 : f32
      %broadcast_in_dim3A = vector.broadcast %jit3A : f32 to vector<256x256xf32>
      %select_n3A = arith.select %le3A, %dot_general3A_66, %broadcast_in_dim3A : vector<256x256xi1>, vector<256x256xf32>
      %broadcast_in_dim3A_69 = arith.constant 0 : i32
      %broadcast_in_dim3A_70 = vector.broadcast %broadcast_in_dim3A_69 : i32 to vector<256x1xi32>
      %reduce_max3A = arith.constant dense<0xFF800000> : vector<256xf32>
      %reduce_max3A_71 = vector.multi_reduction <maximumf>, %select_n3A, %reduce_max3A [1] : vector<256x256xf32> to vector<256xf32>
      %broadcast_in_dim3A_72 = vector.shape_cast %reduce_max3A_71 : vector<256xf32> to vector<256x1xf32>
      %eq3A_73 = vector.broadcast %broadcast_in_dim3A_72 : vector<256x1xf32> to vector<256x256xf32>
      %eq3A_74 = arith.cmpf oeq, %select_n3A, %eq3A_73 : vector<256x256xf32>
      %jit3A_75 = arith.constant 1073741824 : i32
      %broadcast_in_dim3A_76 = vector.broadcast %jit3A_75 : i32 to vector<256x256xi32>
      %select_n3A_77 = arith.select %eq3A_74, %iota3A, %broadcast_in_dim3A_76 : vector<256x256xi1>, vector<256x256xi32>
      %reduce_min3A = arith.constant dense<2147483647> : vector<256xi32>
      %reduce_min3A_78 = vector.multi_reduction <minsi>, %select_n3A_77, %reduce_min3A [1] : vector<256x256xi32> to vector<256xi32>
      %broadcast_in_dim3A_79 = vector.shape_cast %reduce_min3A_78 : vector<256xi32> to vector<256x1xi32>
      %gt3A = arith.constant -1.000000e+29 : f32
      %gt3A_80 = vector.broadcast %gt3A : f32 to vector<256x1xf32>
      %gt3A_81 = arith.cmpf ogt, %broadcast_in_dim3A_72, %gt3A_80 : vector<256x1xf32>
      %mul3A_82 = arith.constant 2048 : i32
      %mul3A_83 = arith.muli %arg0, %mul3A_82 : i32
      %add3A_84 = vector.broadcast %mul3A_83 : i32 to vector<256x1xi32>
      %add3A_85 = arith.addi %add3A_84, %broadcast_in_dim3A_79 : vector<256x1xi32>
      %jit3A_86 = arith.constant 4096 : i32
      %broadcast_in_dim3A_87 = vector.broadcast %jit3A_86 : i32 to vector<256x1xi32>
      %select_n3A_88 = arith.select %gt3A_81, %add3A_85, %broadcast_in_dim3A_87 : vector<256x1xi1>, vector<256x1xi32>
      %swap3A = arith.constant 0 : index
      %swap3A_89 = arith.constant 0 : index
      %swap3A_90 = arith.constant 0 : index
      %swap3A_91 = vector.load %arg3[%swap3A, %swap3A_89, %swap3A_90] : memref<1x256x16xi32, #tpu.memory_space<vmem>>, vector<1x256x1xi32>
      %swap3A_92 = vector.shape_cast %swap3A_91 : vector<1x256x1xi32> to vector<256x1xi32>
      %swap3A_93 = vector.shape_cast %select_n3A_88 : vector<256x1xi32> to vector<1x256x1xi32>
      tpu.vector_store %arg3[%swap3A, %swap3A_89, %swap3A_90], %swap3A_93 {strides = array<i32>} : memref<1x256x16xi32, #tpu.memory_space<vmem>>, vector<1x256x1xi32>,
      %convert_element_type3A_94 = arith.extui %gt3A_81 : vector<256x1xi1> to vector<256x1xi32>
      %add3A_95 = arith.addi %broadcast_in_dim3A_70, %convert_element_type3A_94 : vector<256x1xi32>
      %lt3A_96 = vector.broadcast %broadcast_in_dim3A_72 : vector<256x1xf32> to vector<256x256xf32>
      %lt3A_97 = arith.cmpf olt, %select_n3A, %lt3A_96 : vector<256x256xf32>
      %jit3A_98 = arith.constant -1.000000e+30 : f32
      %broadcast_in_dim3A_99 = vector.broadcast %jit3A_98 : f32 to vector<256x256xf32>
      %select_n3A_100 = arith.select %lt3A_97, %select_n3A, %broadcast_in_dim3A_99 : vector<256x256xi1>, vector<256x256xf32>
      %reduce_max3A_101 = arith.constant dense<0xFF800000> : vector<256xf32>
      %reduce_max3A_102 = vector.multi_reduction <maximumf>, %select_n3A_100, %reduce_max3A_101 [1] : vector<256x256xf32> to vector<256xf32>
      %broadcast_in_dim3A_103 = vector.shape_cast %reduce_max3A_102 : vector<256xf32> to vector<256x1xf32>
      %eq3A_104 = vector.broadcast %broadcast_in_dim3A_103 : vector<256x1xf32> to vector<256x256xf32>
      %eq3A_105 = arith.cmpf oeq, %select_n3A_100, %eq3A_104 : vector<256x256xf32>
      %jit3A_106 = arith.constant 1073741824 : i32
      %broadcast_in_dim3A_107 = vector.broadcast %jit3A_106 : i32 to vector<256x256xi32>
      %select_n3A_108 = arith.select %eq3A_105, %iota3A, %broadcast_in_dim3A_107 : vector<256x256xi1>, vector<256x256xi32>
      %reduce_min3A_109 = arith.constant dense<2147483647> : vector<256xi32>
      %reduce_min3A_110 = vector.multi_reduction <minsi>, %select_n3A_108, %reduce_min3A_109 [1] : vector<256x256xi32> to vector<256xi32>
      %broadcast_in_dim3A_111 = vector.shape_cast %reduce_min3A_110 : vector<256xi32> to vector<256x1xi32>
      %gt3A_112 = arith.constant -1.000000e+29 : f32
      %gt3A_113 = vector.broadcast %gt3A_112 : f32 to vector<256x1xf32>
      %gt3A_114 = arith.cmpf ogt, %broadcast_in_dim3A_103, %gt3A_113 : vector<256x1xf32>
      %mul3A_115 = arith.constant 2048 : i32
      %mul3A_116 = arith.muli %arg0, %mul3A_115 : i32
      %add3A_117 = vector.broadcast %mul3A_116 : i32 to vector<256x1xi32>
      %add3A_118 = arith.addi %add3A_117, %broadcast_in_dim3A_111 : vector<256x1xi32>
      %jit3A_119 = arith.constant 4096 : i32
      %broadcast_in_dim3A_120 = vector.broadcast %jit3A_119 : i32 to vector<256x1xi32>
      %select_n3A_121 = arith.select %gt3A_114, %add3A_118, %broadcast_in_dim3A_120 : vector<256x1xi1>, vector<256x1xi32>
      %swap3A_122 = arith.constant 0 : index
      %swap3A_123 = arith.constant 0 : index
      %swap3A_124 = arith.constant 1 : index
      %swap3A_125 = vector.load %arg3[%swap3A_122, %swap3A_123, %swap3A_124] : memref<1x256x16xi32, #tpu.memory_space<vmem>>, vector<1x256x1xi32>
      %swap3A_126 = vector.shape_cast %swap3A_125 : vector<1x256x1xi32> to vector<256x1xi32>
      %swap3A_127 = vector.shape_cast %select_n3A_121 : vector<256x1xi32> to vector<1x256x1xi32>
      tpu.vector_store %arg3[%swap3A_122, %swap3A_123, %swap3A_124], %swap3A_127 {strides = array<i32>} : memref<1x256x16xi32, #tpu.memory_space<vmem>>, vector<1x256x1xi32>,
      %convert_element_type3A_128 = arith.extui %gt3A_114 : vector<256x1xi1> to vector<256x1xi32>
      %add3A_129 = arith.addi %add3A_95, %convert_element_type3A_128 : vector<256x1xi32>
      %lt3A_130 = vector.broadcast %broadcast_in_dim3A_103 : vector<256x1xf32> to vector<256x256xf32>
      %lt3A_131 = arith.cmpf olt, %select_n3A, %lt3A_130 : vector<256x256xf32>
      %jit3A_132 = arith.constant -1.000000e+30 : f32
      %broadcast_in_dim3A_133 = vector.broadcast %jit3A_132 : f32 to vector<256x256xf32>
      %select_n3A_134 = arith.select %lt3A_131, %select_n3A, %broadcast_in_dim3A_133 : vector<256x256xi1>, vector<256x256xf32>
      %reduce_max3A_135 = arith.constant dense<0xFF800000> : vector<256xf32>
      %reduce_max3A_136 = vector.multi_reduction <maximumf>, %select_n3A_134, %reduce_max3A_135 [1] : vector<256x256xf32> to vector<256xf32>
      %broadcast_in_dim3A_137 = vector.shape_cast %reduce_max3A_136 : vector<256xf32> to vector<256x1xf32>
      %eq3A_138 = vector.broadcast %broadcast_in_dim3A_137 : vector<256x1xf32> to vector<256x256xf32>
      %eq3A_139 = arith.cmpf oeq, %select_n3A_134, %eq3A_138 : vector<256x256xf32>
      %jit3A_140 = arith.constant 1073741824 : i32
      %broadcast_in_dim3A_141 = vector.broadcast %jit3A_140 : i32 to vector<256x256xi32>
      %select_n3A_142 = arith.select %eq3A_139, %iota3A, %broadcast_in_dim3A_141 : vector<256x256xi1>, vector<256x256xi32>
      %reduce_min3A_143 = arith.constant dense<2147483647> : vector<256xi32>
      %reduce_min3A_144 = vector.multi_reduction <minsi>, %select_n3A_142, %reduce_min3A_143 [1] : vector<256x256xi32> to vector<256xi32>
      %broadcast_in_dim3A_145 = vector.shape_cast %reduce_min3A_144 : vector<256xi32> to vector<256x1xi32>
      %gt3A_146 = arith.constant -1.000000e+29 : f32
      %gt3A_147 = vector.broadcast %gt3A_146 : f32 to vector<256x1xf32>
      %gt3A_148 = arith.cmpf ogt, %broadcast_in_dim3A_137, %gt3A_147 : vector<256x1xf32>
      %mul3A_149 = arith.constant 2048 : i32
      %mul3A_150 = arith.muli %arg0, %mul3A_149 : i32
      %add3A_151 = vector.broadcast %mul3A_150 : i32 to vector<256x1xi32>
      %add3A_152 = arith.addi %add3A_151, %broadcast_in_dim3A_145 : vector<256x1xi32>
      %jit3A_153 = arith.constant 4096 : i32
      %broadcast_in_dim3A_154 = vector.broadcast %jit3A_153 : i32 to vector<256x1xi32>
      %select_n3A_155 = arith.select %gt3A_148, %add3A_152, %broadcast_in_dim3A_154 : vector<256x1xi1>, vector<256x1xi32>
      %swap3A_156 = arith.constant 0 : index
      %swap3A_157 = arith.constant 0 : index
      %swap3A_158 = arith.constant 2 : index
      %swap3A_159 = vector.load %arg3[%swap3A_156, %swap3A_157, %swap3A_158] : memref<1x256x16xi32, #tpu.memory_space<vmem>>, vector<1x256x1xi32>
      %swap3A_160 = vector.shape_cast %swap3A_159 : vector<1x256x1xi32> to vector<256x1xi32>
      %swap3A_161 = vector.shape_cast %select_n3A_155 : vector<256x1xi32> to vector<1x256x1xi32>
      tpu.vector_store %arg3[%swap3A_156, %swap3A_157, %swap3A_158], %swap3A_161 {strides = array<i32>} : memref<1x256x16xi32, #tpu.memory_space<vmem>>, vector<1x256x1xi32>,
      %convert_element_type3A_162 = arith.extui %gt3A_148 : vector<256x1xi1> to vector<256x1xi32>
      %add3A_163 = arith.addi %add3A_129, %convert_element_type3A_162 : vector<256x1xi32>
      %lt3A_164 = vector.broadcast %broadcast_in_dim3A_137 : vector<256x1xf32> to vector<256x256xf32>
      %lt3A_165 = arith.cmpf olt, %select_n3A, %lt3A_164 : vector<256x256xf32>
      %jit3A_166 = arith.constant -1.000000e+30 : f32
      %broadcast_in_dim3A_167 = vector.broadcast %jit3A_166 : f32 to vector<256x256xf32>
      %select_n3A_168 = arith.select %lt3A_165, %select_n3A, %broadcast_in_dim3A_167 : vector<256x256xi1>, vector<256x256xf32>
      %reduce_max3A_169 = arith.constant dense<0xFF800000> : vector<256xf32>
      %reduce_max3A_170 = vector.multi_reduction <maximumf>, %select_n3A_168, %reduce_max3A_169 [1] : vector<256x256xf32> to vector<256xf32>
      %broadcast_in_dim3A_171 = vector.shape_cast %reduce_max3A_170 : vector<256xf32> to vector<256x1xf32>
      %eq3A_172 = vector.broadcast %broadcast_in_dim3A_171 : vector<256x1xf32> to vector<256x256xf32>
      %eq3A_173 = arith.cmpf oeq, %select_n3A_168, %eq3A_172 : vector<256x256xf32>
      %jit3A_174 = arith.constant 1073741824 : i32
      %broadcast_in_dim3A_175 = vector.broadcast %jit3A_174 : i32 to vector<256x256xi32>
      %select_n3A_176 = arith.select %eq3A_173, %iota3A, %broadcast_in_dim3A_175 : vector<256x256xi1>, vector<256x256xi32>
      %reduce_min3A_177 = arith.constant dense<2147483647> : vector<256xi32>
      %reduce_min3A_178 = vector.multi_reduction <minsi>, %select_n3A_176, %reduce_min3A_177 [1] : vector<256x256xi32> to vector<256xi32>
      %broadcast_in_dim3A_179 = vector.shape_cast %reduce_min3A_178 : vector<256xi32> to vector<256x1xi32>
      %gt3A_180 = arith.constant -1.000000e+29 : f32
      %gt3A_181 = vector.broadcast %gt3A_180 : f32 to vector<256x1xf32>
      %gt3A_182 = arith.cmpf ogt, %broadcast_in_dim3A_171, %gt3A_181 : vector<256x1xf32>
      %mul3A_183 = arith.constant 2048 : i32
      %mul3A_184 = arith.muli %arg0, %mul3A_183 : i32
      %add3A_185 = vector.broadcast %mul3A_184 : i32 to vector<256x1xi32>
      %add3A_186 = arith.addi %add3A_185, %broadcast_in_dim3A_179 : vector<256x1xi32>
      %jit3A_187 = arith.constant 4096 : i32
      %broadcast_in_dim3A_188 = vector.broadcast %jit3A_187 : i32 to vector<256x1xi32>
      %select_n3A_189 = arith.select %gt3A_182, %add3A_186, %broadcast_in_dim3A_188 : vector<256x1xi1>, vector<256x1xi32>
      %swap3A_190 = arith.constant 0 : index
      %swap3A_191 = arith.constant 0 : index
      %swap3A_192 = arith.constant 3 : index
      %swap3A_193 = vector.load %arg3[%swap3A_190, %swap3A_191, %swap3A_192] : memref<1x256x16xi32, #tpu.memory_space<vmem>>, vector<1x256x1xi32>
      %swap3A_194 = vector.shape_cast %swap3A_193 : vector<1x256x1xi32> to vector<256x1xi32>
      %swap3A_195 = vector.shape_cast %select_n3A_189 : vector<256x1xi32> to vector<1x256x1xi32>
      tpu.vector_store %arg3[%swap3A_190, %swap3A_191, %swap3A_192], %swap3A_195 {strides = array<i32>} : memref<1x256x16xi32, #tpu.memory_space<vmem>>, vector<1x256x1xi32>,
      %convert_element_type3A_196 = arith.extui %gt3A_182 : vector<256x1xi1> to vector<256x1xi32>
      %add3A_197 = arith.addi %add3A_163, %convert_element_type3A_196 : vector<256x1xi32>
      %lt3A_198 = vector.broadcast %broadcast_in_dim3A_171 : vector<256x1xf32> to vector<256x256xf32>
      %lt3A_199 = arith.cmpf olt, %select_n3A, %lt3A_198 : vector<256x256xf32>
      %jit3A_200 = arith.constant -1.000000e+30 : f32
      %broadcast_in_dim3A_201 = vector.broadcast %jit3A_200 : f32 to vector<256x256xf32>
      %select_n3A_202 = arith.select %lt3A_199, %select_n3A, %broadcast_in_dim3A_201 : vector<256x256xi1>, vector<256x256xf32>
      %reduce_max3A_203 = arith.constant dense<0xFF800000> : vector<256xf32>
      %reduce_max3A_204 = vector.multi_reduction <maximumf>, %select_n3A_202, %reduce_max3A_203 [1] : vector<256x256xf32> to vector<256xf32>
      %broadcast_in_dim3A_205 = vector.shape_cast %reduce_max3A_204 : vector<256xf32> to vector<256x1xf32>
      %eq3A_206 = vector.broadcast %broadcast_in_dim3A_205 : vector<256x1xf32> to vector<256x256xf32>
      %eq3A_207 = arith.cmpf oeq, %select_n3A_202, %eq3A_206 : vector<256x256xf32>
      %jit3A_208 = arith.constant 1073741824 : i32
      %broadcast_in_dim3A_209 = vector.broadcast %jit3A_208 : i32 to vector<256x256xi32>
      %select_n3A_210 = arith.select %eq3A_207, %iota3A, %broadcast_in_dim3A_209 : vector<256x256xi1>, vector<256x256xi32>
      %reduce_min3A_211 = arith.constant dense<2147483647> : vector<256xi32>
      %reduce_min3A_212 = vector.multi_reduction <minsi>, %select_n3A_210, %reduce_min3A_211 [1] : vector<256x256xi32> to vector<256xi32>
      %broadcast_in_dim3A_213 = vector.shape_cast %reduce_min3A_212 : vector<256xi32> to vector<256x1xi32>
      %gt3A_214 = arith.constant -1.000000e+29 : f32
      %gt3A_215 = vector.broadcast %gt3A_214 : f32 to vector<256x1xf32>
      %gt3A_216 = arith.cmpf ogt, %broadcast_in_dim3A_205, %gt3A_215 : vector<256x1xf32>
      %mul3A_217 = arith.constant 2048 : i32
      %mul3A_218 = arith.muli %arg0, %mul3A_217 : i32
      %add3A_219 = vector.broadcast %mul3A_218 : i32 to vector<256x1xi32>
      %add3A_220 = arith.addi %add3A_219, %broadcast_in_dim3A_213 : vector<256x1xi32>
      %jit3A_221 = arith.constant 4096 : i32
      %broadcast_in_dim3A_222 = vector.broadcast %jit3A_221 : i32 to vector<256x1xi32>
      %select_n3A_223 = arith.select %gt3A_216, %add3A_220, %broadcast_in_dim3A_222 : vector<256x1xi1>, vector<256x1xi32>
      %swap3A_224 = arith.constant 0 : index
      %swap3A_225 = arith.constant 0 : index
      %swap3A_226 = arith.constant 4 : index
      %swap3A_227 = vector.load %arg3[%swap3A_224, %swap3A_225, %swap3A_226] : memref<1x256x16xi32, #tpu.memory_space<vmem>>, vector<1x256x1xi32>
      %swap3A_228 = vector.shape_cast %swap3A_227 : vector<1x256x1xi32> to vector<256x1xi32>
      %swap3A_229 = vector.shape_cast %select_n3A_223 : vector<256x1xi32> to vector<1x256x1xi32>
      tpu.vector_store %arg3[%swap3A_224, %swap3A_225, %swap3A_226], %swap3A_229 {strides = array<i32>} : memref<1x256x16xi32, #tpu.memory_space<vmem>>, vector<1x256x1xi32>,
      %convert_element_type3A_230 = arith.extui %gt3A_216 : vector<256x1xi1> to vector<256x1xi32>
      %add3A_231 = arith.addi %add3A_197, %convert_element_type3A_230 : vector<256x1xi32>
      %lt3A_232 = vector.broadcast %broadcast_in_dim3A_205 : vector<256x1xf32> to vector<256x256xf32>
      %lt3A_233 = arith.cmpf olt, %select_n3A, %lt3A_232 : vector<256x256xf32>
      %jit3A_234 = arith.constant -1.000000e+30 : f32
      %broadcast_in_dim3A_235 = vector.broadcast %jit3A_234 : f32 to vector<256x256xf32>
      %select_n3A_236 = arith.select %lt3A_233, %select_n3A, %broadcast_in_dim3A_235 : vector<256x256xi1>, vector<256x256xf32>
      %reduce_max3A_237 = arith.constant dense<0xFF800000> : vector<256xf32>
      %reduce_max3A_238 = vector.multi_reduction <maximumf>, %select_n3A_236, %reduce_max3A_237 [1] : vector<256x256xf32> to vector<256xf32>
      %broadcast_in_dim3A_239 = vector.shape_cast %reduce_max3A_238 : vector<256xf32> to vector<256x1xf32>
      %eq3A_240 = vector.broadcast %broadcast_in_dim3A_239 : vector<256x1xf32> to vector<256x256xf32>
      %eq3A_241 = arith.cmpf oeq, %select_n3A_236, %eq3A_240 : vector<256x256xf32>
      %jit3A_242 = arith.constant 1073741824 : i32
      %broadcast_in_dim3A_243 = vector.broadcast %jit3A_242 : i32 to vector<256x256xi32>
      %select_n3A_244 = arith.select %eq3A_241, %iota3A, %broadcast_in_dim3A_243 : vector<256x256xi1>, vector<256x256xi32>
      %reduce_min3A_245 = arith.constant dense<2147483647> : vector<256xi32>
      %reduce_min3A_246 = vector.multi_reduction <minsi>, %select_n3A_244, %reduce_min3A_245 [1] : vector<256x256xi32> to vector<256xi32>
      %broadcast_in_dim3A_247 = vector.shape_cast %reduce_min3A_246 : vector<256xi32> to vector<256x1xi32>
      %gt3A_248 = arith.constant -1.000000e+29 : f32
      %gt3A_249 = vector.broadcast %gt3A_248 : f32 to vector<256x1xf32>
      %gt3A_250 = arith.cmpf ogt, %broadcast_in_dim3A_239, %gt3A_249 : vector<256x1xf32>
      %mul3A_251 = arith.constant 2048 : i32
      %mul3A_252 = arith.muli %arg0, %mul3A_251 : i32
      %add3A_253 = vector.broadcast %mul3A_252 : i32 to vector<256x1xi32>
      %add3A_254 = arith.addi %add3A_253, %broadcast_in_dim3A_247 : vector<256x1xi32>
      %jit3A_255 = arith.constant 4096 : i32
      %broadcast_in_dim3A_256 = vector.broadcast %jit3A_255 : i32 to vector<256x1xi32>
      %select_n3A_257 = arith.select %gt3A_250, %add3A_254, %broadcast_in_dim3A_256 : vector<256x1xi1>, vector<256x1xi32>
      %swap3A_258 = arith.constant 0 : index
      %swap3A_259 = arith.constant 0 : index
      %swap3A_260 = arith.constant 5 : index
      %swap3A_261 = vector.load %arg3[%swap3A_258, %swap3A_259, %swap3A_260] : memref<1x256x16xi32, #tpu.memory_space<vmem>>, vector<1x256x1xi32>
      %swap3A_262 = vector.shape_cast %swap3A_261 : vector<1x256x1xi32> to vector<256x1xi32>
      %swap3A_263 = vector.shape_cast %select_n3A_257 : vector<256x1xi32> to vector<1x256x1xi32>
      tpu.vector_store %arg3[%swap3A_258, %swap3A_259, %swap3A_260], %swap3A_263 {strides = array<i32>} : memref<1x256x16xi32, #tpu.memory_space<vmem>>, vector<1x256x1xi32>,
      %convert_element_type3A_264 = arith.extui %gt3A_250 : vector<256x1xi1> to vector<256x1xi32>
      %add3A_265 = arith.addi %add3A_231, %convert_element_type3A_264 : vector<256x1xi32>
      %lt3A_266 = vector.broadcast %broadcast_in_dim3A_239 : vector<256x1xf32> to vector<256x256xf32>
      %lt3A_267 = arith.cmpf olt, %select_n3A, %lt3A_266 : vector<256x256xf32>
      %jit3A_268 = arith.constant -1.000000e+30 : f32
      %broadcast_in_dim3A_269 = vector.broadcast %jit3A_268 : f32 to vector<256x256xf32>
      %select_n3A_270 = arith.select %lt3A_267, %select_n3A, %broadcast_in_dim3A_269 : vector<256x256xi1>, vector<256x256xf32>
      %reduce_max3A_271 = arith.constant dense<0xFF800000> : vector<256xf32>
      %reduce_max3A_272 = vector.multi_reduction <maximumf>, %select_n3A_270, %reduce_max3A_271 [1] : vector<256x256xf32> to vector<256xf32>
      %broadcast_in_dim3A_273 = vector.shape_cast %reduce_max3A_272 : vector<256xf32> to vector<256x1xf32>
      %eq3A_274 = vector.broadcast %broadcast_in_dim3A_273 : vector<256x1xf32> to vector<256x256xf32>
      %eq3A_275 = arith.cmpf oeq, %select_n3A_270, %eq3A_274 : vector<256x256xf32>
      %jit3A_276 = arith.constant 1073741824 : i32
      %broadcast_in_dim3A_277 = vector.broadcast %jit3A_276 : i32 to vector<256x256xi32>
      %select_n3A_278 = arith.select %eq3A_275, %iota3A, %broadcast_in_dim3A_277 : vector<256x256xi1>, vector<256x256xi32>
      %reduce_min3A_279 = arith.constant dense<2147483647> : vector<256xi32>
      %reduce_min3A_280 = vector.multi_reduction <minsi>, %select_n3A_278, %reduce_min3A_279 [1] : vector<256x256xi32> to vector<256xi32>
      %broadcast_in_dim3A_281 = vector.shape_cast %reduce_min3A_280 : vector<256xi32> to vector<256x1xi32>
      %gt3A_282 = arith.constant -1.000000e+29 : f32
      %gt3A_283 = vector.broadcast %gt3A_282 : f32 to vector<256x1xf32>
      %gt3A_284 = arith.cmpf ogt, %broadcast_in_dim3A_273, %gt3A_283 : vector<256x1xf32>
      %mul3A_285 = arith.constant 2048 : i32
      %mul3A_286 = arith.muli %arg0, %mul3A_285 : i32
      %add3A_287 = vector.broadcast %mul3A_286 : i32 to vector<256x1xi32>
      %add3A_288 = arith.addi %add3A_287, %broadcast_in_dim3A_281 : vector<256x1xi32>
      %jit3A_289 = arith.constant 4096 : i32
      %broadcast_in_dim3A_290 = vector.broadcast %jit3A_289 : i32 to vector<256x1xi32>
      %select_n3A_291 = arith.select %gt3A_284, %add3A_288, %broadcast_in_dim3A_290 : vector<256x1xi1>, vector<256x1xi32>
      %swap3A_292 = arith.constant 0 : index
      %swap3A_293 = arith.constant 0 : index
      %swap3A_294 = arith.constant 6 : index
      %swap3A_295 = vector.load %arg3[%swap3A_292, %swap3A_293, %swap3A_294] : memref<1x256x16xi32, #tpu.memory_space<vmem>>, vector<1x256x1xi32>
      %swap3A_296 = vector.shape_cast %swap3A_295 : vector<1x256x1xi32> to vector<256x1xi32>
      %swap3A_297 = vector.shape_cast %select_n3A_291 : vector<256x1xi32> to vector<1x256x1xi32>
      tpu.vector_store %arg3[%swap3A_292, %swap3A_293, %swap3A_294], %swap3A_297 {strides = array<i32>} : memref<1x256x16xi32, #tpu.memory_space<vmem>>, vector<1x256x1xi32>,
      %convert_element_type3A_298 = arith.extui %gt3A_284 : vector<256x1xi1> to vector<256x1xi32>
      %add3A_299 = arith.addi %add3A_265, %convert_element_type3A_298 : vector<256x1xi32>
      %lt3A_300 = vector.broadcast %broadcast_in_dim3A_273 : vector<256x1xf32> to vector<256x256xf32>
      %lt3A_301 = arith.cmpf olt, %select_n3A, %lt3A_300 : vector<256x256xf32>
      %jit3A_302 = arith.constant -1.000000e+30 : f32
      %broadcast_in_dim3A_303 = vector.broadcast %jit3A_302 : f32 to vector<256x256xf32>
      %select_n3A_304 = arith.select %lt3A_301, %select_n3A, %broadcast_in_dim3A_303 : vector<256x256xi1>, vector<256x256xf32>
      %reduce_max3A_305 = arith.constant dense<0xFF800000> : vector<256xf32>
      %reduce_max3A_306 = vector.multi_reduction <maximumf>, %select_n3A_304, %reduce_max3A_305 [1] : vector<256x256xf32> to vector<256xf32>
      %broadcast_in_dim3A_307 = vector.shape_cast %reduce_max3A_306 : vector<256xf32> to vector<256x1xf32>
      %eq3A_308 = vector.broadcast %broadcast_in_dim3A_307 : vector<256x1xf32> to vector<256x256xf32>
      %eq3A_309 = arith.cmpf oeq, %select_n3A_304, %eq3A_308 : vector<256x256xf32>
      %jit3A_310 = arith.constant 1073741824 : i32
      %broadcast_in_dim3A_311 = vector.broadcast %jit3A_310 : i32 to vector<256x256xi32>
      %select_n3A_312 = arith.select %eq3A_309, %iota3A, %broadcast_in_dim3A_311 : vector<256x256xi1>, vector<256x256xi32>
      %reduce_min3A_313 = arith.constant dense<2147483647> : vector<256xi32>
      %reduce_min3A_314 = vector.multi_reduction <minsi>, %select_n3A_312, %reduce_min3A_313 [1] : vector<256x256xi32> to vector<256xi32>
      %broadcast_in_dim3A_315 = vector.shape_cast %reduce_min3A_314 : vector<256xi32> to vector<256x1xi32>
      %gt3A_316 = arith.constant -1.000000e+29 : f32
      %gt3A_317 = vector.broadcast %gt3A_316 : f32 to vector<256x1xf32>
      %gt3A_318 = arith.cmpf ogt, %broadcast_in_dim3A_307, %gt3A_317 : vector<256x1xf32>
      %mul3A_319 = arith.constant 2048 : i32
      %mul3A_320 = arith.muli %arg0, %mul3A_319 : i32
      %add3A_321 = vector.broadcast %mul3A_320 : i32 to vector<256x1xi32>
      %add3A_322 = arith.addi %add3A_321, %broadcast_in_dim3A_315 : vector<256x1xi32>
      %jit3A_323 = arith.constant 4096 : i32
      %broadcast_in_dim3A_324 = vector.broadcast %jit3A_323 : i32 to vector<256x1xi32>
      %select_n3A_325 = arith.select %gt3A_318, %add3A_322, %broadcast_in_dim3A_324 : vector<256x1xi1>, vector<256x1xi32>
      %swap3A_326 = arith.constant 0 : index
      %swap3A_327 = arith.constant 0 : index
      %swap3A_328 = arith.constant 7 : index
      %swap3A_329 = vector.load %arg3[%swap3A_326, %swap3A_327, %swap3A_328] : memref<1x256x16xi32, #tpu.memory_space<vmem>>, vector<1x256x1xi32>
      %swap3A_330 = vector.shape_cast %swap3A_329 : vector<1x256x1xi32> to vector<256x1xi32>
      %swap3A_331 = vector.shape_cast %select_n3A_325 : vector<256x1xi32> to vector<1x256x1xi32>
      tpu.vector_store %arg3[%swap3A_326, %swap3A_327, %swap3A_328], %swap3A_331 {strides = array<i32>} : memref<1x256x16xi32, #tpu.memory_space<vmem>>, vector<1x256x1xi32>,
      %convert_element_type3A_332 = arith.extui %gt3A_318 : vector<256x1xi1> to vector<256x1xi32>
      %add3A_333 = arith.addi %add3A_299, %convert_element_type3A_332 : vector<256x1xi32>
      %swap3A_334 = arith.constant 0 : index
      %swap3A_335 = arith.constant 0 : index
      %swap3A_336 = arith.constant 8 : index
      %swap3A_337 = vector.load %arg3[%swap3A_334, %swap3A_335, %swap3A_336] : memref<1x256x16xi32, #tpu.memory_space<vmem>>, vector<1x256x1xi32>
      %swap3A_338 = vector.shape_cast %swap3A_337 : vector<1x256x1xi32> to vector<256x1xi32>
      %swap3A_339 = vector.shape_cast %add3A_333 : vector<256x1xi32> to vector<1x256x1xi32>
      tpu.vector_store %arg3[%swap3A_334, %swap3A_335, %swap3A_336], %swap3A_339 {strides = array<i32>} : memref<1x256x16xi32, #tpu.memory_space<vmem>>, vector<1x256x1xi32>,
    } else {
    }
    %ge3A = arith.constant 1 : i32
    %ge3A_7 = arith.cmpi sge, %arg1, %ge3A : i32
    %lt3A_8 = arith.constant 2 : i32
    %lt3A_9 = arith.cmpi slt, %arg1, %lt3A_8 : i32
    %and3A = arith.andi %ge3A_7, %lt3A_9 : i1
    %convert_element_type3A_10 = arith.extui %and3A : i1 to i32
    %cond3A_11 = arith.constant 0 : i32
    %cond3A_12 = arith.cmpi ne, %convert_element_type3A_10, %cond3A_11 : i32
    scf.if %cond3A_12 {
      %get3A = arith.index_cast %mul3A_2 : i32 to index
      %get3A_61 = arith.constant 0 : index
      %get3A_62 = vector.load %arg4[%get3A, %get3A_61] : memref<2048x768xf32, #tpu.memory_space<vmem>>, vector<256x768xf32>
      %get3A_63 = arith.constant 0 : index
      %get3A_64 = arith.constant 0 : index
      %get3A_65 = vector.load %arg4[%get3A_63, %get3A_64] : memref<2048x768xf32, #tpu.memory_space<vmem>>, vector<512x768xf32>
      %dot_general3A = arith.constant dense<0.000000e+00> : vector<256x512xf32>
      %dot_general3A_66 = tpu.matmul %get3A_62, %get3A_65, %dot_general3A {dimension_numbers = #tpu.dot_dimension_numbers<[1], [1], [0], [0], [0, 0, 1, 0], [], []>, transpose_lhs_hint = false} : vector<256x768xf32>, vector<512x768xf32>, vector<256x512xf32> -> vector<256x512xf32>
      %iota3A = tpu.iota {dimensions = array<i32: 1>} : vector<256x512xi32>
      %iota3A_67 = tpu.iota {dimensions = array<i32: 0>} : vector<256x512xi32>
      %add3A = vector.broadcast %mul3A_2 : i32 to vector<256x512xi32>
      %add3A_68 = arith.addi %add3A, %iota3A_67 : vector<256x512xi32>
      %le3A = arith.cmpi sle, %iota3A, %add3A_68 : vector<256x512xi32>
      %jit3A = arith.constant -1.000000e+30 : f32
      %broadcast_in_dim3A = vector.broadcast %jit3A : f32 to vector<256x512xf32>
      %select_n3A = arith.select %le3A, %dot_general3A_66, %broadcast_in_dim3A : vector<256x512xi1>, vector<256x512xf32>
      %broadcast_in_dim3A_69 = arith.constant 0 : i32
      %broadcast_in_dim3A_70 = vector.broadcast %broadcast_in_dim3A_69 : i32 to vector<256x1xi32>
      %reduce_max3A = arith.constant dense<0xFF800000> : vector<256xf32>
      %reduce_max3A_71 = vector.multi_reduction <maximumf>, %select_n3A, %reduce_max3A [1] : vector<256x512xf32> to vector<256xf32>
      %broadcast_in_dim3A_72 = vector.shape_cast %reduce_max3A_71 : vector<256xf32> to vector<256x1xf32>
      %eq3A_73 = vector.broadcast %broadcast_in_dim3A_72 : vector<256x1xf32> to vector<256x512xf32>
      %eq3A_74 = arith.cmpf oeq, %select_n3A, %eq3A_73 : vector<256x512xf32>
      %jit3A_75 = arith.constant 1073741824 : i32
      %broadcast_in_dim3A_76 = vector.broadcast %jit3A_75 : i32 to vector<256x512xi32>
      %select_n3A_77 = arith.select %eq3A_74, %iota3A, %broadcast_in_dim3A_76 : vector<256x512xi1>, vector<256x512xi32>
      %reduce_min3A = arith.constant dense<2147483647> : vector<256xi32>
      %reduce_min3A_78 = vector.multi_reduction <minsi>, %select_n3A_77, %reduce_min3A [1] : vector<256x512xi32> to vector<256xi32>
      %broadcast_in_dim3A_79 = vector.shape_cast %reduce_min3A_78 : vector<256xi32> to vector<256x1xi32>
      %gt3A = arith.constant -1.000000e+29 : f32
      %gt3A_80 = vector.broadcast %gt3A : f32 to vector<256x1xf32>
      %gt3A_81 = arith.cmpf ogt, %broadcast_in_dim3A_72, %gt3A_80 : vector<256x1xf32>
      %mul3A_82 = arith.constant 2048 : i32
      %mul3A_83 = arith.muli %arg0, %mul3A_82 : i32
      %add3A_84 = vector.broadcast %mul3A_83 : i32 to vector<256x1xi32>
      %add3A_85 = arith.addi %add3A_84, %broadcast_in_dim3A_79 : vector<256x1xi32>
      %jit3A_86 = arith.constant 4096 : i32
      %broadcast_in_dim3A_87 = vector.broadcast %jit3A_86 : i32 to vector<256x1xi32>
      %select_n3A_88 = arith.select %gt3A_81, %add3A_85, %broadcast_in_dim3A_87 : vector<256x1xi1>, vector<256x1xi32>
      %swap3A = arith.constant 0 : index
      %swap3A_89 = arith.constant 0 : index
      %swap3A_90 = arith.constant 0 : index
      %swap3A_91 = vector.load %arg3[%swap3A, %swap3A_89, %swap3A_90] : memref<1x256x16xi32, #tpu.memory_space<vmem>>, vector<1x256x1xi32>
      %swap3A_92 = vector.shape_cast %swap3A_91 : vector<1x256x1xi32> to vector<256x1xi32>
      %swap3A_93 = vector.shape_cast %select_n3A_88 : vector<256x1xi32> to vector<1x256x1xi32>
      tpu.vector_store %arg3[%swap3A, %swap3A_89, %swap3A_90], %swap3A_93 {strides = array<i32>} : memref<1x256x16xi32, #tpu.memory_space<vmem>>, vector<1x256x1xi32>,
      %convert_element_type3A_94 = arith.extui %gt3A_81 : vector<256x1xi1> to vector<256x1xi32>
      %add3A_95 = arith.addi %broadcast_in_dim3A_70, %convert_element_type3A_94 : vector<256x1xi32>
      %lt3A_96 = vector.broadcast %broadcast_in_dim3A_72 : vector<256x1xf32> to vector<256x512xf32>
      %lt3A_97 = arith.cmpf olt, %select_n3A, %lt3A_96 : vector<256x512xf32>
      %jit3A_98 = arith.constant -1.000000e+30 : f32
      %broadcast_in_dim3A_99 = vector.broadcast %jit3A_98 : f32 to vector<256x512xf32>
      %select_n3A_100 = arith.select %lt3A_97, %select_n3A, %broadcast_in_dim3A_99 : vector<256x512xi1>, vector<256x512xf32>
      %reduce_max3A_101 = arith.constant dense<0xFF800000> : vector<256xf32>
      %reduce_max3A_102 = vector.multi_reduction <maximumf>, %select_n3A_100, %reduce_max3A_101 [1] : vector<256x512xf32> to vector<256xf32>
      %broadcast_in_dim3A_103 = vector.shape_cast %reduce_max3A_102 : vector<256xf32> to vector<256x1xf32>
      %eq3A_104 = vector.broadcast %broadcast_in_dim3A_103 : vector<256x1xf32> to vector<256x512xf32>
      %eq3A_105 = arith.cmpf oeq, %select_n3A_100, %eq3A_104 : vector<256x512xf32>
      %jit3A_106 = arith.constant 1073741824 : i32
      %broadcast_in_dim3A_107 = vector.broadcast %jit3A_106 : i32 to vector<256x512xi32>
      %select_n3A_108 = arith.select %eq3A_105, %iota3A, %broadcast_in_dim3A_107 : vector<256x512xi1>, vector<256x512xi32>
      %reduce_min3A_109 = arith.constant dense<2147483647> : vector<256xi32>
      %reduce_min3A_110 = vector.multi_reduction <minsi>, %select_n3A_108, %reduce_min3A_109 [1] : vector<256x512xi32> to vector<256xi32>
      %broadcast_in_dim3A_111 = vector.shape_cast %reduce_min3A_110 : vector<256xi32> to vector<256x1xi32>
      %gt3A_112 = arith.constant -1.000000e+29 : f32
      %gt3A_113 = vector.broadcast %gt3A_112 : f32 to vector<256x1xf32>
      %gt3A_114 = arith.cmpf ogt, %broadcast_in_dim3A_103, %gt3A_113 : vector<256x1xf32>
      %mul3A_115 = arith.constant 2048 : i32
      %mul3A_116 = arith.muli %arg0, %mul3A_115 : i32
      %add3A_117 = vector.broadcast %mul3A_116 : i32 to vector<256x1xi32>
      %add3A_118 = arith.addi %add3A_117, %broadcast_in_dim3A_111 : vector<256x1xi32>
      %jit3A_119 = arith.constant 4096 : i32
      %broadcast_in_dim3A_120 = vector.broadcast %jit3A_119 : i32 to vector<256x1xi32>
      %select_n3A_121 = arith.select %gt3A_114, %add3A_118, %broadcast_in_dim3A_120 : vector<256x1xi1>, vector<256x1xi32>
      %swap3A_122 = arith.constant 0 : index
      %swap3A_123 = arith.constant 0 : index
      %swap3A_124 = arith.constant 1 : index
      %swap3A_125 = vector.load %arg3[%swap3A_122, %swap3A_123, %swap3A_124] : memref<1x256x16xi32, #tpu.memory_space<vmem>>, vector<1x256x1xi32>
      %swap3A_126 = vector.shape_cast %swap3A_125 : vector<1x256x1xi32> to vector<256x1xi32>
      %swap3A_127 = vector.shape_cast %select_n3A_121 : vector<256x1xi32> to vector<1x256x1xi32>
      tpu.vector_store %arg3[%swap3A_122, %swap3A_123, %swap3A_124], %swap3A_127 {strides = array<i32>} : memref<1x256x16xi32, #tpu.memory_space<vmem>>, vector<1x256x1xi32>,
      %convert_element_type3A_128 = arith.extui %gt3A_114 : vector<256x1xi1> to vector<256x1xi32>
      %add3A_129 = arith.addi %add3A_95, %convert_element_type3A_128 : vector<256x1xi32>
      %lt3A_130 = vector.broadcast %broadcast_in_dim3A_103 : vector<256x1xf32> to vector<256x512xf32>
      %lt3A_131 = arith.cmpf olt, %select_n3A, %lt3A_130 : vector<256x512xf32>
      %jit3A_132 = arith.constant -1.000000e+30 : f32
      %broadcast_in_dim3A_133 = vector.broadcast %jit3A_132 : f32 to vector<256x512xf32>
      %select_n3A_134 = arith.select %lt3A_131, %select_n3A, %broadcast_in_dim3A_133 : vector<256x512xi1>, vector<256x512xf32>
      %reduce_max3A_135 = arith.constant dense<0xFF800000> : vector<256xf32>
      %reduce_max3A_136 = vector.multi_reduction <maximumf>, %select_n3A_134, %reduce_max3A_135 [1] : vector<256x512xf32> to vector<256xf32>
      %broadcast_in_dim3A_137 = vector.shape_cast %reduce_max3A_136 : vector<256xf32> to vector<256x1xf32>
      %eq3A_138 = vector.broadcast %broadcast_in_dim3A_137 : vector<256x1xf32> to vector<256x512xf32>
      %eq3A_139 = arith.cmpf oeq, %select_n3A_134, %eq3A_138 : vector<256x512xf32>
      %jit3A_140 = arith.constant 1073741824 : i32
      %broadcast_in_dim3A_141 = vector.broadcast %jit3A_140 : i32 to vector<256x512xi32>
      %select_n3A_142 = arith.select %eq3A_139, %iota3A, %broadcast_in_dim3A_141 : vector<256x512xi1>, vector<256x512xi32>
      %reduce_min3A_143 = arith.constant dense<2147483647> : vector<256xi32>
      %reduce_min3A_144 = vector.multi_reduction <minsi>, %select_n3A_142, %reduce_min3A_143 [1] : vector<256x512xi32> to vector<256xi32>
      %broadcast_in_dim3A_145 = vector.shape_cast %reduce_min3A_144 : vector<256xi32> to vector<256x1xi32>
      %gt3A_146 = arith.constant -1.000000e+29 : f32
      %gt3A_147 = vector.broadcast %gt3A_146 : f32 to vector<256x1xf32>
      %gt3A_148 = arith.cmpf ogt, %broadcast_in_dim3A_137, %gt3A_147 : vector<256x1xf32>
      %mul3A_149 = arith.constant 2048 : i32
      %mul3A_150 = arith.muli %arg0, %mul3A_149 : i32
      %add3A_151 = vector.broadcast %mul3A_150 : i32 to vector<256x1xi32>
      %add3A_152 = arith.addi %add3A_151, %broadcast_in_dim3A_145 : vector<256x1xi32>
      %jit3A_153 = arith.constant 4096 : i32
      %broadcast_in_dim3A_154 = vector.broadcast %jit3A_153 : i32 to vector<256x1xi32>
      %select_n3A_155 = arith.select %gt3A_148, %add3A_152, %broadcast_in_dim3A_154 : vector<256x1xi1>, vector<256x1xi32>
      %swap3A_156 = arith.constant 0 : index
      %swap3A_157 = arith.constant 0 : index
      %swap3A_158 = arith.constant 2 : index
      %swap3A_159 = vector.load %arg3[%swap3A_156, %swap3A_157, %swap3A_158] : memref<1x256x16xi32, #tpu.memory_space<vmem>>, vector<1x256x1xi32>
      %swap3A_160 = vector.shape_cast %swap3A_159 : vector<1x256x1xi32> to vector<256x1xi32>
      %swap3A_161 = vector.shape_cast %select_n3A_155 : vector<256x1xi32> to vector<1x256x1xi32>
      tpu.vector_store %arg3[%swap3A_156, %swap3A_157, %swap3A_158], %swap3A_161 {strides = array<i32>} : memref<1x256x16xi32, #tpu.memory_space<vmem>>, vector<1x256x1xi32>,
      %convert_element_type3A_162 = arith.extui %gt3A_148 : vector<256x1xi1> to vector<256x1xi32>
      %add3A_163 = arith.addi %add3A_129, %convert_element_type3A_162 : vector<256x1xi32>
      %lt3A_164 = vector.broadcast %broadcast_in_dim3A_137 : vector<256x1xf32> to vector<256x512xf32>
      %lt3A_165 = arith.cmpf olt, %select_n3A, %lt3A_164 : vector<256x512xf32>
      %jit3A_166 = arith.constant -1.000000e+30 : f32
      %broadcast_in_dim3A_167 = vector.broadcast %jit3A_166 : f32 to vector<256x512xf32>
      %select_n3A_168 = arith.select %lt3A_165, %select_n3A, %broadcast_in_dim3A_167 : vector<256x512xi1>, vector<256x512xf32>
      %reduce_max3A_169 = arith.constant dense<0xFF800000> : vector<256xf32>
      %reduce_max3A_170 = vector.multi_reduction <maximumf>, %select_n3A_168, %reduce_max3A_169 [1] : vector<256x512xf32> to vector<256xf32>
      %broadcast_in_dim3A_171 = vector.shape_cast %reduce_max3A_170 : vector<256xf32> to vector<256x1xf32>
      %eq3A_172 = vector.broadcast %broadcast_in_dim3A_171 : vector<256x1xf32> to vector<256x512xf32>
      %eq3A_173 = arith.cmpf oeq, %select_n3A_168, %eq3A_172 : vector<256x512xf32>
      %jit3A_174 = arith.constant 1073741824 : i32
      %broadcast_in_dim3A_175 = vector.broadcast %jit3A_174 : i32 to vector<256x512xi32>
      %select_n3A_176 = arith.select %eq3A_173, %iota3A, %broadcast_in_dim3A_175 : vector<256x512xi1>, vector<256x512xi32>
      %reduce_min3A_177 = arith.constant dense<2147483647> : vector<256xi32>
      %reduce_min3A_178 = vector.multi_reduction <minsi>, %select_n3A_176, %reduce_min3A_177 [1] : vector<256x512xi32> to vector<256xi32>
      %broadcast_in_dim3A_179 = vector.shape_cast %reduce_min3A_178 : vector<256xi32> to vector<256x1xi32>
      %gt3A_180 = arith.constant -1.000000e+29 : f32
      %gt3A_181 = vector.broadcast %gt3A_180 : f32 to vector<256x1xf32>
      %gt3A_182 = arith.cmpf ogt, %broadcast_in_dim3A_171, %gt3A_181 : vector<256x1xf32>
      %mul3A_183 = arith.constant 2048 : i32
      %mul3A_184 = arith.muli %arg0, %mul3A_183 : i32
      %add3A_185 = vector.broadcast %mul3A_184 : i32 to vector<256x1xi32>
      %add3A_186 = arith.addi %add3A_185, %broadcast_in_dim3A_179 : vector<256x1xi32>
      %jit3A_187 = arith.constant 4096 : i32
      %broadcast_in_dim3A_188 = vector.broadcast %jit3A_187 : i32 to vector<256x1xi32>
      %select_n3A_189 = arith.select %gt3A_182, %add3A_186, %broadcast_in_dim3A_188 : vector<256x1xi1>, vector<256x1xi32>
      %swap3A_190 = arith.constant 0 : index
      %swap3A_191 = arith.constant 0 : index
      %swap3A_192 = arith.constant 3 : index
      %swap3A_193 = vector.load %arg3[%swap3A_190, %swap3A_191, %swap3A_192] : memref<1x256x16xi32, #tpu.memory_space<vmem>>, vector<1x256x1xi32>
      %swap3A_194 = vector.shape_cast %swap3A_193 : vector<1x256x1xi32> to vector<256x1xi32>
      %swap3A_195 = vector.shape_cast %select_n3A_189 : vector<256x1xi32> to vector<1x256x1xi32>
      tpu.vector_store %arg3[%swap3A_190, %swap3A_191, %swap3A_192], %swap3A_195 {strides = array<i32>} : memref<1x256x16xi32, #tpu.memory_space<vmem>>, vector<1x256x1xi32>,
      %convert_element_type3A_196 = arith.extui %gt3A_182 : vector<256x1xi1> to vector<256x1xi32>
      %add3A_197 = arith.addi %add3A_163, %convert_element_type3A_196 : vector<256x1xi32>
      %lt3A_198 = vector.broadcast %broadcast_in_dim3A_171 : vector<256x1xf32> to vector<256x512xf32>
      %lt3A_199 = arith.cmpf olt, %select_n3A, %lt3A_198 : vector<256x512xf32>
      %jit3A_200 = arith.constant -1.000000e+30 : f32
      %broadcast_in_dim3A_201 = vector.broadcast %jit3A_200 : f32 to vector<256x512xf32>
      %select_n3A_202 = arith.select %lt3A_199, %select_n3A, %broadcast_in_dim3A_201 : vector<256x512xi1>, vector<256x512xf32>
      %reduce_max3A_203 = arith.constant dense<0xFF800000> : vector<256xf32>
      %reduce_max3A_204 = vector.multi_reduction <maximumf>, %select_n3A_202, %reduce_max3A_203 [1] : vector<256x512xf32> to vector<256xf32>
      %broadcast_in_dim3A_205 = vector.shape_cast %reduce_max3A_204 : vector<256xf32> to vector<256x1xf32>
      %eq3A_206 = vector.broadcast %broadcast_in_dim3A_205 : vector<256x1xf32> to vector<256x512xf32>
      %eq3A_207 = arith.cmpf oeq, %select_n3A_202, %eq3A_206 : vector<256x512xf32>
      %jit3A_208 = arith.constant 1073741824 : i32
      %broadcast_in_dim3A_209 = vector.broadcast %jit3A_208 : i32 to vector<256x512xi32>
      %select_n3A_210 = arith.select %eq3A_207, %iota3A, %broadcast_in_dim3A_209 : vector<256x512xi1>, vector<256x512xi32>
      %reduce_min3A_211 = arith.constant dense<2147483647> : vector<256xi32>
      %reduce_min3A_212 = vector.multi_reduction <minsi>, %select_n3A_210, %reduce_min3A_211 [1] : vector<256x512xi32> to vector<256xi32>
      %broadcast_in_dim3A_213 = vector.shape_cast %reduce_min3A_212 : vector<256xi32> to vector<256x1xi32>
      %gt3A_214 = arith.constant -1.000000e+29 : f32
      %gt3A_215 = vector.broadcast %gt3A_214 : f32 to vector<256x1xf32>
      %gt3A_216 = arith.cmpf ogt, %broadcast_in_dim3A_205, %gt3A_215 : vector<256x1xf32>
      %mul3A_217 = arith.constant 2048 : i32
      %mul3A_218 = arith.muli %arg0, %mul3A_217 : i32
      %add3A_219 = vector.broadcast %mul3A_218 : i32 to vector<256x1xi32>
      %add3A_220 = arith.addi %add3A_219, %broadcast_in_dim3A_213 : vector<256x1xi32>
      %jit3A_221 = arith.constant 4096 : i32
      %broadcast_in_dim3A_222 = vector.broadcast %jit3A_221 : i32 to vector<256x1xi32>
      %select_n3A_223 = arith.select %gt3A_216, %add3A_220, %broadcast_in_dim3A_222 : vector<256x1xi1>, vector<256x1xi32>
      %swap3A_224 = arith.constant 0 : index
      %swap3A_225 = arith.constant 0 : index
      %swap3A_226 = arith.constant 4 : index
      %swap3A_227 = vector.load %arg3[%swap3A_224, %swap3A_225, %swap3A_226] : memref<1x256x16xi32, #tpu.memory_space<vmem>>, vector<1x256x1xi32>
      %swap3A_228 = vector.shape_cast %swap3A_227 : vector<1x256x1xi32> to vector<256x1xi32>
      %swap3A_229 = vector.shape_cast %select_n3A_223 : vector<256x1xi32> to vector<1x256x1xi32>
      tpu.vector_store %arg3[%swap3A_224, %swap3A_225, %swap3A_226], %swap3A_229 {strides = array<i32>} : memref<1x256x16xi32, #tpu.memory_space<vmem>>, vector<1x256x1xi32>,
      %convert_element_type3A_230 = arith.extui %gt3A_216 : vector<256x1xi1> to vector<256x1xi32>
      %add3A_231 = arith.addi %add3A_197, %convert_element_type3A_230 : vector<256x1xi32>
      %lt3A_232 = vector.broadcast %broadcast_in_dim3A_205 : vector<256x1xf32> to vector<256x512xf32>
      %lt3A_233 = arith.cmpf olt, %select_n3A, %lt3A_232 : vector<256x512xf32>
      %jit3A_234 = arith.constant -1.000000e+30 : f32
      %broadcast_in_dim3A_235 = vector.broadcast %jit3A_234 : f32 to vector<256x512xf32>
      %select_n3A_236 = arith.select %lt3A_233, %select_n3A, %broadcast_in_dim3A_235 : vector<256x512xi1>, vector<256x512xf32>
      %reduce_max3A_237 = arith.constant dense<0xFF800000> : vector<256xf32>
      %reduce_max3A_238 = vector.multi_reduction <maximumf>, %select_n3A_236, %reduce_max3A_237 [1] : vector<256x512xf32> to vector<256xf32>
      %broadcast_in_dim3A_239 = vector.shape_cast %reduce_max3A_238 : vector<256xf32> to vector<256x1xf32>
      %eq3A_240 = vector.broadcast %broadcast_in_dim3A_239 : vector<256x1xf32> to vector<256x512xf32>
      %eq3A_241 = arith.cmpf oeq, %select_n3A_236, %eq3A_240 : vector<256x512xf32>
      %jit3A_242 = arith.constant 1073741824 : i32
      %broadcast_in_dim3A_243 = vector.broadcast %jit3A_242 : i32 to vector<256x512xi32>
      %select_n3A_244 = arith.select %eq3A_241, %iota3A, %broadcast_in_dim3A_243 : vector<256x512xi1>, vector<256x512xi32>
      %reduce_min3A_245 = arith.constant dense<2147483647> : vector<256xi32>
      %reduce_min3A_246 = vector.multi_reduction <minsi>, %select_n3A_244, %reduce_min3A_245 [1] : vector<256x512xi32> to vector<256xi32>
      %broadcast_in_dim3A_247 = vector.shape_cast %reduce_min3A_246 : vector<256xi32> to vector<256x1xi32>
      %gt3A_248 = arith.constant -1.000000e+29 : f32
      %gt3A_249 = vector.broadcast %gt3A_248 : f32 to vector<256x1xf32>
      %gt3A_250 = arith.cmpf ogt, %broadcast_in_dim3A_239, %gt3A_249 : vector<256x1xf32>
      %mul3A_251 = arith.constant 2048 : i32
      %mul3A_252 = arith.muli %arg0, %mul3A_251 : i32
      %add3A_253 = vector.broadcast %mul3A_252 : i32 to vector<256x1xi32>
      %add3A_254 = arith.addi %add3A_253, %broadcast_in_dim3A_247 : vector<256x1xi32>
      %jit3A_255 = arith.constant 4096 : i32
      %broadcast_in_dim3A_256 = vector.broadcast %jit3A_255 : i32 to vector<256x1xi32>
      %select_n3A_257 = arith.select %gt3A_250, %add3A_254, %broadcast_in_dim3A_256 : vector<256x1xi1>, vector<256x1xi32>
      %swap3A_258 = arith.constant 0 : index
      %swap3A_259 = arith.constant 0 : index
      %swap3A_260 = arith.constant 5 : index
      %swap3A_261 = vector.load %arg3[%swap3A_258, %swap3A_259, %swap3A_260] : memref<1x256x16xi32, #tpu.memory_space<vmem>>, vector<1x256x1xi32>
      %swap3A_262 = vector.shape_cast %swap3A_261 : vector<1x256x1xi32> to vector<256x1xi32>
      %swap3A_263 = vector.shape_cast %select_n3A_257 : vector<256x1xi32> to vector<1x256x1xi32>
      tpu.vector_store %arg3[%swap3A_258, %swap3A_259, %swap3A_260], %swap3A_263 {strides = array<i32>} : memref<1x256x16xi32, #tpu.memory_space<vmem>>, vector<1x256x1xi32>,
      %convert_element_type3A_264 = arith.extui %gt3A_250 : vector<256x1xi1> to vector<256x1xi32>
      %add3A_265 = arith.addi %add3A_231, %convert_element_type3A_264 : vector<256x1xi32>
      %lt3A_266 = vector.broadcast %broadcast_in_dim3A_239 : vector<256x1xf32> to vector<256x512xf32>
      %lt3A_267 = arith.cmpf olt, %select_n3A, %lt3A_266 : vector<256x512xf32>
      %jit3A_268 = arith.constant -1.000000e+30 : f32
      %broadcast_in_dim3A_269 = vector.broadcast %jit3A_268 : f32 to vector<256x512xf32>
      %select_n3A_270 = arith.select %lt3A_267, %select_n3A, %broadcast_in_dim3A_269 : vector<256x512xi1>, vector<256x512xf32>
      %reduce_max3A_271 = arith.constant dense<0xFF800000> : vector<256xf32>
      %reduce_max3A_272 = vector.multi_reduction <maximumf>, %select_n3A_270, %reduce_max3A_271 [1] : vector<256x512xf32> to vector<256xf32>
      %broadcast_in_dim3A_273 = vector.shape_cast %reduce_max3A_272 : vector<256xf32> to vector<256x1xf32>
      %eq3A_274 = vector.broadcast %broadcast_in_dim3A_273 : vector<256x1xf32> to vector<256x512xf32>
      %eq3A_275 = arith.cmpf oeq, %select_n3A_270, %eq3A_274 : vector<256x512xf32>
      %jit3A_276 = arith.constant 1073741824 : i32
      %broadcast_in_dim3A_277 = vector.broadcast %jit3A_276 : i32 to vector<256x512xi32>
      %select_n3A_278 = arith.select %eq3A_275, %iota3A, %broadcast_in_dim3A_277 : vector<256x512xi1>, vector<256x512xi32>
      %reduce_min3A_279 = arith.constant dense<2147483647> : vector<256xi32>
      %reduce_min3A_280 = vector.multi_reduction <minsi>, %select_n3A_278, %reduce_min3A_279 [1] : vector<256x512xi32> to vector<256xi32>
      %broadcast_in_dim3A_281 = vector.shape_cast %reduce_min3A_280 : vector<256xi32> to vector<256x1xi32>
      %gt3A_282 = arith.constant -1.000000e+29 : f32
      %gt3A_283 = vector.broadcast %gt3A_282 : f32 to vector<256x1xf32>
      %gt3A_284 = arith.cmpf ogt, %broadcast_in_dim3A_273, %gt3A_283 : vector<256x1xf32>
      %mul3A_285 = arith.constant 2048 : i32
      %mul3A_286 = arith.muli %arg0, %mul3A_285 : i32
      %add3A_287 = vector.broadcast %mul3A_286 : i32 to vector<256x1xi32>
      %add3A_288 = arith.addi %add3A_287, %broadcast_in_dim3A_281 : vector<256x1xi32>
      %jit3A_289 = arith.constant 4096 : i32
      %broadcast_in_dim3A_290 = vector.broadcast %jit3A_289 : i32 to vector<256x1xi32>
      %select_n3A_291 = arith.select %gt3A_284, %add3A_288, %broadcast_in_dim3A_290 : vector<256x1xi1>, vector<256x1xi32>
      %swap3A_292 = arith.constant 0 : index
      %swap3A_293 = arith.constant 0 : index
      %swap3A_294 = arith.constant 6 : index
      %swap3A_295 = vector.load %arg3[%swap3A_292, %swap3A_293, %swap3A_294] : memref<1x256x16xi32, #tpu.memory_space<vmem>>, vector<1x256x1xi32>
      %swap3A_296 = vector.shape_cast %swap3A_295 : vector<1x256x1xi32> to vector<256x1xi32>
      %swap3A_297 = vector.shape_cast %select_n3A_291 : vector<256x1xi32> to vector<1x256x1xi32>
      tpu.vector_store %arg3[%swap3A_292, %swap3A_293, %swap3A_294], %swap3A_297 {strides = array<i32>} : memref<1x256x16xi32, #tpu.memory_space<vmem>>, vector<1x256x1xi32>,
      %convert_element_type3A_298 = arith.extui %gt3A_284 : vector<256x1xi1> to vector<256x1xi32>
      %add3A_299 = arith.addi %add3A_265, %convert_element_type3A_298 : vector<256x1xi32>
      %lt3A_300 = vector.broadcast %broadcast_in_dim3A_273 : vector<256x1xf32> to vector<256x512xf32>
      %lt3A_301 = arith.cmpf olt, %select_n3A, %lt3A_300 : vector<256x512xf32>
      %jit3A_302 = arith.constant -1.000000e+30 : f32
      %broadcast_in_dim3A_303 = vector.broadcast %jit3A_302 : f32 to vector<256x512xf32>
      %select_n3A_304 = arith.select %lt3A_301, %select_n3A, %broadcast_in_dim3A_303 : vector<256x512xi1>, vector<256x512xf32>
      %reduce_max3A_305 = arith.constant dense<0xFF800000> : vector<256xf32>
      %reduce_max3A_306 = vector.multi_reduction <maximumf>, %select_n3A_304, %reduce_max3A_305 [1] : vector<256x512xf32> to vector<256xf32>
      %broadcast_in_dim3A_307 = vector.shape_cast %reduce_max3A_306 : vector<256xf32> to vector<256x1xf32>
      %eq3A_308 = vector.broadcast %broadcast_in_dim3A_307 : vector<256x1xf32> to vector<256x512xf32>
      %eq3A_309 = arith.cmpf oeq, %select_n3A_304, %eq3A_308 : vector<256x512xf32>
      %jit3A_310 = arith.constant 1073741824 : i32
      %broadcast_in_dim3A_311 = vector.broadcast %jit3A_310 : i32 to vector<256x512xi32>
      %select_n3A_312 = arith.select %eq3A_309, %iota3A, %broadcast_in_dim3A_311 : vector<256x512xi1>, vector<256x512xi32>
      %reduce_min3A_313 = arith.constant dense<2147483647> : vector<256xi32>
      %reduce_min3A_314 = vector.multi_reduction <minsi>, %select_n3A_312, %reduce_min3A_313 [1] : vector<256x512xi32> to vector<256xi32>
      %broadcast_in_dim3A_315 = vector.shape_cast %reduce_min3A_314 : vector<256xi32> to vector<256x1xi32>
      %gt3A_316 = arith.constant -1.000000e+29 : f32
      %gt3A_317 = vector.broadcast %gt3A_316 : f32 to vector<256x1xf32>
      %gt3A_318 = arith.cmpf ogt, %broadcast_in_dim3A_307, %gt3A_317 : vector<256x1xf32>
      %mul3A_319 = arith.constant 2048 : i32
      %mul3A_320 = arith.muli %arg0, %mul3A_319 : i32
      %add3A_321 = vector.broadcast %mul3A_320 : i32 to vector<256x1xi32>
      %add3A_322 = arith.addi %add3A_321, %broadcast_in_dim3A_315 : vector<256x1xi32>
      %jit3A_323 = arith.constant 4096 : i32
      %broadcast_in_dim3A_324 = vector.broadcast %jit3A_323 : i32 to vector<256x1xi32>
      %select_n3A_325 = arith.select %gt3A_318, %add3A_322, %broadcast_in_dim3A_324 : vector<256x1xi1>, vector<256x1xi32>
      %swap3A_326 = arith.constant 0 : index
      %swap3A_327 = arith.constant 0 : index
      %swap3A_328 = arith.constant 7 : index
      %swap3A_329 = vector.load %arg3[%swap3A_326, %swap3A_327, %swap3A_328] : memref<1x256x16xi32, #tpu.memory_space<vmem>>, vector<1x256x1xi32>
      %swap3A_330 = vector.shape_cast %swap3A_329 : vector<1x256x1xi32> to vector<256x1xi32>
      %swap3A_331 = vector.shape_cast %select_n3A_325 : vector<256x1xi32> to vector<1x256x1xi32>
      tpu.vector_store %arg3[%swap3A_326, %swap3A_327, %swap3A_328], %swap3A_331 {strides = array<i32>} : memref<1x256x16xi32, #tpu.memory_space<vmem>>, vector<1x256x1xi32>,
      %convert_element_type3A_332 = arith.extui %gt3A_318 : vector<256x1xi1> to vector<256x1xi32>
      %add3A_333 = arith.addi %add3A_299, %convert_element_type3A_332 : vector<256x1xi32>
      %swap3A_334 = arith.constant 0 : index
      %swap3A_335 = arith.constant 0 : index
      %swap3A_336 = arith.constant 8 : index
      %swap3A_337 = vector.load %arg3[%swap3A_334, %swap3A_335, %swap3A_336] : memref<1x256x16xi32, #tpu.memory_space<vmem>>, vector<1x256x1xi32>
      %swap3A_338 = vector.shape_cast %swap3A_337 : vector<1x256x1xi32> to vector<256x1xi32>
      %swap3A_339 = vector.shape_cast %add3A_333 : vector<256x1xi32> to vector<1x256x1xi32>
      tpu.vector_store %arg3[%swap3A_334, %swap3A_335, %swap3A_336], %swap3A_339 {strides = array<i32>} : memref<1x256x16xi32, #tpu.memory_space<vmem>>, vector<1x256x1xi32>,
    } else {
    }
    %ge3A_13 = arith.constant 2 : i32
    %ge3A_14 = arith.cmpi sge, %arg1, %ge3A_13 : i32
    %lt3A_15 = arith.constant 3 : i32
    %lt3A_16 = arith.cmpi slt, %arg1, %lt3A_15 : i32
    %and3A_17 = arith.andi %ge3A_14, %lt3A_16 : i1
    %convert_element_type3A_18 = arith.extui %and3A_17 : i1 to i32
    %cond3A_19 = arith.constant 0 : i32
    %cond3A_20 = arith.cmpi ne, %convert_element_type3A_18, %cond3A_19 : i32
    scf.if %cond3A_20 {
      %get3A = arith.index_cast %mul3A_2 : i32 to index
      %get3A_61 = arith.constant 0 : index
      %get3A_62 = vector.load %arg4[%get3A, %get3A_61] : memref<2048x768xf32, #tpu.memory_space<vmem>>, vector<256x768xf32>
      %get3A_63 = arith.constant 0 : index
      %get3A_64 = arith.constant 0 : index
      %get3A_65 = vector.load %arg4[%get3A_63, %get3A_64] : memref<2048x768xf32, #tpu.memory_space<vmem>>, vector<768x768xf32>
      %dot_general3A = arith.constant dense<0.000000e+00> : vector<256x768xf32>
      %dot_general3A_66 = tpu.matmul %get3A_62, %get3A_65, %dot_general3A {dimension_numbers = #tpu.dot_dimension_numbers<[1], [1], [0], [0], [0, 0, 1, 0], [], []>, transpose_lhs_hint = false} : vector<256x768xf32>, vector<768x768xf32>, vector<256x768xf32> -> vector<256x768xf32>
      %iota3A = tpu.iota {dimensions = array<i32: 1>} : vector<256x768xi32>
      %iota3A_67 = tpu.iota {dimensions = array<i32: 0>} : vector<256x768xi32>
      %add3A = vector.broadcast %mul3A_2 : i32 to vector<256x768xi32>
      %add3A_68 = arith.addi %add3A, %iota3A_67 : vector<256x768xi32>
      %le3A = arith.cmpi sle, %iota3A, %add3A_68 : vector<256x768xi32>
      %jit3A = arith.constant -1.000000e+30 : f32
      %broadcast_in_dim3A = vector.broadcast %jit3A : f32 to vector<256x768xf32>
      %select_n3A = arith.select %le3A, %dot_general3A_66, %broadcast_in_dim3A : vector<256x768xi1>, vector<256x768xf32>
      %broadcast_in_dim3A_69 = arith.constant 0 : i32
      %broadcast_in_dim3A_70 = vector.broadcast %broadcast_in_dim3A_69 : i32 to vector<256x1xi32>
      %reduce_max3A = arith.constant dense<0xFF800000> : vector<256xf32>
      %reduce_max3A_71 = vector.multi_reduction <maximumf>, %select_n3A, %reduce_max3A [1] : vector<256x768xf32> to vector<256xf32>
      %broadcast_in_dim3A_72 = vector.shape_cast %reduce_max3A_71 : vector<256xf32> to vector<256x1xf32>
      %eq3A_73 = vector.broadcast %broadcast_in_dim3A_72 : vector<256x1xf32> to vector<256x768xf32>
      %eq3A_74 = arith.cmpf oeq, %select_n3A, %eq3A_73 : vector<256x768xf32>
      %jit3A_75 = arith.constant 1073741824 : i32
      %broadcast_in_dim3A_76 = vector.broadcast %jit3A_75 : i32 to vector<256x768xi32>
      %select_n3A_77 = arith.select %eq3A_74, %iota3A, %broadcast_in_dim3A_76 : vector<256x768xi1>, vector<256x768xi32>
      %reduce_min3A = arith.constant dense<2147483647> : vector<256xi32>
      %reduce_min3A_78 = vector.multi_reduction <minsi>, %select_n3A_77, %reduce_min3A [1] : vector<256x768xi32> to vector<256xi32>
      %broadcast_in_dim3A_79 = vector.shape_cast %reduce_min3A_78 : vector<256xi32> to vector<256x1xi32>
      %gt3A = arith.constant -1.000000e+29 : f32
      %gt3A_80 = vector.broadcast %gt3A : f32 to vector<256x1xf32>
      %gt3A_81 = arith.cmpf ogt, %broadcast_in_dim3A_72, %gt3A_80 : vector<256x1xf32>
      %mul3A_82 = arith.constant 2048 : i32
      %mul3A_83 = arith.muli %arg0, %mul3A_82 : i32
      %add3A_84 = vector.broadcast %mul3A_83 : i32 to vector<256x1xi32>
      %add3A_85 = arith.addi %add3A_84, %broadcast_in_dim3A_79 : vector<256x1xi32>
      %jit3A_86 = arith.constant 4096 : i32
      %broadcast_in_dim3A_87 = vector.broadcast %jit3A_86 : i32 to vector<256x1xi32>
      %select_n3A_88 = arith.select %gt3A_81, %add3A_85, %broadcast_in_dim3A_87 : vector<256x1xi1>, vector<256x1xi32>
      %swap3A = arith.constant 0 : index
      %swap3A_89 = arith.constant 0 : index
      %swap3A_90 = arith.constant 0 : index
      %swap3A_91 = vector.load %arg3[%swap3A, %swap3A_89, %swap3A_90] : memref<1x256x16xi32, #tpu.memory_space<vmem>>, vector<1x256x1xi32>
      %swap3A_92 = vector.shape_cast %swap3A_91 : vector<1x256x1xi32> to vector<256x1xi32>
      %swap3A_93 = vector.shape_cast %select_n3A_88 : vector<256x1xi32> to vector<1x256x1xi32>
      tpu.vector_store %arg3[%swap3A, %swap3A_89, %swap3A_90], %swap3A_93 {strides = array<i32>} : memref<1x256x16xi32, #tpu.memory_space<vmem>>, vector<1x256x1xi32>,
      %convert_element_type3A_94 = arith.extui %gt3A_81 : vector<256x1xi1> to vector<256x1xi32>
      %add3A_95 = arith.addi %broadcast_in_dim3A_70, %convert_element_type3A_94 : vector<256x1xi32>
      %lt3A_96 = vector.broadcast %broadcast_in_dim3A_72 : vector<256x1xf32> to vector<256x768xf32>
      %lt3A_97 = arith.cmpf olt, %select_n3A, %lt3A_96 : vector<256x768xf32>
      %jit3A_98 = arith.constant -1.000000e+30 : f32
      %broadcast_in_dim3A_99 = vector.broadcast %jit3A_98 : f32 to vector<256x768xf32>
      %select_n3A_100 = arith.select %lt3A_97, %select_n3A, %broadcast_in_dim3A_99 : vector<256x768xi1>, vector<256x768xf32>
      %reduce_max3A_101 = arith.constant dense<0xFF800000> : vector<256xf32>
      %reduce_max3A_102 = vector.multi_reduction <maximumf>, %select_n3A_100, %reduce_max3A_101 [1] : vector<256x768xf32> to vector<256xf32>
      %broadcast_in_dim3A_103 = vector.shape_cast %reduce_max3A_102 : vector<256xf32> to vector<256x1xf32>
      %eq3A_104 = vector.broadcast %broadcast_in_dim3A_103 : vector<256x1xf32> to vector<256x768xf32>
      %eq3A_105 = arith.cmpf oeq, %select_n3A_100, %eq3A_104 : vector<256x768xf32>
      %jit3A_106 = arith.constant 1073741824 : i32
      %broadcast_in_dim3A_107 = vector.broadcast %jit3A_106 : i32 to vector<256x768xi32>
      %select_n3A_108 = arith.select %eq3A_105, %iota3A, %broadcast_in_dim3A_107 : vector<256x768xi1>, vector<256x768xi32>
      %reduce_min3A_109 = arith.constant dense<2147483647> : vector<256xi32>
      %reduce_min3A_110 = vector.multi_reduction <minsi>, %select_n3A_108, %reduce_min3A_109 [1] : vector<256x768xi32> to vector<256xi32>
      %broadcast_in_dim3A_111 = vector.shape_cast %reduce_min3A_110 : vector<256xi32> to vector<256x1xi32>
      %gt3A_112 = arith.constant -1.000000e+29 : f32
      %gt3A_113 = vector.broadcast %gt3A_112 : f32 to vector<256x1xf32>
      %gt3A_114 = arith.cmpf ogt, %broadcast_in_dim3A_103, %gt3A_113 : vector<256x1xf32>
      %mul3A_115 = arith.constant 2048 : i32
      %mul3A_116 = arith.muli %arg0, %mul3A_115 : i32
      %add3A_117 = vector.broadcast %mul3A_116 : i32 to vector<256x1xi32>
      %add3A_118 = arith.addi %add3A_117, %broadcast_in_dim3A_111 : vector<256x1xi32>
      %jit3A_119 = arith.constant 4096 : i32
      %broadcast_in_dim3A_120 = vector.broadcast %jit3A_119 : i32 to vector<256x1xi32>
      %select_n3A_121 = arith.select %gt3A_114, %add3A_118, %broadcast_in_dim3A_120 : vector<256x1xi1>, vector<256x1xi32>
      %swap3A_122 = arith.constant 0 : index
      %swap3A_123 = arith.constant 0 : index
      %swap3A_124 = arith.constant 1 : index
      %swap3A_125 = vector.load %arg3[%swap3A_122, %swap3A_123, %swap3A_124] : memref<1x256x16xi32, #tpu.memory_space<vmem>>, vector<1x256x1xi32>
      %swap3A_126 = vector.shape_cast %swap3A_125 : vector<1x256x1xi32> to vector<256x1xi32>
      %swap3A_127 = vector.shape_cast %select_n3A_121 : vector<256x1xi32> to vector<1x256x1xi32>
      tpu.vector_store %arg3[%swap3A_122, %swap3A_123, %swap3A_124], %swap3A_127 {strides = array<i32>} : memref<1x256x16xi32, #tpu.memory_space<vmem>>, vector<1x256x1xi32>,
      %convert_element_type3A_128 = arith.extui %gt3A_114 : vector<256x1xi1> to vector<256x1xi32>
      %add3A_129 = arith.addi %add3A_95, %convert_element_type3A_128 : vector<256x1xi32>
      %lt3A_130 = vector.broadcast %broadcast_in_dim3A_103 : vector<256x1xf32> to vector<256x768xf32>
      %lt3A_131 = arith.cmpf olt, %select_n3A, %lt3A_130 : vector<256x768xf32>
      %jit3A_132 = arith.constant -1.000000e+30 : f32
      %broadcast_in_dim3A_133 = vector.broadcast %jit3A_132 : f32 to vector<256x768xf32>
      %select_n3A_134 = arith.select %lt3A_131, %select_n3A, %broadcast_in_dim3A_133 : vector<256x768xi1>, vector<256x768xf32>
      %reduce_max3A_135 = arith.constant dense<0xFF800000> : vector<256xf32>
      %reduce_max3A_136 = vector.multi_reduction <maximumf>, %select_n3A_134, %reduce_max3A_135 [1] : vector<256x768xf32> to vector<256xf32>
      %broadcast_in_dim3A_137 = vector.shape_cast %reduce_max3A_136 : vector<256xf32> to vector<256x1xf32>
      %eq3A_138 = vector.broadcast %broadcast_in_dim3A_137 : vector<256x1xf32> to vector<256x768xf32>
      %eq3A_139 = arith.cmpf oeq, %select_n3A_134, %eq3A_138 : vector<256x768xf32>
      %jit3A_140 = arith.constant 1073741824 : i32
      %broadcast_in_dim3A_141 = vector.broadcast %jit3A_140 : i32 to vector<256x768xi32>
      %select_n3A_142 = arith.select %eq3A_139, %iota3A, %broadcast_in_dim3A_141 : vector<256x768xi1>, vector<256x768xi32>
      %reduce_min3A_143 = arith.constant dense<2147483647> : vector<256xi32>
      %reduce_min3A_144 = vector.multi_reduction <minsi>, %select_n3A_142, %reduce_min3A_143 [1] : vector<256x768xi32> to vector<256xi32>
      %broadcast_in_dim3A_145 = vector.shape_cast %reduce_min3A_144 : vector<256xi32> to vector<256x1xi32>
      %gt3A_146 = arith.constant -1.000000e+29 : f32
      %gt3A_147 = vector.broadcast %gt3A_146 : f32 to vector<256x1xf32>
      %gt3A_148 = arith.cmpf ogt, %broadcast_in_dim3A_137, %gt3A_147 : vector<256x1xf32>
      %mul3A_149 = arith.constant 2048 : i32
      %mul3A_150 = arith.muli %arg0, %mul3A_149 : i32
      %add3A_151 = vector.broadcast %mul3A_150 : i32 to vector<256x1xi32>
      %add3A_152 = arith.addi %add3A_151, %broadcast_in_dim3A_145 : vector<256x1xi32>
      %jit3A_153 = arith.constant 4096 : i32
      %broadcast_in_dim3A_154 = vector.broadcast %jit3A_153 : i32 to vector<256x1xi32>
      %select_n3A_155 = arith.select %gt3A_148, %add3A_152, %broadcast_in_dim3A_154 : vector<256x1xi1>, vector<256x1xi32>
      %swap3A_156 = arith.constant 0 : index
      %swap3A_157 = arith.constant 0 : index
      %swap3A_158 = arith.constant 2 : index
      %swap3A_159 = vector.load %arg3[%swap3A_156, %swap3A_157, %swap3A_158] : memref<1x256x16xi32, #tpu.memory_space<vmem>>, vector<1x256x1xi32>
      %swap3A_160 = vector.shape_cast %swap3A_159 : vector<1x256x1xi32> to vector<256x1xi32>
      %swap3A_161 = vector.shape_cast %select_n3A_155 : vector<256x1xi32> to vector<1x256x1xi32>
      tpu.vector_store %arg3[%swap3A_156, %swap3A_157, %swap3A_158], %swap3A_161 {strides = array<i32>} : memref<1x256x16xi32, #tpu.memory_space<vmem>>, vector<1x256x1xi32>,
      %convert_element_type3A_162 = arith.extui %gt3A_148 : vector<256x1xi1> to vector<256x1xi32>
      %add3A_163 = arith.addi %add3A_129, %convert_element_type3A_162 : vector<256x1xi32>
      %lt3A_164 = vector.broadcast %broadcast_in_dim3A_137 : vector<256x1xf32> to vector<256x768xf32>
      %lt3A_165 = arith.cmpf olt, %select_n3A, %lt3A_164 : vector<256x768xf32>
      %jit3A_166 = arith.constant -1.000000e+30 : f32
      %broadcast_in_dim3A_167 = vector.broadcast %jit3A_166 : f32 to vector<256x768xf32>
      %select_n3A_168 = arith.select %lt3A_165, %select_n3A, %broadcast_in_dim3A_167 : vector<256x768xi1>, vector<256x768xf32>
      %reduce_max3A_169 = arith.constant dense<0xFF800000> : vector<256xf32>
      %reduce_max3A_170 = vector.multi_reduction <maximumf>, %select_n3A_168, %reduce_max3A_169 [1] : vector<256x768xf32> to vector<256xf32>
      %broadcast_in_dim3A_171 = vector.shape_cast %reduce_max3A_170 : vector<256xf32> to vector<256x1xf32>
      %eq3A_172 = vector.broadcast %broadcast_in_dim3A_171 : vector<256x1xf32> to vector<256x768xf32>
      %eq3A_173 = arith.cmpf oeq, %select_n3A_168, %eq3A_172 : vector<256x768xf32>
      %jit3A_174 = arith.constant 1073741824 : i32
      %broadcast_in_dim3A_175 = vector.broadcast %jit3A_174 : i32 to vector<256x768xi32>
      %select_n3A_176 = arith.select %eq3A_173, %iota3A, %broadcast_in_dim3A_175 : vector<256x768xi1>, vector<256x768xi32>
      %reduce_min3A_177 = arith.constant dense<2147483647> : vector<256xi32>
      %reduce_min3A_178 = vector.multi_reduction <minsi>, %select_n3A_176, %reduce_min3A_177 [1] : vector<256x768xi32> to vector<256xi32>
      %broadcast_in_dim3A_179 = vector.shape_cast %reduce_min3A_178 : vector<256xi32> to vector<256x1xi32>
      %gt3A_180 = arith.constant -1.000000e+29 : f32
      %gt3A_181 = vector.broadcast %gt3A_180 : f32 to vector<256x1xf32>
      %gt3A_182 = arith.cmpf ogt, %broadcast_in_dim3A_171, %gt3A_181 : vector<256x1xf32>
      %mul3A_183 = arith.constant 2048 : i32
      %mul3A_184 = arith.muli %arg0, %mul3A_183 : i32
      %add3A_185 = vector.broadcast %mul3A_184 : i32 to vector<256x1xi32>
      %add3A_186 = arith.addi %add3A_185, %broadcast_in_dim3A_179 : vector<256x1xi32>
      %jit3A_187 = arith.constant 4096 : i32
      %broadcast_in_dim3A_188 = vector.broadcast %jit3A_187 : i32 to vector<256x1xi32>
      %select_n3A_189 = arith.select %gt3A_182, %add3A_186, %broadcast_in_dim3A_188 : vector<256x1xi1>, vector<256x1xi32>
      %swap3A_190 = arith.constant 0 : index
      %swap3A_191 = arith.constant 0 : index
      %swap3A_192 = arith.constant 3 : index
      %swap3A_193 = vector.load %arg3[%swap3A_190, %swap3A_191, %swap3A_192] : memref<1x256x16xi32, #tpu.memory_space<vmem>>, vector<1x256x1xi32>
      %swap3A_194 = vector.shape_cast %swap3A_193 : vector<1x256x1xi32> to vector<256x1xi32>
      %swap3A_195 = vector.shape_cast %select_n3A_189 : vector<256x1xi32> to vector<1x256x1xi32>
      tpu.vector_store %arg3[%swap3A_190, %swap3A_191, %swap3A_192], %swap3A_195 {strides = array<i32>} : memref<1x256x16xi32, #tpu.memory_space<vmem>>, vector<1x256x1xi32>,
      %convert_element_type3A_196 = arith.extui %gt3A_182 : vector<256x1xi1> to vector<256x1xi32>
      %add3A_197 = arith.addi %add3A_163, %convert_element_type3A_196 : vector<256x1xi32>
      %lt3A_198 = vector.broadcast %broadcast_in_dim3A_171 : vector<256x1xf32> to vector<256x768xf32>
      %lt3A_199 = arith.cmpf olt, %select_n3A, %lt3A_198 : vector<256x768xf32>
      %jit3A_200 = arith.constant -1.000000e+30 : f32
      %broadcast_in_dim3A_201 = vector.broadcast %jit3A_200 : f32 to vector<256x768xf32>
      %select_n3A_202 = arith.select %lt3A_199, %select_n3A, %broadcast_in_dim3A_201 : vector<256x768xi1>, vector<256x768xf32>
      %reduce_max3A_203 = arith.constant dense<0xFF800000> : vector<256xf32>
      %reduce_max3A_204 = vector.multi_reduction <maximumf>, %select_n3A_202, %reduce_max3A_203 [1] : vector<256x768xf32> to vector<256xf32>
      %broadcast_in_dim3A_205 = vector.shape_cast %reduce_max3A_204 : vector<256xf32> to vector<256x1xf32>
      %eq3A_206 = vector.broadcast %broadcast_in_dim3A_205 : vector<256x1xf32> to vector<256x768xf32>
      %eq3A_207 = arith.cmpf oeq, %select_n3A_202, %eq3A_206 : vector<256x768xf32>
      %jit3A_208 = arith.constant 1073741824 : i32
      %broadcast_in_dim3A_209 = vector.broadcast %jit3A_208 : i32 to vector<256x768xi32>
      %select_n3A_210 = arith.select %eq3A_207, %iota3A, %broadcast_in_dim3A_209 : vector<256x768xi1>, vector<256x768xi32>
      %reduce_min3A_211 = arith.constant dense<2147483647> : vector<256xi32>
      %reduce_min3A_212 = vector.multi_reduction <minsi>, %select_n3A_210, %reduce_min3A_211 [1] : vector<256x768xi32> to vector<256xi32>
      %broadcast_in_dim3A_213 = vector.shape_cast %reduce_min3A_212 : vector<256xi32> to vector<256x1xi32>
      %gt3A_214 = arith.constant -1.000000e+29 : f32
      %gt3A_215 = vector.broadcast %gt3A_214 : f32 to vector<256x1xf32>
      %gt3A_216 = arith.cmpf ogt, %broadcast_in_dim3A_205, %gt3A_215 : vector<256x1xf32>
      %mul3A_217 = arith.constant 2048 : i32
      %mul3A_218 = arith.muli %arg0, %mul3A_217 : i32
      %add3A_219 = vector.broadcast %mul3A_218 : i32 to vector<256x1xi32>
      %add3A_220 = arith.addi %add3A_219, %broadcast_in_dim3A_213 : vector<256x1xi32>
      %jit3A_221 = arith.constant 4096 : i32
      %broadcast_in_dim3A_222 = vector.broadcast %jit3A_221 : i32 to vector<256x1xi32>
      %select_n3A_223 = arith.select %gt3A_216, %add3A_220, %broadcast_in_dim3A_222 : vector<256x1xi1>, vector<256x1xi32>
      %swap3A_224 = arith.constant 0 : index
      %swap3A_225 = arith.constant 0 : index
      %swap3A_226 = arith.constant 4 : index
      %swap3A_227 = vector.load %arg3[%swap3A_224, %swap3A_225, %swap3A_226] : memref<1x256x16xi32, #tpu.memory_space<vmem>>, vector<1x256x1xi32>
      %swap3A_228 = vector.shape_cast %swap3A_227 : vector<1x256x1xi32> to vector<256x1xi32>
      %swap3A_229 = vector.shape_cast %select_n3A_223 : vector<256x1xi32> to vector<1x256x1xi32>
      tpu.vector_store %arg3[%swap3A_224, %swap3A_225, %swap3A_226], %swap3A_229 {strides = array<i32>} : memref<1x256x16xi32, #tpu.memory_space<vmem>>, vector<1x256x1xi32>,
      %convert_element_type3A_230 = arith.extui %gt3A_216 : vector<256x1xi1> to vector<256x1xi32>
      %add3A_231 = arith.addi %add3A_197, %convert_element_type3A_230 : vector<256x1xi32>
      %lt3A_232 = vector.broadcast %broadcast_in_dim3A_205 : vector<256x1xf32> to vector<256x768xf32>
      %lt3A_233 = arith.cmpf olt, %select_n3A, %lt3A_232 : vector<256x768xf32>
      %jit3A_234 = arith.constant -1.000000e+30 : f32
      %broadcast_in_dim3A_235 = vector.broadcast %jit3A_234 : f32 to vector<256x768xf32>
      %select_n3A_236 = arith.select %lt3A_233, %select_n3A, %broadcast_in_dim3A_235 : vector<256x768xi1>, vector<256x768xf32>
      %reduce_max3A_237 = arith.constant dense<0xFF800000> : vector<256xf32>
      %reduce_max3A_238 = vector.multi_reduction <maximumf>, %select_n3A_236, %reduce_max3A_237 [1] : vector<256x768xf32> to vector<256xf32>
      %broadcast_in_dim3A_239 = vector.shape_cast %reduce_max3A_238 : vector<256xf32> to vector<256x1xf32>
      %eq3A_240 = vector.broadcast %broadcast_in_dim3A_239 : vector<256x1xf32> to vector<256x768xf32>
      %eq3A_241 = arith.cmpf oeq, %select_n3A_236, %eq3A_240 : vector<256x768xf32>
      %jit3A_242 = arith.constant 1073741824 : i32
      %broadcast_in_dim3A_243 = vector.broadcast %jit3A_242 : i32 to vector<256x768xi32>
      %select_n3A_244 = arith.select %eq3A_241, %iota3A, %broadcast_in_dim3A_243 : vector<256x768xi1>, vector<256x768xi32>
      %reduce_min3A_245 = arith.constant dense<2147483647> : vector<256xi32>
      %reduce_min3A_246 = vector.multi_reduction <minsi>, %select_n3A_244, %reduce_min3A_245 [1] : vector<256x768xi32> to vector<256xi32>
      %broadcast_in_dim3A_247 = vector.shape_cast %reduce_min3A_246 : vector<256xi32> to vector<256x1xi32>
      %gt3A_248 = arith.constant -1.000000e+29 : f32
      %gt3A_249 = vector.broadcast %gt3A_248 : f32 to vector<256x1xf32>
      %gt3A_250 = arith.cmpf ogt, %broadcast_in_dim3A_239, %gt3A_249 : vector<256x1xf32>
      %mul3A_251 = arith.constant 2048 : i32
      %mul3A_252 = arith.muli %arg0, %mul3A_251 : i32
      %add3A_253 = vector.broadcast %mul3A_252 : i32 to vector<256x1xi32>
      %add3A_254 = arith.addi %add3A_253, %broadcast_in_dim3A_247 : vector<256x1xi32>
      %jit3A_255 = arith.constant 4096 : i32
      %broadcast_in_dim3A_256 = vector.broadcast %jit3A_255 : i32 to vector<256x1xi32>
      %select_n3A_257 = arith.select %gt3A_250, %add3A_254, %broadcast_in_dim3A_256 : vector<256x1xi1>, vector<256x1xi32>
      %swap3A_258 = arith.constant 0 : index
      %swap3A_259 = arith.constant 0 : index
      %swap3A_260 = arith.constant 5 : index
      %swap3A_261 = vector.load %arg3[%swap3A_258, %swap3A_259, %swap3A_260] : memref<1x256x16xi32, #tpu.memory_space<vmem>>, vector<1x256x1xi32>
      %swap3A_262 = vector.shape_cast %swap3A_261 : vector<1x256x1xi32> to vector<256x1xi32>
      %swap3A_263 = vector.shape_cast %select_n3A_257 : vector<256x1xi32> to vector<1x256x1xi32>
      tpu.vector_store %arg3[%swap3A_258, %swap3A_259, %swap3A_260], %swap3A_263 {strides = array<i32>} : memref<1x256x16xi32, #tpu.memory_space<vmem>>, vector<1x256x1xi32>,
      %convert_element_type3A_264 = arith.extui %gt3A_250 : vector<256x1xi1> to vector<256x1xi32>
      %add3A_265 = arith.addi %add3A_231, %convert_element_type3A_264 : vector<256x1xi32>
      %lt3A_266 = vector.broadcast %broadcast_in_dim3A_239 : vector<256x1xf32> to vector<256x768xf32>
      %lt3A_267 = arith.cmpf olt, %select_n3A, %lt3A_266 : vector<256x768xf32>
      %jit3A_268 = arith.constant -1.000000e+30 : f32
      %broadcast_in_dim3A_269 = vector.broadcast %jit3A_268 : f32 to vector<256x768xf32>
      %select_n3A_270 = arith.select %lt3A_267, %select_n3A, %broadcast_in_dim3A_269 : vector<256x768xi1>, vector<256x768xf32>
      %reduce_max3A_271 = arith.constant dense<0xFF800000> : vector<256xf32>
      %reduce_max3A_272 = vector.multi_reduction <maximumf>, %select_n3A_270, %reduce_max3A_271 [1] : vector<256x768xf32> to vector<256xf32>
      %broadcast_in_dim3A_273 = vector.shape_cast %reduce_max3A_272 : vector<256xf32> to vector<256x1xf32>
      %eq3A_274 = vector.broadcast %broadcast_in_dim3A_273 : vector<256x1xf32> to vector<256x768xf32>
      %eq3A_275 = arith.cmpf oeq, %select_n3A_270, %eq3A_274 : vector<256x768xf32>
      %jit3A_276 = arith.constant 1073741824 : i32
      %broadcast_in_dim3A_277 = vector.broadcast %jit3A_276 : i32 to vector<256x768xi32>
      %select_n3A_278 = arith.select %eq3A_275, %iota3A, %broadcast_in_dim3A_277 : vector<256x768xi1>, vector<256x768xi32>
      %reduce_min3A_279 = arith.constant dense<2147483647> : vector<256xi32>
      %reduce_min3A_280 = vector.multi_reduction <minsi>, %select_n3A_278, %reduce_min3A_279 [1] : vector<256x768xi32> to vector<256xi32>
      %broadcast_in_dim3A_281 = vector.shape_cast %reduce_min3A_280 : vector<256xi32> to vector<256x1xi32>
      %gt3A_282 = arith.constant -1.000000e+29 : f32
      %gt3A_283 = vector.broadcast %gt3A_282 : f32 to vector<256x1xf32>
      %gt3A_284 = arith.cmpf ogt, %broadcast_in_dim3A_273, %gt3A_283 : vector<256x1xf32>
      %mul3A_285 = arith.constant 2048 : i32
      %mul3A_286 = arith.muli %arg0, %mul3A_285 : i32
      %add3A_287 = vector.broadcast %mul3A_286 : i32 to vector<256x1xi32>
      %add3A_288 = arith.addi %add3A_287, %broadcast_in_dim3A_281 : vector<256x1xi32>
      %jit3A_289 = arith.constant 4096 : i32
      %broadcast_in_dim3A_290 = vector.broadcast %jit3A_289 : i32 to vector<256x1xi32>
      %select_n3A_291 = arith.select %gt3A_284, %add3A_288, %broadcast_in_dim3A_290 : vector<256x1xi1>, vector<256x1xi32>
      %swap3A_292 = arith.constant 0 : index
      %swap3A_293 = arith.constant 0 : index
      %swap3A_294 = arith.constant 6 : index
      %swap3A_295 = vector.load %arg3[%swap3A_292, %swap3A_293, %swap3A_294] : memref<1x256x16xi32, #tpu.memory_space<vmem>>, vector<1x256x1xi32>
      %swap3A_296 = vector.shape_cast %swap3A_295 : vector<1x256x1xi32> to vector<256x1xi32>
      %swap3A_297 = vector.shape_cast %select_n3A_291 : vector<256x1xi32> to vector<1x256x1xi32>
      tpu.vector_store %arg3[%swap3A_292, %swap3A_293, %swap3A_294], %swap3A_297 {strides = array<i32>} : memref<1x256x16xi32, #tpu.memory_space<vmem>>, vector<1x256x1xi32>,
      %convert_element_type3A_298 = arith.extui %gt3A_284 : vector<256x1xi1> to vector<256x1xi32>
      %add3A_299 = arith.addi %add3A_265, %convert_element_type3A_298 : vector<256x1xi32>
      %lt3A_300 = vector.broadcast %broadcast_in_dim3A_273 : vector<256x1xf32> to vector<256x768xf32>
      %lt3A_301 = arith.cmpf olt, %select_n3A, %lt3A_300 : vector<256x768xf32>
      %jit3A_302 = arith.constant -1.000000e+30 : f32
      %broadcast_in_dim3A_303 = vector.broadcast %jit3A_302 : f32 to vector<256x768xf32>
      %select_n3A_304 = arith.select %lt3A_301, %select_n3A, %broadcast_in_dim3A_303 : vector<256x768xi1>, vector<256x768xf32>
      %reduce_max3A_305 = arith.constant dense<0xFF800000> : vector<256xf32>
      %reduce_max3A_306 = vector.multi_reduction <maximumf>, %select_n3A_304, %reduce_max3A_305 [1] : vector<256x768xf32> to vector<256xf32>
      %broadcast_in_dim3A_307 = vector.shape_cast %reduce_max3A_306 : vector<256xf32> to vector<256x1xf32>
      %eq3A_308 = vector.broadcast %broadcast_in_dim3A_307 : vector<256x1xf32> to vector<256x768xf32>
      %eq3A_309 = arith.cmpf oeq, %select_n3A_304, %eq3A_308 : vector<256x768xf32>
      %jit3A_310 = arith.constant 1073741824 : i32
      %broadcast_in_dim3A_311 = vector.broadcast %jit3A_310 : i32 to vector<256x768xi32>
      %select_n3A_312 = arith.select %eq3A_309, %iota3A, %broadcast_in_dim3A_311 : vector<256x768xi1>, vector<256x768xi32>
      %reduce_min3A_313 = arith.constant dense<2147483647> : vector<256xi32>
      %reduce_min3A_314 = vector.multi_reduction <minsi>, %select_n3A_312, %reduce_min3A_313 [1] : vector<256x768xi32> to vector<256xi32>
      %broadcast_in_dim3A_315 = vector.shape_cast %reduce_min3A_314 : vector<256xi32> to vector<256x1xi32>
      %gt3A_316 = arith.constant -1.000000e+29 : f32
      %gt3A_317 = vector.broadcast %gt3A_316 : f32 to vector<256x1xf32>
      %gt3A_318 = arith.cmpf ogt, %broadcast_in_dim3A_307, %gt3A_317 : vector<256x1xf32>
      %mul3A_319 = arith.constant 2048 : i32
      %mul3A_320 = arith.muli %arg0, %mul3A_319 : i32
      %add3A_321 = vector.broadcast %mul3A_320 : i32 to vector<256x1xi32>
      %add3A_322 = arith.addi %add3A_321, %broadcast_in_dim3A_315 : vector<256x1xi32>
      %jit3A_323 = arith.constant 4096 : i32
      %broadcast_in_dim3A_324 = vector.broadcast %jit3A_323 : i32 to vector<256x1xi32>
      %select_n3A_325 = arith.select %gt3A_318, %add3A_322, %broadcast_in_dim3A_324 : vector<256x1xi1>, vector<256x1xi32>
      %swap3A_326 = arith.constant 0 : index
      %swap3A_327 = arith.constant 0 : index
      %swap3A_328 = arith.constant 7 : index
      %swap3A_329 = vector.load %arg3[%swap3A_326, %swap3A_327, %swap3A_328] : memref<1x256x16xi32, #tpu.memory_space<vmem>>, vector<1x256x1xi32>
      %swap3A_330 = vector.shape_cast %swap3A_329 : vector<1x256x1xi32> to vector<256x1xi32>
      %swap3A_331 = vector.shape_cast %select_n3A_325 : vector<256x1xi32> to vector<1x256x1xi32>
      tpu.vector_store %arg3[%swap3A_326, %swap3A_327, %swap3A_328], %swap3A_331 {strides = array<i32>} : memref<1x256x16xi32, #tpu.memory_space<vmem>>, vector<1x256x1xi32>,
      %convert_element_type3A_332 = arith.extui %gt3A_318 : vector<256x1xi1> to vector<256x1xi32>
      %add3A_333 = arith.addi %add3A_299, %convert_element_type3A_332 : vector<256x1xi32>
      %swap3A_334 = arith.constant 0 : index
      %swap3A_335 = arith.constant 0 : index
      %swap3A_336 = arith.constant 8 : index
      %swap3A_337 = vector.load %arg3[%swap3A_334, %swap3A_335, %swap3A_336] : memref<1x256x16xi32, #tpu.memory_space<vmem>>, vector<1x256x1xi32>
      %swap3A_338 = vector.shape_cast %swap3A_337 : vector<1x256x1xi32> to vector<256x1xi32>
      %swap3A_339 = vector.shape_cast %add3A_333 : vector<256x1xi32> to vector<1x256x1xi32>
      tpu.vector_store %arg3[%swap3A_334, %swap3A_335, %swap3A_336], %swap3A_339 {strides = array<i32>} : memref<1x256x16xi32, #tpu.memory_space<vmem>>, vector<1x256x1xi32>,
    } else {
    }
    %ge3A_21 = arith.constant 3 : i32
    %ge3A_22 = arith.cmpi sge, %arg1, %ge3A_21 : i32
    %lt3A_23 = arith.constant 4 : i32
    %lt3A_24 = arith.cmpi slt, %arg1, %lt3A_23 : i32
    %and3A_25 = arith.andi %ge3A_22, %lt3A_24 : i1
    %convert_element_type3A_26 = arith.extui %and3A_25 : i1 to i32
    %cond3A_27 = arith.constant 0 : i32
    %cond3A_28 = arith.cmpi ne, %convert_element_type3A_26, %cond3A_27 : i32
    scf.if %cond3A_28 {
      %get3A = arith.index_cast %mul3A_2 : i32 to index
      %get3A_61 = arith.constant 0 : index
      %get3A_62 = vector.load %arg4[%get3A, %get3A_61] : memref<2048x768xf32, #tpu.memory_space<vmem>>, vector<256x768xf32>
      %get3A_63 = arith.constant 0 : index
      %get3A_64 = arith.constant 0 : index
      %get3A_65 = vector.load %arg4[%get3A_63, %get3A_64] : memref<2048x768xf32, #tpu.memory_space<vmem>>, vector<1024x768xf32>
      %dot_general3A = arith.constant dense<0.000000e+00> : vector<256x1024xf32>
      %dot_general3A_66 = tpu.matmul %get3A_62, %get3A_65, %dot_general3A {dimension_numbers = #tpu.dot_dimension_numbers<[1], [1], [0], [0], [0, 0, 1, 0], [], []>, transpose_lhs_hint = false} : vector<256x768xf32>, vector<1024x768xf32>, vector<256x1024xf32> -> vector<256x1024xf32>
      %iota3A = tpu.iota {dimensions = array<i32: 1>} : vector<256x1024xi32>
      %iota3A_67 = tpu.iota {dimensions = array<i32: 0>} : vector<256x1024xi32>
      %add3A = vector.broadcast %mul3A_2 : i32 to vector<256x1024xi32>
      %add3A_68 = arith.addi %add3A, %iota3A_67 : vector<256x1024xi32>
      %le3A = arith.cmpi sle, %iota3A, %add3A_68 : vector<256x1024xi32>
      %jit3A = arith.constant -1.000000e+30 : f32
      %broadcast_in_dim3A = vector.broadcast %jit3A : f32 to vector<256x1024xf32>
      %select_n3A = arith.select %le3A, %dot_general3A_66, %broadcast_in_dim3A : vector<256x1024xi1>, vector<256x1024xf32>
      %broadcast_in_dim3A_69 = arith.constant 0 : i32
      %broadcast_in_dim3A_70 = vector.broadcast %broadcast_in_dim3A_69 : i32 to vector<256x1xi32>
      %reduce_max3A = arith.constant dense<0xFF800000> : vector<256xf32>
      %reduce_max3A_71 = vector.multi_reduction <maximumf>, %select_n3A, %reduce_max3A [1] : vector<256x1024xf32> to vector<256xf32>
      %broadcast_in_dim3A_72 = vector.shape_cast %reduce_max3A_71 : vector<256xf32> to vector<256x1xf32>
      %eq3A_73 = vector.broadcast %broadcast_in_dim3A_72 : vector<256x1xf32> to vector<256x1024xf32>
      %eq3A_74 = arith.cmpf oeq, %select_n3A, %eq3A_73 : vector<256x1024xf32>
      %jit3A_75 = arith.constant 1073741824 : i32
      %broadcast_in_dim3A_76 = vector.broadcast %jit3A_75 : i32 to vector<256x1024xi32>
      %select_n3A_77 = arith.select %eq3A_74, %iota3A, %broadcast_in_dim3A_76 : vector<256x1024xi1>, vector<256x1024xi32>
      %reduce_min3A = arith.constant dense<2147483647> : vector<256xi32>
      %reduce_min3A_78 = vector.multi_reduction <minsi>, %select_n3A_77, %reduce_min3A [1] : vector<256x1024xi32> to vector<256xi32>
      %broadcast_in_dim3A_79 = vector.shape_cast %reduce_min3A_78 : vector<256xi32> to vector<256x1xi32>
      %gt3A = arith.constant -1.000000e+29 : f32
      %gt3A_80 = vector.broadcast %gt3A : f32 to vector<256x1xf32>
      %gt3A_81 = arith.cmpf ogt, %broadcast_in_dim3A_72, %gt3A_80 : vector<256x1xf32>
      %mul3A_82 = arith.constant 2048 : i32
      %mul3A_83 = arith.muli %arg0, %mul3A_82 : i32
      %add3A_84 = vector.broadcast %mul3A_83 : i32 to vector<256x1xi32>
      %add3A_85 = arith.addi %add3A_84, %broadcast_in_dim3A_79 : vector<256x1xi32>
      %jit3A_86 = arith.constant 4096 : i32
      %broadcast_in_dim3A_87 = vector.broadcast %jit3A_86 : i32 to vector<256x1xi32>
      %select_n3A_88 = arith.select %gt3A_81, %add3A_85, %broadcast_in_dim3A_87 : vector<256x1xi1>, vector<256x1xi32>
      %swap3A = arith.constant 0 : index
      %swap3A_89 = arith.constant 0 : index
      %swap3A_90 = arith.constant 0 : index
      %swap3A_91 = vector.load %arg3[%swap3A, %swap3A_89, %swap3A_90] : memref<1x256x16xi32, #tpu.memory_space<vmem>>, vector<1x256x1xi32>
      %swap3A_92 = vector.shape_cast %swap3A_91 : vector<1x256x1xi32> to vector<256x1xi32>
      %swap3A_93 = vector.shape_cast %select_n3A_88 : vector<256x1xi32> to vector<1x256x1xi32>
      tpu.vector_store %arg3[%swap3A, %swap3A_89, %swap3A_90], %swap3A_93 {strides = array<i32>} : memref<1x256x16xi32, #tpu.memory_space<vmem>>, vector<1x256x1xi32>,
      %convert_element_type3A_94 = arith.extui %gt3A_81 : vector<256x1xi1> to vector<256x1xi32>
      %add3A_95 = arith.addi %broadcast_in_dim3A_70, %convert_element_type3A_94 : vector<256x1xi32>
      %lt3A_96 = vector.broadcast %broadcast_in_dim3A_72 : vector<256x1xf32> to vector<256x1024xf32>
      %lt3A_97 = arith.cmpf olt, %select_n3A, %lt3A_96 : vector<256x1024xf32>
      %jit3A_98 = arith.constant -1.000000e+30 : f32
      %broadcast_in_dim3A_99 = vector.broadcast %jit3A_98 : f32 to vector<256x1024xf32>
      %select_n3A_100 = arith.select %lt3A_97, %select_n3A, %broadcast_in_dim3A_99 : vector<256x1024xi1>, vector<256x1024xf32>
      %reduce_max3A_101 = arith.constant dense<0xFF800000> : vector<256xf32>
      %reduce_max3A_102 = vector.multi_reduction <maximumf>, %select_n3A_100, %reduce_max3A_101 [1] : vector<256x1024xf32> to vector<256xf32>
      %broadcast_in_dim3A_103 = vector.shape_cast %reduce_max3A_102 : vector<256xf32> to vector<256x1xf32>
      %eq3A_104 = vector.broadcast %broadcast_in_dim3A_103 : vector<256x1xf32> to vector<256x1024xf32>
      %eq3A_105 = arith.cmpf oeq, %select_n3A_100, %eq3A_104 : vector<256x1024xf32>
      %jit3A_106 = arith.constant 1073741824 : i32
      %broadcast_in_dim3A_107 = vector.broadcast %jit3A_106 : i32 to vector<256x1024xi32>
      %select_n3A_108 = arith.select %eq3A_105, %iota3A, %broadcast_in_dim3A_107 : vector<256x1024xi1>, vector<256x1024xi32>
      %reduce_min3A_109 = arith.constant dense<2147483647> : vector<256xi32>
      %reduce_min3A_110 = vector.multi_reduction <minsi>, %select_n3A_108, %reduce_min3A_109 [1] : vector<256x1024xi32> to vector<256xi32>
      %broadcast_in_dim3A_111 = vector.shape_cast %reduce_min3A_110 : vector<256xi32> to vector<256x1xi32>
      %gt3A_112 = arith.constant -1.000000e+29 : f32
      %gt3A_113 = vector.broadcast %gt3A_112 : f32 to vector<256x1xf32>
      %gt3A_114 = arith.cmpf ogt, %broadcast_in_dim3A_103, %gt3A_113 : vector<256x1xf32>
      %mul3A_115 = arith.constant 2048 : i32
      %mul3A_116 = arith.muli %arg0, %mul3A_115 : i32
      %add3A_117 = vector.broadcast %mul3A_116 : i32 to vector<256x1xi32>
      %add3A_118 = arith.addi %add3A_117, %broadcast_in_dim3A_111 : vector<256x1xi32>
      %jit3A_119 = arith.constant 4096 : i32
      %broadcast_in_dim3A_120 = vector.broadcast %jit3A_119 : i32 to vector<256x1xi32>
      %select_n3A_121 = arith.select %gt3A_114, %add3A_118, %broadcast_in_dim3A_120 : vector<256x1xi1>, vector<256x1xi32>
      %swap3A_122 = arith.constant 0 : index
      %swap3A_123 = arith.constant 0 : index
      %swap3A_124 = arith.constant 1 : index
      %swap3A_125 = vector.load %arg3[%swap3A_122, %swap3A_123, %swap3A_124] : memref<1x256x16xi32, #tpu.memory_space<vmem>>, vector<1x256x1xi32>
      %swap3A_126 = vector.shape_cast %swap3A_125 : vector<1x256x1xi32> to vector<256x1xi32>
      %swap3A_127 = vector.shape_cast %select_n3A_121 : vector<256x1xi32> to vector<1x256x1xi32>
      tpu.vector_store %arg3[%swap3A_122, %swap3A_123, %swap3A_124], %swap3A_127 {strides = array<i32>} : memref<1x256x16xi32, #tpu.memory_space<vmem>>, vector<1x256x1xi32>,
      %convert_element_type3A_128 = arith.extui %gt3A_114 : vector<256x1xi1> to vector<256x1xi32>
      %add3A_129 = arith.addi %add3A_95, %convert_element_type3A_128 : vector<256x1xi32>
      %lt3A_130 = vector.broadcast %broadcast_in_dim3A_103 : vector<256x1xf32> to vector<256x1024xf32>
      %lt3A_131 = arith.cmpf olt, %select_n3A, %lt3A_130 : vector<256x1024xf32>
      %jit3A_132 = arith.constant -1.000000e+30 : f32
      %broadcast_in_dim3A_133 = vector.broadcast %jit3A_132 : f32 to vector<256x1024xf32>
      %select_n3A_134 = arith.select %lt3A_131, %select_n3A, %broadcast_in_dim3A_133 : vector<256x1024xi1>, vector<256x1024xf32>
      %reduce_max3A_135 = arith.constant dense<0xFF800000> : vector<256xf32>
      %reduce_max3A_136 = vector.multi_reduction <maximumf>, %select_n3A_134, %reduce_max3A_135 [1] : vector<256x1024xf32> to vector<256xf32>
      %broadcast_in_dim3A_137 = vector.shape_cast %reduce_max3A_136 : vector<256xf32> to vector<256x1xf32>
      %eq3A_138 = vector.broadcast %broadcast_in_dim3A_137 : vector<256x1xf32> to vector<256x1024xf32>
      %eq3A_139 = arith.cmpf oeq, %select_n3A_134, %eq3A_138 : vector<256x1024xf32>
      %jit3A_140 = arith.constant 1073741824 : i32
      %broadcast_in_dim3A_141 = vector.broadcast %jit3A_140 : i32 to vector<256x1024xi32>
      %select_n3A_142 = arith.select %eq3A_139, %iota3A, %broadcast_in_dim3A_141 : vector<256x1024xi1>, vector<256x1024xi32>
      %reduce_min3A_143 = arith.constant dense<2147483647> : vector<256xi32>
      %reduce_min3A_144 = vector.multi_reduction <minsi>, %select_n3A_142, %reduce_min3A_143 [1] : vector<256x1024xi32> to vector<256xi32>
      %broadcast_in_dim3A_145 = vector.shape_cast %reduce_min3A_144 : vector<256xi32> to vector<256x1xi32>
      %gt3A_146 = arith.constant -1.000000e+29 : f32
      %gt3A_147 = vector.broadcast %gt3A_146 : f32 to vector<256x1xf32>
      %gt3A_148 = arith.cmpf ogt, %broadcast_in_dim3A_137, %gt3A_147 : vector<256x1xf32>
      %mul3A_149 = arith.constant 2048 : i32
      %mul3A_150 = arith.muli %arg0, %mul3A_149 : i32
      %add3A_151 = vector.broadcast %mul3A_150 : i32 to vector<256x1xi32>
      %add3A_152 = arith.addi %add3A_151, %broadcast_in_dim3A_145 : vector<256x1xi32>
      %jit3A_153 = arith.constant 4096 : i32
      %broadcast_in_dim3A_154 = vector.broadcast %jit3A_153 : i32 to vector<256x1xi32>
      %select_n3A_155 = arith.select %gt3A_148, %add3A_152, %broadcast_in_dim3A_154 : vector<256x1xi1>, vector<256x1xi32>
      %swap3A_156 = arith.constant 0 : index
      %swap3A_157 = arith.constant 0 : index
      %swap3A_158 = arith.constant 2 : index
      %swap3A_159 = vector.load %arg3[%swap3A_156, %swap3A_157, %swap3A_158] : memref<1x256x16xi32, #tpu.memory_space<vmem>>, vector<1x256x1xi32>
      %swap3A_160 = vector.shape_cast %swap3A_159 : vector<1x256x1xi32> to vector<256x1xi32>
      %swap3A_161 = vector.shape_cast %select_n3A_155 : vector<256x1xi32> to vector<1x256x1xi32>
      tpu.vector_store %arg3[%swap3A_156, %swap3A_157, %swap3A_158], %swap3A_161 {strides = array<i32>} : memref<1x256x16xi32, #tpu.memory_space<vmem>>, vector<1x256x1xi32>,
      %convert_element_type3A_162 = arith.extui %gt3A_148 : vector<256x1xi1> to vector<256x1xi32>
      %add3A_163 = arith.addi %add3A_129, %convert_element_type3A_162 : vector<256x1xi32>
      %lt3A_164 = vector.broadcast %broadcast_in_dim3A_137 : vector<256x1xf32> to vector<256x1024xf32>
      %lt3A_165 = arith.cmpf olt, %select_n3A, %lt3A_164 : vector<256x1024xf32>
      %jit3A_166 = arith.constant -1.000000e+30 : f32
      %broadcast_in_dim3A_167 = vector.broadcast %jit3A_166 : f32 to vector<256x1024xf32>
      %select_n3A_168 = arith.select %lt3A_165, %select_n3A, %broadcast_in_dim3A_167 : vector<256x1024xi1>, vector<256x1024xf32>
      %reduce_max3A_169 = arith.constant dense<0xFF800000> : vector<256xf32>
      %reduce_max3A_170 = vector.multi_reduction <maximumf>, %select_n3A_168, %reduce_max3A_169 [1] : vector<256x1024xf32> to vector<256xf32>
      %broadcast_in_dim3A_171 = vector.shape_cast %reduce_max3A_170 : vector<256xf32> to vector<256x1xf32>
      %eq3A_172 = vector.broadcast %broadcast_in_dim3A_171 : vector<256x1xf32> to vector<256x1024xf32>
      %eq3A_173 = arith.cmpf oeq, %select_n3A_168, %eq3A_172 : vector<256x1024xf32>
      %jit3A_174 = arith.constant 1073741824 : i32
      %broadcast_in_dim3A_175 = vector.broadcast %jit3A_174 : i32 to vector<256x1024xi32>
      %select_n3A_176 = arith.select %eq3A_173, %iota3A, %broadcast_in_dim3A_175 : vector<256x1024xi1>, vector<256x1024xi32>
      %reduce_min3A_177 = arith.constant dense<2147483647> : vector<256xi32>
      %reduce_min3A_178 = vector.multi_reduction <minsi>, %select_n3A_176, %reduce_min3A_177 [1] : vector<256x1024xi32> to vector<256xi32>
      %broadcast_in_dim3A_179 = vector.shape_cast %reduce_min3A_178 : vector<256xi32> to vector<256x1xi32>
      %gt3A_180 = arith.constant -1.000000e+29 : f32
      %gt3A_181 = vector.broadcast %gt3A_180 : f32 to vector<256x1xf32>
      %gt3A_182 = arith.cmpf ogt, %broadcast_in_dim3A_171, %gt3A_181 : vector<256x1xf32>
      %mul3A_183 = arith.constant 2048 : i32
      %mul3A_184 = arith.muli %arg0, %mul3A_183 : i32
      %add3A_185 = vector.broadcast %mul3A_184 : i32 to vector<256x1xi32>
      %add3A_186 = arith.addi %add3A_185, %broadcast_in_dim3A_179 : vector<256x1xi32>
      %jit3A_187 = arith.constant 4096 : i32
      %broadcast_in_dim3A_188 = vector.broadcast %jit3A_187 : i32 to vector<256x1xi32>
      %select_n3A_189 = arith.select %gt3A_182, %add3A_186, %broadcast_in_dim3A_188 : vector<256x1xi1>, vector<256x1xi32>
      %swap3A_190 = arith.constant 0 : index
      %swap3A_191 = arith.constant 0 : index
      %swap3A_192 = arith.constant 3 : index
      %swap3A_193 = vector.load %arg3[%swap3A_190, %swap3A_191, %swap3A_192] : memref<1x256x16xi32, #tpu.memory_space<vmem>>, vector<1x256x1xi32>
      %swap3A_194 = vector.shape_cast %swap3A_193 : vector<1x256x1xi32> to vector<256x1xi32>
      %swap3A_195 = vector.shape_cast %select_n3A_189 : vector<256x1xi32> to vector<1x256x1xi32>
      tpu.vector_store %arg3[%swap3A_190, %swap3A_191, %swap3A_192], %swap3A_195 {strides = array<i32>} : memref<1x256x16xi32, #tpu.memory_space<vmem>>, vector<1x256x1xi32>,
      %convert_element_type3A_196 = arith.extui %gt3A_182 : vector<256x1xi1> to vector<256x1xi32>
      %add3A_197 = arith.addi %add3A_163, %convert_element_type3A_196 : vector<256x1xi32>
      %lt3A_198 = vector.broadcast %broadcast_in_dim3A_171 : vector<256x1xf32> to vector<256x1024xf32>
      %lt3A_199 = arith.cmpf olt, %select_n3A, %lt3A_198 : vector<256x1024xf32>
      %jit3A_200 = arith.constant -1.000000e+30 : f32
      %broadcast_in_dim3A_201 = vector.broadcast %jit3A_200 : f32 to vector<256x1024xf32>
      %select_n3A_202 = arith.select %lt3A_199, %select_n3A, %broadcast_in_dim3A_201 : vector<256x1024xi1>, vector<256x1024xf32>
      %reduce_max3A_203 = arith.constant dense<0xFF800000> : vector<256xf32>
      %reduce_max3A_204 = vector.multi_reduction <maximumf>, %select_n3A_202, %reduce_max3A_203 [1] : vector<256x1024xf32> to vector<256xf32>
      %broadcast_in_dim3A_205 = vector.shape_cast %reduce_max3A_204 : vector<256xf32> to vector<256x1xf32>
      %eq3A_206 = vector.broadcast %broadcast_in_dim3A_205 : vector<256x1xf32> to vector<256x1024xf32>
      %eq3A_207 = arith.cmpf oeq, %select_n3A_202, %eq3A_206 : vector<256x1024xf32>
      %jit3A_208 = arith.constant 1073741824 : i32
      %broadcast_in_dim3A_209 = vector.broadcast %jit3A_208 : i32 to vector<256x1024xi32>
      %select_n3A_210 = arith.select %eq3A_207, %iota3A, %broadcast_in_dim3A_209 : vector<256x1024xi1>, vector<256x1024xi32>
      %reduce_min3A_211 = arith.constant dense<2147483647> : vector<256xi32>
      %reduce_min3A_212 = vector.multi_reduction <minsi>, %select_n3A_210, %reduce_min3A_211 [1] : vector<256x1024xi32> to vector<256xi32>
      %broadcast_in_dim3A_213 = vector.shape_cast %reduce_min3A_212 : vector<256xi32> to vector<256x1xi32>
      %gt3A_214 = arith.constant -1.000000e+29 : f32
      %gt3A_215 = vector.broadcast %gt3A_214 : f32 to vector<256x1xf32>
      %gt3A_216 = arith.cmpf ogt, %broadcast_in_dim3A_205, %gt3A_215 : vector<256x1xf32>
      %mul3A_217 = arith.constant 2048 : i32
      %mul3A_218 = arith.muli %arg0, %mul3A_217 : i32
      %add3A_219 = vector.broadcast %mul3A_218 : i32 to vector<256x1xi32>
      %add3A_220 = arith.addi %add3A_219, %broadcast_in_dim3A_213 : vector<256x1xi32>
      %jit3A_221 = arith.constant 4096 : i32
      %broadcast_in_dim3A_222 = vector.broadcast %jit3A_221 : i32 to vector<256x1xi32>
      %select_n3A_223 = arith.select %gt3A_216, %add3A_220, %broadcast_in_dim3A_222 : vector<256x1xi1>, vector<256x1xi32>
      %swap3A_224 = arith.constant 0 : index
      %swap3A_225 = arith.constant 0 : index
      %swap3A_226 = arith.constant 4 : index
      %swap3A_227 = vector.load %arg3[%swap3A_224, %swap3A_225, %swap3A_226] : memref<1x256x16xi32, #tpu.memory_space<vmem>>, vector<1x256x1xi32>
      %swap3A_228 = vector.shape_cast %swap3A_227 : vector<1x256x1xi32> to vector<256x1xi32>
      %swap3A_229 = vector.shape_cast %select_n3A_223 : vector<256x1xi32> to vector<1x256x1xi32>
      tpu.vector_store %arg3[%swap3A_224, %swap3A_225, %swap3A_226], %swap3A_229 {strides = array<i32>} : memref<1x256x16xi32, #tpu.memory_space<vmem>>, vector<1x256x1xi32>,
      %convert_element_type3A_230 = arith.extui %gt3A_216 : vector<256x1xi1> to vector<256x1xi32>
      %add3A_231 = arith.addi %add3A_197, %convert_element_type3A_230 : vector<256x1xi32>
      %lt3A_232 = vector.broadcast %broadcast_in_dim3A_205 : vector<256x1xf32> to vector<256x1024xf32>
      %lt3A_233 = arith.cmpf olt, %select_n3A, %lt3A_232 : vector<256x1024xf32>
      %jit3A_234 = arith.constant -1.000000e+30 : f32
      %broadcast_in_dim3A_235 = vector.broadcast %jit3A_234 : f32 to vector<256x1024xf32>
      %select_n3A_236 = arith.select %lt3A_233, %select_n3A, %broadcast_in_dim3A_235 : vector<256x1024xi1>, vector<256x1024xf32>
      %reduce_max3A_237 = arith.constant dense<0xFF800000> : vector<256xf32>
      %reduce_max3A_238 = vector.multi_reduction <maximumf>, %select_n3A_236, %reduce_max3A_237 [1] : vector<256x1024xf32> to vector<256xf32>
      %broadcast_in_dim3A_239 = vector.shape_cast %reduce_max3A_238 : vector<256xf32> to vector<256x1xf32>
      %eq3A_240 = vector.broadcast %broadcast_in_dim3A_239 : vector<256x1xf32> to vector<256x1024xf32>
      %eq3A_241 = arith.cmpf oeq, %select_n3A_236, %eq3A_240 : vector<256x1024xf32>
      %jit3A_242 = arith.constant 1073741824 : i32
      %broadcast_in_dim3A_243 = vector.broadcast %jit3A_242 : i32 to vector<256x1024xi32>
      %select_n3A_244 = arith.select %eq3A_241, %iota3A, %broadcast_in_dim3A_243 : vector<256x1024xi1>, vector<256x1024xi32>
      %reduce_min3A_245 = arith.constant dense<2147483647> : vector<256xi32>
      %reduce_min3A_246 = vector.multi_reduction <minsi>, %select_n3A_244, %reduce_min3A_245 [1] : vector<256x1024xi32> to vector<256xi32>
      %broadcast_in_dim3A_247 = vector.shape_cast %reduce_min3A_246 : vector<256xi32> to vector<256x1xi32>
      %gt3A_248 = arith.constant -1.000000e+29 : f32
      %gt3A_249 = vector.broadcast %gt3A_248 : f32 to vector<256x1xf32>
      %gt3A_250 = arith.cmpf ogt, %broadcast_in_dim3A_239, %gt3A_249 : vector<256x1xf32>
      %mul3A_251 = arith.constant 2048 : i32
      %mul3A_252 = arith.muli %arg0, %mul3A_251 : i32
      %add3A_253 = vector.broadcast %mul3A_252 : i32 to vector<256x1xi32>
      %add3A_254 = arith.addi %add3A_253, %broadcast_in_dim3A_247 : vector<256x1xi32>
      %jit3A_255 = arith.constant 4096 : i32
      %broadcast_in_dim3A_256 = vector.broadcast %jit3A_255 : i32 to vector<256x1xi32>
      %select_n3A_257 = arith.select %gt3A_250, %add3A_254, %broadcast_in_dim3A_256 : vector<256x1xi1>, vector<256x1xi32>
      %swap3A_258 = arith.constant 0 : index
      %swap3A_259 = arith.constant 0 : index
      %swap3A_260 = arith.constant 5 : index
      %swap3A_261 = vector.load %arg3[%swap3A_258, %swap3A_259, %swap3A_260] : memref<1x256x16xi32, #tpu.memory_space<vmem>>, vector<1x256x1xi32>
      %swap3A_262 = vector.shape_cast %swap3A_261 : vector<1x256x1xi32> to vector<256x1xi32>
      %swap3A_263 = vector.shape_cast %select_n3A_257 : vector<256x1xi32> to vector<1x256x1xi32>
      tpu.vector_store %arg3[%swap3A_258, %swap3A_259, %swap3A_260], %swap3A_263 {strides = array<i32>} : memref<1x256x16xi32, #tpu.memory_space<vmem>>, vector<1x256x1xi32>,
      %convert_element_type3A_264 = arith.extui %gt3A_250 : vector<256x1xi1> to vector<256x1xi32>
      %add3A_265 = arith.addi %add3A_231, %convert_element_type3A_264 : vector<256x1xi32>
      %lt3A_266 = vector.broadcast %broadcast_in_dim3A_239 : vector<256x1xf32> to vector<256x1024xf32>
      %lt3A_267 = arith.cmpf olt, %select_n3A, %lt3A_266 : vector<256x1024xf32>
      %jit3A_268 = arith.constant -1.000000e+30 : f32
      %broadcast_in_dim3A_269 = vector.broadcast %jit3A_268 : f32 to vector<256x1024xf32>
      %select_n3A_270 = arith.select %lt3A_267, %select_n3A, %broadcast_in_dim3A_269 : vector<256x1024xi1>, vector<256x1024xf32>
      %reduce_max3A_271 = arith.constant dense<0xFF800000> : vector<256xf32>
      %reduce_max3A_272 = vector.multi_reduction <maximumf>, %select_n3A_270, %reduce_max3A_271 [1] : vector<256x1024xf32> to vector<256xf32>
      %broadcast_in_dim3A_273 = vector.shape_cast %reduce_max3A_272 : vector<256xf32> to vector<256x1xf32>
      %eq3A_274 = vector.broadcast %broadcast_in_dim3A_273 : vector<256x1xf32> to vector<256x1024xf32>
      %eq3A_275 = arith.cmpf oeq, %select_n3A_270, %eq3A_274 : vector<256x1024xf32>
      %jit3A_276 = arith.constant 1073741824 : i32
      %broadcast_in_dim3A_277 = vector.broadcast %jit3A_276 : i32 to vector<256x1024xi32>
      %select_n3A_278 = arith.select %eq3A_275, %iota3A, %broadcast_in_dim3A_277 : vector<256x1024xi1>, vector<256x1024xi32>
      %reduce_min3A_279 = arith.constant dense<2147483647> : vector<256xi32>
      %reduce_min3A_280 = vector.multi_reduction <minsi>, %select_n3A_278, %reduce_min3A_279 [1] : vector<256x1024xi32> to vector<256xi32>
      %broadcast_in_dim3A_281 = vector.shape_cast %reduce_min3A_280 : vector<256xi32> to vector<256x1xi32>
      %gt3A_282 = arith.constant -1.000000e+29 : f32
      %gt3A_283 = vector.broadcast %gt3A_282 : f32 to vector<256x1xf32>
      %gt3A_284 = arith.cmpf ogt, %broadcast_in_dim3A_273, %gt3A_283 : vector<256x1xf32>
      %mul3A_285 = arith.constant 2048 : i32
      %mul3A_286 = arith.muli %arg0, %mul3A_285 : i32
      %add3A_287 = vector.broadcast %mul3A_286 : i32 to vector<256x1xi32>
      %add3A_288 = arith.addi %add3A_287, %broadcast_in_dim3A_281 : vector<256x1xi32>
      %jit3A_289 = arith.constant 4096 : i32
      %broadcast_in_dim3A_290 = vector.broadcast %jit3A_289 : i32 to vector<256x1xi32>
      %select_n3A_291 = arith.select %gt3A_284, %add3A_288, %broadcast_in_dim3A_290 : vector<256x1xi1>, vector<256x1xi32>
      %swap3A_292 = arith.constant 0 : index
      %swap3A_293 = arith.constant 0 : index
      %swap3A_294 = arith.constant 6 : index
      %swap3A_295 = vector.load %arg3[%swap3A_292, %swap3A_293, %swap3A_294] : memref<1x256x16xi32, #tpu.memory_space<vmem>>, vector<1x256x1xi32>
      %swap3A_296 = vector.shape_cast %swap3A_295 : vector<1x256x1xi32> to vector<256x1xi32>
      %swap3A_297 = vector.shape_cast %select_n3A_291 : vector<256x1xi32> to vector<1x256x1xi32>
      tpu.vector_store %arg3[%swap3A_292, %swap3A_293, %swap3A_294], %swap3A_297 {strides = array<i32>} : memref<1x256x16xi32, #tpu.memory_space<vmem>>, vector<1x256x1xi32>,
      %convert_element_type3A_298 = arith.extui %gt3A_284 : vector<256x1xi1> to vector<256x1xi32>
      %add3A_299 = arith.addi %add3A_265, %convert_element_type3A_298 : vector<256x1xi32>
      %lt3A_300 = vector.broadcast %broadcast_in_dim3A_273 : vector<256x1xf32> to vector<256x1024xf32>
      %lt3A_301 = arith.cmpf olt, %select_n3A, %lt3A_300 : vector<256x1024xf32>
      %jit3A_302 = arith.constant -1.000000e+30 : f32
      %broadcast_in_dim3A_303 = vector.broadcast %jit3A_302 : f32 to vector<256x1024xf32>
      %select_n3A_304 = arith.select %lt3A_301, %select_n3A, %broadcast_in_dim3A_303 : vector<256x1024xi1>, vector<256x1024xf32>
      %reduce_max3A_305 = arith.constant dense<0xFF800000> : vector<256xf32>
      %reduce_max3A_306 = vector.multi_reduction <maximumf>, %select_n3A_304, %reduce_max3A_305 [1] : vector<256x1024xf32> to vector<256xf32>
      %broadcast_in_dim3A_307 = vector.shape_cast %reduce_max3A_306 : vector<256xf32> to vector<256x1xf32>
      %eq3A_308 = vector.broadcast %broadcast_in_dim3A_307 : vector<256x1xf32> to vector<256x1024xf32>
      %eq3A_309 = arith.cmpf oeq, %select_n3A_304, %eq3A_308 : vector<256x1024xf32>
      %jit3A_310 = arith.constant 1073741824 : i32
      %broadcast_in_dim3A_311 = vector.broadcast %jit3A_310 : i32 to vector<256x1024xi32>
      %select_n3A_312 = arith.select %eq3A_309, %iota3A, %broadcast_in_dim3A_311 : vector<256x1024xi1>, vector<256x1024xi32>
      %reduce_min3A_313 = arith.constant dense<2147483647> : vector<256xi32>
      %reduce_min3A_314 = vector.multi_reduction <minsi>, %select_n3A_312, %reduce_min3A_313 [1] : vector<256x1024xi32> to vector<256xi32>
      %broadcast_in_dim3A_315 = vector.shape_cast %reduce_min3A_314 : vector<256xi32> to vector<256x1xi32>
      %gt3A_316 = arith.constant -1.000000e+29 : f32
      %gt3A_317 = vector.broadcast %gt3A_316 : f32 to vector<256x1xf32>
      %gt3A_318 = arith.cmpf ogt, %broadcast_in_dim3A_307, %gt3A_317 : vector<256x1xf32>
      %mul3A_319 = arith.constant 2048 : i32
      %mul3A_320 = arith.muli %arg0, %mul3A_319 : i32
      %add3A_321 = vector.broadcast %mul3A_320 : i32 to vector<256x1xi32>
      %add3A_322 = arith.addi %add3A_321, %broadcast_in_dim3A_315 : vector<256x1xi32>
      %jit3A_323 = arith.constant 4096 : i32
      %broadcast_in_dim3A_324 = vector.broadcast %jit3A_323 : i32 to vector<256x1xi32>
      %select_n3A_325 = arith.select %gt3A_318, %add3A_322, %broadcast_in_dim3A_324 : vector<256x1xi1>, vector<256x1xi32>
      %swap3A_326 = arith.constant 0 : index
      %swap3A_327 = arith.constant 0 : index
      %swap3A_328 = arith.constant 7 : index
      %swap3A_329 = vector.load %arg3[%swap3A_326, %swap3A_327, %swap3A_328] : memref<1x256x16xi32, #tpu.memory_space<vmem>>, vector<1x256x1xi32>
      %swap3A_330 = vector.shape_cast %swap3A_329 : vector<1x256x1xi32> to vector<256x1xi32>
      %swap3A_331 = vector.shape_cast %select_n3A_325 : vector<256x1xi32> to vector<1x256x1xi32>
      tpu.vector_store %arg3[%swap3A_326, %swap3A_327, %swap3A_328], %swap3A_331 {strides = array<i32>} : memref<1x256x16xi32, #tpu.memory_space<vmem>>, vector<1x256x1xi32>,
      %convert_element_type3A_332 = arith.extui %gt3A_318 : vector<256x1xi1> to vector<256x1xi32>
      %add3A_333 = arith.addi %add3A_299, %convert_element_type3A_332 : vector<256x1xi32>
      %swap3A_334 = arith.constant 0 : index
      %swap3A_335 = arith.constant 0 : index
      %swap3A_336 = arith.constant 8 : index
      %swap3A_337 = vector.load %arg3[%swap3A_334, %swap3A_335, %swap3A_336] : memref<1x256x16xi32, #tpu.memory_space<vmem>>, vector<1x256x1xi32>
      %swap3A_338 = vector.shape_cast %swap3A_337 : vector<1x256x1xi32> to vector<256x1xi32>
      %swap3A_339 = vector.shape_cast %add3A_333 : vector<256x1xi32> to vector<1x256x1xi32>
      tpu.vector_store %arg3[%swap3A_334, %swap3A_335, %swap3A_336], %swap3A_339 {strides = array<i32>} : memref<1x256x16xi32, #tpu.memory_space<vmem>>, vector<1x256x1xi32>,
    } else {
    }
    %ge3A_29 = arith.constant 4 : i32
    %ge3A_30 = arith.cmpi sge, %arg1, %ge3A_29 : i32
    %lt3A_31 = arith.constant 5 : i32
    %lt3A_32 = arith.cmpi slt, %arg1, %lt3A_31 : i32
    %and3A_33 = arith.andi %ge3A_30, %lt3A_32 : i1
    %convert_element_type3A_34 = arith.extui %and3A_33 : i1 to i32
    %cond3A_35 = arith.constant 0 : i32
    %cond3A_36 = arith.cmpi ne, %convert_element_type3A_34, %cond3A_35 : i32
    scf.if %cond3A_36 {
      %get3A = arith.index_cast %mul3A_2 : i32 to index
      %get3A_61 = arith.constant 0 : index
      %get3A_62 = vector.load %arg4[%get3A, %get3A_61] : memref<2048x768xf32, #tpu.memory_space<vmem>>, vector<256x768xf32>
      %get3A_63 = arith.constant 0 : index
      %get3A_64 = arith.constant 0 : index
      %get3A_65 = vector.load %arg4[%get3A_63, %get3A_64] : memref<2048x768xf32, #tpu.memory_space<vmem>>, vector<1280x768xf32>
      %dot_general3A = arith.constant dense<0.000000e+00> : vector<256x1280xf32>
      %dot_general3A_66 = tpu.matmul %get3A_62, %get3A_65, %dot_general3A {dimension_numbers = #tpu.dot_dimension_numbers<[1], [1], [0], [0], [0, 0, 1, 0], [], []>, transpose_lhs_hint = false} : vector<256x768xf32>, vector<1280x768xf32>, vector<256x1280xf32> -> vector<256x1280xf32>
      %iota3A = tpu.iota {dimensions = array<i32: 1>} : vector<256x1280xi32>
      %iota3A_67 = tpu.iota {dimensions = array<i32: 0>} : vector<256x1280xi32>
      %add3A = vector.broadcast %mul3A_2 : i32 to vector<256x1280xi32>
      %add3A_68 = arith.addi %add3A, %iota3A_67 : vector<256x1280xi32>
      %le3A = arith.cmpi sle, %iota3A, %add3A_68 : vector<256x1280xi32>
      %jit3A = arith.constant -1.000000e+30 : f32
      %broadcast_in_dim3A = vector.broadcast %jit3A : f32 to vector<256x1280xf32>
      %select_n3A = arith.select %le3A, %dot_general3A_66, %broadcast_in_dim3A : vector<256x1280xi1>, vector<256x1280xf32>
      %broadcast_in_dim3A_69 = arith.constant 0 : i32
      %broadcast_in_dim3A_70 = vector.broadcast %broadcast_in_dim3A_69 : i32 to vector<256x1xi32>
      %reduce_max3A = arith.constant dense<0xFF800000> : vector<256xf32>
      %reduce_max3A_71 = vector.multi_reduction <maximumf>, %select_n3A, %reduce_max3A [1] : vector<256x1280xf32> to vector<256xf32>
      %broadcast_in_dim3A_72 = vector.shape_cast %reduce_max3A_71 : vector<256xf32> to vector<256x1xf32>
      %eq3A_73 = vector.broadcast %broadcast_in_dim3A_72 : vector<256x1xf32> to vector<256x1280xf32>
      %eq3A_74 = arith.cmpf oeq, %select_n3A, %eq3A_73 : vector<256x1280xf32>
      %jit3A_75 = arith.constant 1073741824 : i32
      %broadcast_in_dim3A_76 = vector.broadcast %jit3A_75 : i32 to vector<256x1280xi32>
      %select_n3A_77 = arith.select %eq3A_74, %iota3A, %broadcast_in_dim3A_76 : vector<256x1280xi1>, vector<256x1280xi32>
      %reduce_min3A = arith.constant dense<2147483647> : vector<256xi32>
      %reduce_min3A_78 = vector.multi_reduction <minsi>, %select_n3A_77, %reduce_min3A [1] : vector<256x1280xi32> to vector<256xi32>
      %broadcast_in_dim3A_79 = vector.shape_cast %reduce_min3A_78 : vector<256xi32> to vector<256x1xi32>
      %gt3A = arith.constant -1.000000e+29 : f32
      %gt3A_80 = vector.broadcast %gt3A : f32 to vector<256x1xf32>
      %gt3A_81 = arith.cmpf ogt, %broadcast_in_dim3A_72, %gt3A_80 : vector<256x1xf32>
      %mul3A_82 = arith.constant 2048 : i32
      %mul3A_83 = arith.muli %arg0, %mul3A_82 : i32
      %add3A_84 = vector.broadcast %mul3A_83 : i32 to vector<256x1xi32>
      %add3A_85 = arith.addi %add3A_84, %broadcast_in_dim3A_79 : vector<256x1xi32>
      %jit3A_86 = arith.constant 4096 : i32
      %broadcast_in_dim3A_87 = vector.broadcast %jit3A_86 : i32 to vector<256x1xi32>
      %select_n3A_88 = arith.select %gt3A_81, %add3A_85, %broadcast_in_dim3A_87 : vector<256x1xi1>, vector<256x1xi32>
      %swap3A = arith.constant 0 : index
      %swap3A_89 = arith.constant 0 : index
      %swap3A_90 = arith.constant 0 : index
      %swap3A_91 = vector.load %arg3[%swap3A, %swap3A_89, %swap3A_90] : memref<1x256x16xi32, #tpu.memory_space<vmem>>, vector<1x256x1xi32>
      %swap3A_92 = vector.shape_cast %swap3A_91 : vector<1x256x1xi32> to vector<256x1xi32>
      %swap3A_93 = vector.shape_cast %select_n3A_88 : vector<256x1xi32> to vector<1x256x1xi32>
      tpu.vector_store %arg3[%swap3A, %swap3A_89, %swap3A_90], %swap3A_93 {strides = array<i32>} : memref<1x256x16xi32, #tpu.memory_space<vmem>>, vector<1x256x1xi32>,
      %convert_element_type3A_94 = arith.extui %gt3A_81 : vector<256x1xi1> to vector<256x1xi32>
      %add3A_95 = arith.addi %broadcast_in_dim3A_70, %convert_element_type3A_94 : vector<256x1xi32>
      %lt3A_96 = vector.broadcast %broadcast_in_dim3A_72 : vector<256x1xf32> to vector<256x1280xf32>
      %lt3A_97 = arith.cmpf olt, %select_n3A, %lt3A_96 : vector<256x1280xf32>
      %jit3A_98 = arith.constant -1.000000e+30 : f32
      %broadcast_in_dim3A_99 = vector.broadcast %jit3A_98 : f32 to vector<256x1280xf32>
      %select_n3A_100 = arith.select %lt3A_97, %select_n3A, %broadcast_in_dim3A_99 : vector<256x1280xi1>, vector<256x1280xf32>
      %reduce_max3A_101 = arith.constant dense<0xFF800000> : vector<256xf32>
      %reduce_max3A_102 = vector.multi_reduction <maximumf>, %select_n3A_100, %reduce_max3A_101 [1] : vector<256x1280xf32> to vector<256xf32>
      %broadcast_in_dim3A_103 = vector.shape_cast %reduce_max3A_102 : vector<256xf32> to vector<256x1xf32>
      %eq3A_104 = vector.broadcast %broadcast_in_dim3A_103 : vector<256x1xf32> to vector<256x1280xf32>
      %eq3A_105 = arith.cmpf oeq, %select_n3A_100, %eq3A_104 : vector<256x1280xf32>
      %jit3A_106 = arith.constant 1073741824 : i32
      %broadcast_in_dim3A_107 = vector.broadcast %jit3A_106 : i32 to vector<256x1280xi32>
      %select_n3A_108 = arith.select %eq3A_105, %iota3A, %broadcast_in_dim3A_107 : vector<256x1280xi1>, vector<256x1280xi32>
      %reduce_min3A_109 = arith.constant dense<2147483647> : vector<256xi32>
      %reduce_min3A_110 = vector.multi_reduction <minsi>, %select_n3A_108, %reduce_min3A_109 [1] : vector<256x1280xi32> to vector<256xi32>
      %broadcast_in_dim3A_111 = vector.shape_cast %reduce_min3A_110 : vector<256xi32> to vector<256x1xi32>
      %gt3A_112 = arith.constant -1.000000e+29 : f32
      %gt3A_113 = vector.broadcast %gt3A_112 : f32 to vector<256x1xf32>
      %gt3A_114 = arith.cmpf ogt, %broadcast_in_dim3A_103, %gt3A_113 : vector<256x1xf32>
      %mul3A_115 = arith.constant 2048 : i32
      %mul3A_116 = arith.muli %arg0, %mul3A_115 : i32
      %add3A_117 = vector.broadcast %mul3A_116 : i32 to vector<256x1xi32>
      %add3A_118 = arith.addi %add3A_117, %broadcast_in_dim3A_111 : vector<256x1xi32>
      %jit3A_119 = arith.constant 4096 : i32
      %broadcast_in_dim3A_120 = vector.broadcast %jit3A_119 : i32 to vector<256x1xi32>
      %select_n3A_121 = arith.select %gt3A_114, %add3A_118, %broadcast_in_dim3A_120 : vector<256x1xi1>, vector<256x1xi32>
      %swap3A_122 = arith.constant 0 : index
      %swap3A_123 = arith.constant 0 : index
      %swap3A_124 = arith.constant 1 : index
      %swap3A_125 = vector.load %arg3[%swap3A_122, %swap3A_123, %swap3A_124] : memref<1x256x16xi32, #tpu.memory_space<vmem>>, vector<1x256x1xi32>
      %swap3A_126 = vector.shape_cast %swap3A_125 : vector<1x256x1xi32> to vector<256x1xi32>
      %swap3A_127 = vector.shape_cast %select_n3A_121 : vector<256x1xi32> to vector<1x256x1xi32>
      tpu.vector_store %arg3[%swap3A_122, %swap3A_123, %swap3A_124], %swap3A_127 {strides = array<i32>} : memref<1x256x16xi32, #tpu.memory_space<vmem>>, vector<1x256x1xi32>,
      %convert_element_type3A_128 = arith.extui %gt3A_114 : vector<256x1xi1> to vector<256x1xi32>
      %add3A_129 = arith.addi %add3A_95, %convert_element_type3A_128 : vector<256x1xi32>
      %lt3A_130 = vector.broadcast %broadcast_in_dim3A_103 : vector<256x1xf32> to vector<256x1280xf32>
      %lt3A_131 = arith.cmpf olt, %select_n3A, %lt3A_130 : vector<256x1280xf32>
      %jit3A_132 = arith.constant -1.000000e+30 : f32
      %broadcast_in_dim3A_133 = vector.broadcast %jit3A_132 : f32 to vector<256x1280xf32>
      %select_n3A_134 = arith.select %lt3A_131, %select_n3A, %broadcast_in_dim3A_133 : vector<256x1280xi1>, vector<256x1280xf32>
      %reduce_max3A_135 = arith.constant dense<0xFF800000> : vector<256xf32>
      %reduce_max3A_136 = vector.multi_reduction <maximumf>, %select_n3A_134, %reduce_max3A_135 [1] : vector<256x1280xf32> to vector<256xf32>
      %broadcast_in_dim3A_137 = vector.shape_cast %reduce_max3A_136 : vector<256xf32> to vector<256x1xf32>
      %eq3A_138 = vector.broadcast %broadcast_in_dim3A_137 : vector<256x1xf32> to vector<256x1280xf32>
      %eq3A_139 = arith.cmpf oeq, %select_n3A_134, %eq3A_138 : vector<256x1280xf32>
      %jit3A_140 = arith.constant 1073741824 : i32
      %broadcast_in_dim3A_141 = vector.broadcast %jit3A_140 : i32 to vector<256x1280xi32>
      %select_n3A_142 = arith.select %eq3A_139, %iota3A, %broadcast_in_dim3A_141 : vector<256x1280xi1>, vector<256x1280xi32>
      %reduce_min3A_143 = arith.constant dense<2147483647> : vector<256xi32>
      %reduce_min3A_144 = vector.multi_reduction <minsi>, %select_n3A_142, %reduce_min3A_143 [1] : vector<256x1280xi32> to vector<256xi32>
      %broadcast_in_dim3A_145 = vector.shape_cast %reduce_min3A_144 : vector<256xi32> to vector<256x1xi32>
      %gt3A_146 = arith.constant -1.000000e+29 : f32
      %gt3A_147 = vector.broadcast %gt3A_146 : f32 to vector<256x1xf32>
      %gt3A_148 = arith.cmpf ogt, %broadcast_in_dim3A_137, %gt3A_147 : vector<256x1xf32>
      %mul3A_149 = arith.constant 2048 : i32
      %mul3A_150 = arith.muli %arg0, %mul3A_149 : i32
      %add3A_151 = vector.broadcast %mul3A_150 : i32 to vector<256x1xi32>
      %add3A_152 = arith.addi %add3A_151, %broadcast_in_dim3A_145 : vector<256x1xi32>
      %jit3A_153 = arith.constant 4096 : i32
      %broadcast_in_dim3A_154 = vector.broadcast %jit3A_153 : i32 to vector<256x1xi32>
      %select_n3A_155 = arith.select %gt3A_148, %add3A_152, %broadcast_in_dim3A_154 : vector<256x1xi1>, vector<256x1xi32>
      %swap3A_156 = arith.constant 0 : index
      %swap3A_157 = arith.constant 0 : index
      %swap3A_158 = arith.constant 2 : index
      %swap3A_159 = vector.load %arg3[%swap3A_156, %swap3A_157, %swap3A_158] : memref<1x256x16xi32, #tpu.memory_space<vmem>>, vector<1x256x1xi32>
      %swap3A_160 = vector.shape_cast %swap3A_159 : vector<1x256x1xi32> to vector<256x1xi32>
      %swap3A_161 = vector.shape_cast %select_n3A_155 : vector<256x1xi32> to vector<1x256x1xi32>
      tpu.vector_store %arg3[%swap3A_156, %swap3A_157, %swap3A_158], %swap3A_161 {strides = array<i32>} : memref<1x256x16xi32, #tpu.memory_space<vmem>>, vector<1x256x1xi32>,
      %convert_element_type3A_162 = arith.extui %gt3A_148 : vector<256x1xi1> to vector<256x1xi32>
      %add3A_163 = arith.addi %add3A_129, %convert_element_type3A_162 : vector<256x1xi32>
      %lt3A_164 = vector.broadcast %broadcast_in_dim3A_137 : vector<256x1xf32> to vector<256x1280xf32>
      %lt3A_165 = arith.cmpf olt, %select_n3A, %lt3A_164 : vector<256x1280xf32>
      %jit3A_166 = arith.constant -1.000000e+30 : f32
      %broadcast_in_dim3A_167 = vector.broadcast %jit3A_166 : f32 to vector<256x1280xf32>
      %select_n3A_168 = arith.select %lt3A_165, %select_n3A, %broadcast_in_dim3A_167 : vector<256x1280xi1>, vector<256x1280xf32>
      %reduce_max3A_169 = arith.constant dense<0xFF800000> : vector<256xf32>
      %reduce_max3A_170 = vector.multi_reduction <maximumf>, %select_n3A_168, %reduce_max3A_169 [1] : vector<256x1280xf32> to vector<256xf32>
      %broadcast_in_dim3A_171 = vector.shape_cast %reduce_max3A_170 : vector<256xf32> to vector<256x1xf32>
      %eq3A_172 = vector.broadcast %broadcast_in_dim3A_171 : vector<256x1xf32> to vector<256x1280xf32>
      %eq3A_173 = arith.cmpf oeq, %select_n3A_168, %eq3A_172 : vector<256x1280xf32>
      %jit3A_174 = arith.constant 1073741824 : i32
      %broadcast_in_dim3A_175 = vector.broadcast %jit3A_174 : i32 to vector<256x1280xi32>
      %select_n3A_176 = arith.select %eq3A_173, %iota3A, %broadcast_in_dim3A_175 : vector<256x1280xi1>, vector<256x1280xi32>
      %reduce_min3A_177 = arith.constant dense<2147483647> : vector<256xi32>
      %reduce_min3A_178 = vector.multi_reduction <minsi>, %select_n3A_176, %reduce_min3A_177 [1] : vector<256x1280xi32> to vector<256xi32>
      %broadcast_in_dim3A_179 = vector.shape_cast %reduce_min3A_178 : vector<256xi32> to vector<256x1xi32>
      %gt3A_180 = arith.constant -1.000000e+29 : f32
      %gt3A_181 = vector.broadcast %gt3A_180 : f32 to vector<256x1xf32>
      %gt3A_182 = arith.cmpf ogt, %broadcast_in_dim3A_171, %gt3A_181 : vector<256x1xf32>
      %mul3A_183 = arith.constant 2048 : i32
      %mul3A_184 = arith.muli %arg0, %mul3A_183 : i32
      %add3A_185 = vector.broadcast %mul3A_184 : i32 to vector<256x1xi32>
      %add3A_186 = arith.addi %add3A_185, %broadcast_in_dim3A_179 : vector<256x1xi32>
      %jit3A_187 = arith.constant 4096 : i32
      %broadcast_in_dim3A_188 = vector.broadcast %jit3A_187 : i32 to vector<256x1xi32>
      %select_n3A_189 = arith.select %gt3A_182, %add3A_186, %broadcast_in_dim3A_188 : vector<256x1xi1>, vector<256x1xi32>
      %swap3A_190 = arith.constant 0 : index
      %swap3A_191 = arith.constant 0 : index
      %swap3A_192 = arith.constant 3 : index
      %swap3A_193 = vector.load %arg3[%swap3A_190, %swap3A_191, %swap3A_192] : memref<1x256x16xi32, #tpu.memory_space<vmem>>, vector<1x256x1xi32>
      %swap3A_194 = vector.shape_cast %swap3A_193 : vector<1x256x1xi32> to vector<256x1xi32>
      %swap3A_195 = vector.shape_cast %select_n3A_189 : vector<256x1xi32> to vector<1x256x1xi32>
      tpu.vector_store %arg3[%swap3A_190, %swap3A_191, %swap3A_192], %swap3A_195 {strides = array<i32>} : memref<1x256x16xi32, #tpu.memory_space<vmem>>, vector<1x256x1xi32>,
      %convert_element_type3A_196 = arith.extui %gt3A_182 : vector<256x1xi1> to vector<256x1xi32>
      %add3A_197 = arith.addi %add3A_163, %convert_element_type3A_196 : vector<256x1xi32>
      %lt3A_198 = vector.broadcast %broadcast_in_dim3A_171 : vector<256x1xf32> to vector<256x1280xf32>
      %lt3A_199 = arith.cmpf olt, %select_n3A, %lt3A_198 : vector<256x1280xf32>
      %jit3A_200 = arith.constant -1.000000e+30 : f32
      %broadcast_in_dim3A_201 = vector.broadcast %jit3A_200 : f32 to vector<256x1280xf32>
      %select_n3A_202 = arith.select %lt3A_199, %select_n3A, %broadcast_in_dim3A_201 : vector<256x1280xi1>, vector<256x1280xf32>
      %reduce_max3A_203 = arith.constant dense<0xFF800000> : vector<256xf32>
      %reduce_max3A_204 = vector.multi_reduction <maximumf>, %select_n3A_202, %reduce_max3A_203 [1] : vector<256x1280xf32> to vector<256xf32>
      %broadcast_in_dim3A_205 = vector.shape_cast %reduce_max3A_204 : vector<256xf32> to vector<256x1xf32>
      %eq3A_206 = vector.broadcast %broadcast_in_dim3A_205 : vector<256x1xf32> to vector<256x1280xf32>
      %eq3A_207 = arith.cmpf oeq, %select_n3A_202, %eq3A_206 : vector<256x1280xf32>
      %jit3A_208 = arith.constant 1073741824 : i32
      %broadcast_in_dim3A_209 = vector.broadcast %jit3A_208 : i32 to vector<256x1280xi32>
      %select_n3A_210 = arith.select %eq3A_207, %iota3A, %broadcast_in_dim3A_209 : vector<256x1280xi1>, vector<256x1280xi32>
      %reduce_min3A_211 = arith.constant dense<2147483647> : vector<256xi32>
      %reduce_min3A_212 = vector.multi_reduction <minsi>, %select_n3A_210, %reduce_min3A_211 [1] : vector<256x1280xi32> to vector<256xi32>
      %broadcast_in_dim3A_213 = vector.shape_cast %reduce_min3A_212 : vector<256xi32> to vector<256x1xi32>
      %gt3A_214 = arith.constant -1.000000e+29 : f32
      %gt3A_215 = vector.broadcast %gt3A_214 : f32 to vector<256x1xf32>
      %gt3A_216 = arith.cmpf ogt, %broadcast_in_dim3A_205, %gt3A_215 : vector<256x1xf32>
      %mul3A_217 = arith.constant 2048 : i32
      %mul3A_218 = arith.muli %arg0, %mul3A_217 : i32
      %add3A_219 = vector.broadcast %mul3A_218 : i32 to vector<256x1xi32>
      %add3A_220 = arith.addi %add3A_219, %broadcast_in_dim3A_213 : vector<256x1xi32>
      %jit3A_221 = arith.constant 4096 : i32
      %broadcast_in_dim3A_222 = vector.broadcast %jit3A_221 : i32 to vector<256x1xi32>
      %select_n3A_223 = arith.select %gt3A_216, %add3A_220, %broadcast_in_dim3A_222 : vector<256x1xi1>, vector<256x1xi32>
      %swap3A_224 = arith.constant 0 : index
      %swap3A_225 = arith.constant 0 : index
      %swap3A_226 = arith.constant 4 : index
      %swap3A_227 = vector.load %arg3[%swap3A_224, %swap3A_225, %swap3A_226] : memref<1x256x16xi32, #tpu.memory_space<vmem>>, vector<1x256x1xi32>
      %swap3A_228 = vector.shape_cast %swap3A_227 : vector<1x256x1xi32> to vector<256x1xi32>
      %swap3A_229 = vector.shape_cast %select_n3A_223 : vector<256x1xi32> to vector<1x256x1xi32>
      tpu.vector_store %arg3[%swap3A_224, %swap3A_225, %swap3A_226], %swap3A_229 {strides = array<i32>} : memref<1x256x16xi32, #tpu.memory_space<vmem>>, vector<1x256x1xi32>,
      %convert_element_type3A_230 = arith.extui %gt3A_216 : vector<256x1xi1> to vector<256x1xi32>
      %add3A_231 = arith.addi %add3A_197, %convert_element_type3A_230 : vector<256x1xi32>
      %lt3A_232 = vector.broadcast %broadcast_in_dim3A_205 : vector<256x1xf32> to vector<256x1280xf32>
      %lt3A_233 = arith.cmpf olt, %select_n3A, %lt3A_232 : vector<256x1280xf32>
      %jit3A_234 = arith.constant -1.000000e+30 : f32
      %broadcast_in_dim3A_235 = vector.broadcast %jit3A_234 : f32 to vector<256x1280xf32>
      %select_n3A_236 = arith.select %lt3A_233, %select_n3A, %broadcast_in_dim3A_235 : vector<256x1280xi1>, vector<256x1280xf32>
      %reduce_max3A_237 = arith.constant dense<0xFF800000> : vector<256xf32>
      %reduce_max3A_238 = vector.multi_reduction <maximumf>, %select_n3A_236, %reduce_max3A_237 [1] : vector<256x1280xf32> to vector<256xf32>
      %broadcast_in_dim3A_239 = vector.shape_cast %reduce_max3A_238 : vector<256xf32> to vector<256x1xf32>
      %eq3A_240 = vector.broadcast %broadcast_in_dim3A_239 : vector<256x1xf32> to vector<256x1280xf32>
      %eq3A_241 = arith.cmpf oeq, %select_n3A_236, %eq3A_240 : vector<256x1280xf32>
      %jit3A_242 = arith.constant 1073741824 : i32
      %broadcast_in_dim3A_243 = vector.broadcast %jit3A_242 : i32 to vector<256x1280xi32>
      %select_n3A_244 = arith.select %eq3A_241, %iota3A, %broadcast_in_dim3A_243 : vector<256x1280xi1>, vector<256x1280xi32>
      %reduce_min3A_245 = arith.constant dense<2147483647> : vector<256xi32>
      %reduce_min3A_246 = vector.multi_reduction <minsi>, %select_n3A_244, %reduce_min3A_245 [1] : vector<256x1280xi32> to vector<256xi32>
      %broadcast_in_dim3A_247 = vector.shape_cast %reduce_min3A_246 : vector<256xi32> to vector<256x1xi32>
      %gt3A_248 = arith.constant -1.000000e+29 : f32
      %gt3A_249 = vector.broadcast %gt3A_248 : f32 to vector<256x1xf32>
      %gt3A_250 = arith.cmpf ogt, %broadcast_in_dim3A_239, %gt3A_249 : vector<256x1xf32>
      %mul3A_251 = arith.constant 2048 : i32
      %mul3A_252 = arith.muli %arg0, %mul3A_251 : i32
      %add3A_253 = vector.broadcast %mul3A_252 : i32 to vector<256x1xi32>
      %add3A_254 = arith.addi %add3A_253, %broadcast_in_dim3A_247 : vector<256x1xi32>
      %jit3A_255 = arith.constant 4096 : i32
      %broadcast_in_dim3A_256 = vector.broadcast %jit3A_255 : i32 to vector<256x1xi32>
      %select_n3A_257 = arith.select %gt3A_250, %add3A_254, %broadcast_in_dim3A_256 : vector<256x1xi1>, vector<256x1xi32>
      %swap3A_258 = arith.constant 0 : index
      %swap3A_259 = arith.constant 0 : index
      %swap3A_260 = arith.constant 5 : index
      %swap3A_261 = vector.load %arg3[%swap3A_258, %swap3A_259, %swap3A_260] : memref<1x256x16xi32, #tpu.memory_space<vmem>>, vector<1x256x1xi32>
      %swap3A_262 = vector.shape_cast %swap3A_261 : vector<1x256x1xi32> to vector<256x1xi32>
      %swap3A_263 = vector.shape_cast %select_n3A_257 : vector<256x1xi32> to vector<1x256x1xi32>
      tpu.vector_store %arg3[%swap3A_258, %swap3A_259, %swap3A_260], %swap3A_263 {strides = array<i32>} : memref<1x256x16xi32, #tpu.memory_space<vmem>>, vector<1x256x1xi32>,
      %convert_element_type3A_264 = arith.extui %gt3A_250 : vector<256x1xi1> to vector<256x1xi32>
      %add3A_265 = arith.addi %add3A_231, %convert_element_type3A_264 : vector<256x1xi32>
      %lt3A_266 = vector.broadcast %broadcast_in_dim3A_239 : vector<256x1xf32> to vector<256x1280xf32>
      %lt3A_267 = arith.cmpf olt, %select_n3A, %lt3A_266 : vector<256x1280xf32>
      %jit3A_268 = arith.constant -1.000000e+30 : f32
      %broadcast_in_dim3A_269 = vector.broadcast %jit3A_268 : f32 to vector<256x1280xf32>
      %select_n3A_270 = arith.select %lt3A_267, %select_n3A, %broadcast_in_dim3A_269 : vector<256x1280xi1>, vector<256x1280xf32>
      %reduce_max3A_271 = arith.constant dense<0xFF800000> : vector<256xf32>
      %reduce_max3A_272 = vector.multi_reduction <maximumf>, %select_n3A_270, %reduce_max3A_271 [1] : vector<256x1280xf32> to vector<256xf32>
      %broadcast_in_dim3A_273 = vector.shape_cast %reduce_max3A_272 : vector<256xf32> to vector<256x1xf32>
      %eq3A_274 = vector.broadcast %broadcast_in_dim3A_273 : vector<256x1xf32> to vector<256x1280xf32>
      %eq3A_275 = arith.cmpf oeq, %select_n3A_270, %eq3A_274 : vector<256x1280xf32>
      %jit3A_276 = arith.constant 1073741824 : i32
      %broadcast_in_dim3A_277 = vector.broadcast %jit3A_276 : i32 to vector<256x1280xi32>
      %select_n3A_278 = arith.select %eq3A_275, %iota3A, %broadcast_in_dim3A_277 : vector<256x1280xi1>, vector<256x1280xi32>
      %reduce_min3A_279 = arith.constant dense<2147483647> : vector<256xi32>
      %reduce_min3A_280 = vector.multi_reduction <minsi>, %select_n3A_278, %reduce_min3A_279 [1] : vector<256x1280xi32> to vector<256xi32>
      %broadcast_in_dim3A_281 = vector.shape_cast %reduce_min3A_280 : vector<256xi32> to vector<256x1xi32>
      %gt3A_282 = arith.constant -1.000000e+29 : f32
      %gt3A_283 = vector.broadcast %gt3A_282 : f32 to vector<256x1xf32>
      %gt3A_284 = arith.cmpf ogt, %broadcast_in_dim3A_273, %gt3A_283 : vector<256x1xf32>
      %mul3A_285 = arith.constant 2048 : i32
      %mul3A_286 = arith.muli %arg0, %mul3A_285 : i32
      %add3A_287 = vector.broadcast %mul3A_286 : i32 to vector<256x1xi32>
      %add3A_288 = arith.addi %add3A_287, %broadcast_in_dim3A_281 : vector<256x1xi32>
      %jit3A_289 = arith.constant 4096 : i32
      %broadcast_in_dim3A_290 = vector.broadcast %jit3A_289 : i32 to vector<256x1xi32>
      %select_n3A_291 = arith.select %gt3A_284, %add3A_288, %broadcast_in_dim3A_290 : vector<256x1xi1>, vector<256x1xi32>
      %swap3A_292 = arith.constant 0 : index
      %swap3A_293 = arith.constant 0 : index
      %swap3A_294 = arith.constant 6 : index
      %swap3A_295 = vector.load %arg3[%swap3A_292, %swap3A_293, %swap3A_294] : memref<1x256x16xi32, #tpu.memory_space<vmem>>, vector<1x256x1xi32>
      %swap3A_296 = vector.shape_cast %swap3A_295 : vector<1x256x1xi32> to vector<256x1xi32>
      %swap3A_297 = vector.shape_cast %select_n3A_291 : vector<256x1xi32> to vector<1x256x1xi32>
      tpu.vector_store %arg3[%swap3A_292, %swap3A_293, %swap3A_294], %swap3A_297 {strides = array<i32>} : memref<1x256x16xi32, #tpu.memory_space<vmem>>, vector<1x256x1xi32>,
      %convert_element_type3A_298 = arith.extui %gt3A_284 : vector<256x1xi1> to vector<256x1xi32>
      %add3A_299 = arith.addi %add3A_265, %convert_element_type3A_298 : vector<256x1xi32>
      %lt3A_300 = vector.broadcast %broadcast_in_dim3A_273 : vector<256x1xf32> to vector<256x1280xf32>
      %lt3A_301 = arith.cmpf olt, %select_n3A, %lt3A_300 : vector<256x1280xf32>
      %jit3A_302 = arith.constant -1.000000e+30 : f32
      %broadcast_in_dim3A_303 = vector.broadcast %jit3A_302 : f32 to vector<256x1280xf32>
      %select_n3A_304 = arith.select %lt3A_301, %select_n3A, %broadcast_in_dim3A_303 : vector<256x1280xi1>, vector<256x1280xf32>
      %reduce_max3A_305 = arith.constant dense<0xFF800000> : vector<256xf32>
      %reduce_max3A_306 = vector.multi_reduction <maximumf>, %select_n3A_304, %reduce_max3A_305 [1] : vector<256x1280xf32> to vector<256xf32>
      %broadcast_in_dim3A_307 = vector.shape_cast %reduce_max3A_306 : vector<256xf32> to vector<256x1xf32>
      %eq3A_308 = vector.broadcast %broadcast_in_dim3A_307 : vector<256x1xf32> to vector<256x1280xf32>
      %eq3A_309 = arith.cmpf oeq, %select_n3A_304, %eq3A_308 : vector<256x1280xf32>
      %jit3A_310 = arith.constant 1073741824 : i32
      %broadcast_in_dim3A_311 = vector.broadcast %jit3A_310 : i32 to vector<256x1280xi32>
      %select_n3A_312 = arith.select %eq3A_309, %iota3A, %broadcast_in_dim3A_311 : vector<256x1280xi1>, vector<256x1280xi32>
      %reduce_min3A_313 = arith.constant dense<2147483647> : vector<256xi32>
      %reduce_min3A_314 = vector.multi_reduction <minsi>, %select_n3A_312, %reduce_min3A_313 [1] : vector<256x1280xi32> to vector<256xi32>
      %broadcast_in_dim3A_315 = vector.shape_cast %reduce_min3A_314 : vector<256xi32> to vector<256x1xi32>
      %gt3A_316 = arith.constant -1.000000e+29 : f32
      %gt3A_317 = vector.broadcast %gt3A_316 : f32 to vector<256x1xf32>
      %gt3A_318 = arith.cmpf ogt, %broadcast_in_dim3A_307, %gt3A_317 : vector<256x1xf32>
      %mul3A_319 = arith.constant 2048 : i32
      %mul3A_320 = arith.muli %arg0, %mul3A_319 : i32
      %add3A_321 = vector.broadcast %mul3A_320 : i32 to vector<256x1xi32>
      %add3A_322 = arith.addi %add3A_321, %broadcast_in_dim3A_315 : vector<256x1xi32>
      %jit3A_323 = arith.constant 4096 : i32
      %broadcast_in_dim3A_324 = vector.broadcast %jit3A_323 : i32 to vector<256x1xi32>
      %select_n3A_325 = arith.select %gt3A_318, %add3A_322, %broadcast_in_dim3A_324 : vector<256x1xi1>, vector<256x1xi32>
      %swap3A_326 = arith.constant 0 : index
      %swap3A_327 = arith.constant 0 : index
      %swap3A_328 = arith.constant 7 : index
      %swap3A_329 = vector.load %arg3[%swap3A_326, %swap3A_327, %swap3A_328] : memref<1x256x16xi32, #tpu.memory_space<vmem>>, vector<1x256x1xi32>
      %swap3A_330 = vector.shape_cast %swap3A_329 : vector<1x256x1xi32> to vector<256x1xi32>
      %swap3A_331 = vector.shape_cast %select_n3A_325 : vector<256x1xi32> to vector<1x256x1xi32>
      tpu.vector_store %arg3[%swap3A_326, %swap3A_327, %swap3A_328], %swap3A_331 {strides = array<i32>} : memref<1x256x16xi32, #tpu.memory_space<vmem>>, vector<1x256x1xi32>,
      %convert_element_type3A_332 = arith.extui %gt3A_318 : vector<256x1xi1> to vector<256x1xi32>
      %add3A_333 = arith.addi %add3A_299, %convert_element_type3A_332 : vector<256x1xi32>
      %swap3A_334 = arith.constant 0 : index
      %swap3A_335 = arith.constant 0 : index
      %swap3A_336 = arith.constant 8 : index
      %swap3A_337 = vector.load %arg3[%swap3A_334, %swap3A_335, %swap3A_336] : memref<1x256x16xi32, #tpu.memory_space<vmem>>, vector<1x256x1xi32>
      %swap3A_338 = vector.shape_cast %swap3A_337 : vector<1x256x1xi32> to vector<256x1xi32>
      %swap3A_339 = vector.shape_cast %add3A_333 : vector<256x1xi32> to vector<1x256x1xi32>
      tpu.vector_store %arg3[%swap3A_334, %swap3A_335, %swap3A_336], %swap3A_339 {strides = array<i32>} : memref<1x256x16xi32, #tpu.memory_space<vmem>>, vector<1x256x1xi32>,
    } else {
    }
    %ge3A_37 = arith.constant 5 : i32
    %ge3A_38 = arith.cmpi sge, %arg1, %ge3A_37 : i32
    %lt3A_39 = arith.constant 6 : i32
    %lt3A_40 = arith.cmpi slt, %arg1, %lt3A_39 : i32
    %and3A_41 = arith.andi %ge3A_38, %lt3A_40 : i1
    %convert_element_type3A_42 = arith.extui %and3A_41 : i1 to i32
    %cond3A_43 = arith.constant 0 : i32
    %cond3A_44 = arith.cmpi ne, %convert_element_type3A_42, %cond3A_43 : i32
    scf.if %cond3A_44 {
      %get3A = arith.index_cast %mul3A_2 : i32 to index
      %get3A_61 = arith.constant 0 : index
      %get3A_62 = vector.load %arg4[%get3A, %get3A_61] : memref<2048x768xf32, #tpu.memory_space<vmem>>, vector<256x768xf32>
      %get3A_63 = arith.constant 0 : index
      %get3A_64 = arith.constant 0 : index
      %get3A_65 = vector.load %arg4[%get3A_63, %get3A_64] : memref<2048x768xf32, #tpu.memory_space<vmem>>, vector<1536x768xf32>
      %dot_general3A = arith.constant dense<0.000000e+00> : vector<256x1536xf32>
      %dot_general3A_66 = tpu.matmul %get3A_62, %get3A_65, %dot_general3A {dimension_numbers = #tpu.dot_dimension_numbers<[1], [1], [0], [0], [0, 0, 1, 0], [], []>, transpose_lhs_hint = false} : vector<256x768xf32>, vector<1536x768xf32>, vector<256x1536xf32> -> vector<256x1536xf32>
      %iota3A = tpu.iota {dimensions = array<i32: 1>} : vector<256x1536xi32>
      %iota3A_67 = tpu.iota {dimensions = array<i32: 0>} : vector<256x1536xi32>
      %add3A = vector.broadcast %mul3A_2 : i32 to vector<256x1536xi32>
      %add3A_68 = arith.addi %add3A, %iota3A_67 : vector<256x1536xi32>
      %le3A = arith.cmpi sle, %iota3A, %add3A_68 : vector<256x1536xi32>
      %jit3A = arith.constant -1.000000e+30 : f32
      %broadcast_in_dim3A = vector.broadcast %jit3A : f32 to vector<256x1536xf32>
      %select_n3A = arith.select %le3A, %dot_general3A_66, %broadcast_in_dim3A : vector<256x1536xi1>, vector<256x1536xf32>
      %broadcast_in_dim3A_69 = arith.constant 0 : i32
      %broadcast_in_dim3A_70 = vector.broadcast %broadcast_in_dim3A_69 : i32 to vector<256x1xi32>
      %reduce_max3A = arith.constant dense<0xFF800000> : vector<256xf32>
      %reduce_max3A_71 = vector.multi_reduction <maximumf>, %select_n3A, %reduce_max3A [1] : vector<256x1536xf32> to vector<256xf32>
      %broadcast_in_dim3A_72 = vector.shape_cast %reduce_max3A_71 : vector<256xf32> to vector<256x1xf32>
      %eq3A_73 = vector.broadcast %broadcast_in_dim3A_72 : vector<256x1xf32> to vector<256x1536xf32>
      %eq3A_74 = arith.cmpf oeq, %select_n3A, %eq3A_73 : vector<256x1536xf32>
      %jit3A_75 = arith.constant 1073741824 : i32
      %broadcast_in_dim3A_76 = vector.broadcast %jit3A_75 : i32 to vector<256x1536xi32>
      %select_n3A_77 = arith.select %eq3A_74, %iota3A, %broadcast_in_dim3A_76 : vector<256x1536xi1>, vector<256x1536xi32>
      %reduce_min3A = arith.constant dense<2147483647> : vector<256xi32>
      %reduce_min3A_78 = vector.multi_reduction <minsi>, %select_n3A_77, %reduce_min3A [1] : vector<256x1536xi32> to vector<256xi32>
      %broadcast_in_dim3A_79 = vector.shape_cast %reduce_min3A_78 : vector<256xi32> to vector<256x1xi32>
      %gt3A = arith.constant -1.000000e+29 : f32
      %gt3A_80 = vector.broadcast %gt3A : f32 to vector<256x1xf32>
      %gt3A_81 = arith.cmpf ogt, %broadcast_in_dim3A_72, %gt3A_80 : vector<256x1xf32>
      %mul3A_82 = arith.constant 2048 : i32
      %mul3A_83 = arith.muli %arg0, %mul3A_82 : i32
      %add3A_84 = vector.broadcast %mul3A_83 : i32 to vector<256x1xi32>
      %add3A_85 = arith.addi %add3A_84, %broadcast_in_dim3A_79 : vector<256x1xi32>
      %jit3A_86 = arith.constant 4096 : i32
      %broadcast_in_dim3A_87 = vector.broadcast %jit3A_86 : i32 to vector<256x1xi32>
      %select_n3A_88 = arith.select %gt3A_81, %add3A_85, %broadcast_in_dim3A_87 : vector<256x1xi1>, vector<256x1xi32>
      %swap3A = arith.constant 0 : index
      %swap3A_89 = arith.constant 0 : index
      %swap3A_90 = arith.constant 0 : index
      %swap3A_91 = vector.load %arg3[%swap3A, %swap3A_89, %swap3A_90] : memref<1x256x16xi32, #tpu.memory_space<vmem>>, vector<1x256x1xi32>
      %swap3A_92 = vector.shape_cast %swap3A_91 : vector<1x256x1xi32> to vector<256x1xi32>
      %swap3A_93 = vector.shape_cast %select_n3A_88 : vector<256x1xi32> to vector<1x256x1xi32>
      tpu.vector_store %arg3[%swap3A, %swap3A_89, %swap3A_90], %swap3A_93 {strides = array<i32>} : memref<1x256x16xi32, #tpu.memory_space<vmem>>, vector<1x256x1xi32>,
      %convert_element_type3A_94 = arith.extui %gt3A_81 : vector<256x1xi1> to vector<256x1xi32>
      %add3A_95 = arith.addi %broadcast_in_dim3A_70, %convert_element_type3A_94 : vector<256x1xi32>
      %lt3A_96 = vector.broadcast %broadcast_in_dim3A_72 : vector<256x1xf32> to vector<256x1536xf32>
      %lt3A_97 = arith.cmpf olt, %select_n3A, %lt3A_96 : vector<256x1536xf32>
      %jit3A_98 = arith.constant -1.000000e+30 : f32
      %broadcast_in_dim3A_99 = vector.broadcast %jit3A_98 : f32 to vector<256x1536xf32>
      %select_n3A_100 = arith.select %lt3A_97, %select_n3A, %broadcast_in_dim3A_99 : vector<256x1536xi1>, vector<256x1536xf32>
      %reduce_max3A_101 = arith.constant dense<0xFF800000> : vector<256xf32>
      %reduce_max3A_102 = vector.multi_reduction <maximumf>, %select_n3A_100, %reduce_max3A_101 [1] : vector<256x1536xf32> to vector<256xf32>
      %broadcast_in_dim3A_103 = vector.shape_cast %reduce_max3A_102 : vector<256xf32> to vector<256x1xf32>
      %eq3A_104 = vector.broadcast %broadcast_in_dim3A_103 : vector<256x1xf32> to vector<256x1536xf32>
      %eq3A_105 = arith.cmpf oeq, %select_n3A_100, %eq3A_104 : vector<256x1536xf32>
      %jit3A_106 = arith.constant 1073741824 : i32
      %broadcast_in_dim3A_107 = vector.broadcast %jit3A_106 : i32 to vector<256x1536xi32>
      %select_n3A_108 = arith.select %eq3A_105, %iota3A, %broadcast_in_dim3A_107 : vector<256x1536xi1>, vector<256x1536xi32>
      %reduce_min3A_109 = arith.constant dense<2147483647> : vector<256xi32>
      %reduce_min3A_110 = vector.multi_reduction <minsi>, %select_n3A_108, %reduce_min3A_109 [1] : vector<256x1536xi32> to vector<256xi32>
      %broadcast_in_dim3A_111 = vector.shape_cast %reduce_min3A_110 : vector<256xi32> to vector<256x1xi32>
      %gt3A_112 = arith.constant -1.000000e+29 : f32
      %gt3A_113 = vector.broadcast %gt3A_112 : f32 to vector<256x1xf32>
      %gt3A_114 = arith.cmpf ogt, %broadcast_in_dim3A_103, %gt3A_113 : vector<256x1xf32>
      %mul3A_115 = arith.constant 2048 : i32
      %mul3A_116 = arith.muli %arg0, %mul3A_115 : i32
      %add3A_117 = vector.broadcast %mul3A_116 : i32 to vector<256x1xi32>
      %add3A_118 = arith.addi %add3A_117, %broadcast_in_dim3A_111 : vector<256x1xi32>
      %jit3A_119 = arith.constant 4096 : i32
      %broadcast_in_dim3A_120 = vector.broadcast %jit3A_119 : i32 to vector<256x1xi32>
      %select_n3A_121 = arith.select %gt3A_114, %add3A_118, %broadcast_in_dim3A_120 : vector<256x1xi1>, vector<256x1xi32>
      %swap3A_122 = arith.constant 0 : index
      %swap3A_123 = arith.constant 0 : index
      %swap3A_124 = arith.constant 1 : index
      %swap3A_125 = vector.load %arg3[%swap3A_122, %swap3A_123, %swap3A_124] : memref<1x256x16xi32, #tpu.memory_space<vmem>>, vector<1x256x1xi32>
      %swap3A_126 = vector.shape_cast %swap3A_125 : vector<1x256x1xi32> to vector<256x1xi32>
      %swap3A_127 = vector.shape_cast %select_n3A_121 : vector<256x1xi32> to vector<1x256x1xi32>
      tpu.vector_store %arg3[%swap3A_122, %swap3A_123, %swap3A_124], %swap3A_127 {strides = array<i32>} : memref<1x256x16xi32, #tpu.memory_space<vmem>>, vector<1x256x1xi32>,
      %convert_element_type3A_128 = arith.extui %gt3A_114 : vector<256x1xi1> to vector<256x1xi32>
      %add3A_129 = arith.addi %add3A_95, %convert_element_type3A_128 : vector<256x1xi32>
      %lt3A_130 = vector.broadcast %broadcast_in_dim3A_103 : vector<256x1xf32> to vector<256x1536xf32>
      %lt3A_131 = arith.cmpf olt, %select_n3A, %lt3A_130 : vector<256x1536xf32>
      %jit3A_132 = arith.constant -1.000000e+30 : f32
      %broadcast_in_dim3A_133 = vector.broadcast %jit3A_132 : f32 to vector<256x1536xf32>
      %select_n3A_134 = arith.select %lt3A_131, %select_n3A, %broadcast_in_dim3A_133 : vector<256x1536xi1>, vector<256x1536xf32>
      %reduce_max3A_135 = arith.constant dense<0xFF800000> : vector<256xf32>
      %reduce_max3A_136 = vector.multi_reduction <maximumf>, %select_n3A_134, %reduce_max3A_135 [1] : vector<256x1536xf32> to vector<256xf32>
      %broadcast_in_dim3A_137 = vector.shape_cast %reduce_max3A_136 : vector<256xf32> to vector<256x1xf32>
      %eq3A_138 = vector.broadcast %broadcast_in_dim3A_137 : vector<256x1xf32> to vector<256x1536xf32>
      %eq3A_139 = arith.cmpf oeq, %select_n3A_134, %eq3A_138 : vector<256x1536xf32>
      %jit3A_140 = arith.constant 1073741824 : i32
      %broadcast_in_dim3A_141 = vector.broadcast %jit3A_140 : i32 to vector<256x1536xi32>
      %select_n3A_142 = arith.select %eq3A_139, %iota3A, %broadcast_in_dim3A_141 : vector<256x1536xi1>, vector<256x1536xi32>
      %reduce_min3A_143 = arith.constant dense<2147483647> : vector<256xi32>
      %reduce_min3A_144 = vector.multi_reduction <minsi>, %select_n3A_142, %reduce_min3A_143 [1] : vector<256x1536xi32> to vector<256xi32>
      %broadcast_in_dim3A_145 = vector.shape_cast %reduce_min3A_144 : vector<256xi32> to vector<256x1xi32>
      %gt3A_146 = arith.constant -1.000000e+29 : f32
      %gt3A_147 = vector.broadcast %gt3A_146 : f32 to vector<256x1xf32>
      %gt3A_148 = arith.cmpf ogt, %broadcast_in_dim3A_137, %gt3A_147 : vector<256x1xf32>
      %mul3A_149 = arith.constant 2048 : i32
      %mul3A_150 = arith.muli %arg0, %mul3A_149 : i32
      %add3A_151 = vector.broadcast %mul3A_150 : i32 to vector<256x1xi32>
      %add3A_152 = arith.addi %add3A_151, %broadcast_in_dim3A_145 : vector<256x1xi32>
      %jit3A_153 = arith.constant 4096 : i32
      %broadcast_in_dim3A_154 = vector.broadcast %jit3A_153 : i32 to vector<256x1xi32>
      %select_n3A_155 = arith.select %gt3A_148, %add3A_152, %broadcast_in_dim3A_154 : vector<256x1xi1>, vector<256x1xi32>
      %swap3A_156 = arith.constant 0 : index
      %swap3A_157 = arith.constant 0 : index
      %swap3A_158 = arith.constant 2 : index
      %swap3A_159 = vector.load %arg3[%swap3A_156, %swap3A_157, %swap3A_158] : memref<1x256x16xi32, #tpu.memory_space<vmem>>, vector<1x256x1xi32>
      %swap3A_160 = vector.shape_cast %swap3A_159 : vector<1x256x1xi32> to vector<256x1xi32>
      %swap3A_161 = vector.shape_cast %select_n3A_155 : vector<256x1xi32> to vector<1x256x1xi32>
      tpu.vector_store %arg3[%swap3A_156, %swap3A_157, %swap3A_158], %swap3A_161 {strides = array<i32>} : memref<1x256x16xi32, #tpu.memory_space<vmem>>, vector<1x256x1xi32>,
      %convert_element_type3A_162 = arith.extui %gt3A_148 : vector<256x1xi1> to vector<256x1xi32>
      %add3A_163 = arith.addi %add3A_129, %convert_element_type3A_162 : vector<256x1xi32>
      %lt3A_164 = vector.broadcast %broadcast_in_dim3A_137 : vector<256x1xf32> to vector<256x1536xf32>
      %lt3A_165 = arith.cmpf olt, %select_n3A, %lt3A_164 : vector<256x1536xf32>
      %jit3A_166 = arith.constant -1.000000e+30 : f32
      %broadcast_in_dim3A_167 = vector.broadcast %jit3A_166 : f32 to vector<256x1536xf32>
      %select_n3A_168 = arith.select %lt3A_165, %select_n3A, %broadcast_in_dim3A_167 : vector<256x1536xi1>, vector<256x1536xf32>
      %reduce_max3A_169 = arith.constant dense<0xFF800000> : vector<256xf32>
      %reduce_max3A_170 = vector.multi_reduction <maximumf>, %select_n3A_168, %reduce_max3A_169 [1] : vector<256x1536xf32> to vector<256xf32>
      %broadcast_in_dim3A_171 = vector.shape_cast %reduce_max3A_170 : vector<256xf32> to vector<256x1xf32>
      %eq3A_172 = vector.broadcast %broadcast_in_dim3A_171 : vector<256x1xf32> to vector<256x1536xf32>
      %eq3A_173 = arith.cmpf oeq, %select_n3A_168, %eq3A_172 : vector<256x1536xf32>
      %jit3A_174 = arith.constant 1073741824 : i32
      %broadcast_in_dim3A_175 = vector.broadcast %jit3A_174 : i32 to vector<256x1536xi32>
      %select_n3A_176 = arith.select %eq3A_173, %iota3A, %broadcast_in_dim3A_175 : vector<256x1536xi1>, vector<256x1536xi32>
      %reduce_min3A_177 = arith.constant dense<2147483647> : vector<256xi32>
      %reduce_min3A_178 = vector.multi_reduction <minsi>, %select_n3A_176, %reduce_min3A_177 [1] : vector<256x1536xi32> to vector<256xi32>
      %broadcast_in_dim3A_179 = vector.shape_cast %reduce_min3A_178 : vector<256xi32> to vector<256x1xi32>
      %gt3A_180 = arith.constant -1.000000e+29 : f32
      %gt3A_181 = vector.broadcast %gt3A_180 : f32 to vector<256x1xf32>
      %gt3A_182 = arith.cmpf ogt, %broadcast_in_dim3A_171, %gt3A_181 : vector<256x1xf32>
      %mul3A_183 = arith.constant 2048 : i32
      %mul3A_184 = arith.muli %arg0, %mul3A_183 : i32
      %add3A_185 = vector.broadcast %mul3A_184 : i32 to vector<256x1xi32>
      %add3A_186 = arith.addi %add3A_185, %broadcast_in_dim3A_179 : vector<256x1xi32>
      %jit3A_187 = arith.constant 4096 : i32
      %broadcast_in_dim3A_188 = vector.broadcast %jit3A_187 : i32 to vector<256x1xi32>
      %select_n3A_189 = arith.select %gt3A_182, %add3A_186, %broadcast_in_dim3A_188 : vector<256x1xi1>, vector<256x1xi32>
      %swap3A_190 = arith.constant 0 : index
      %swap3A_191 = arith.constant 0 : index
      %swap3A_192 = arith.constant 3 : index
      %swap3A_193 = vector.load %arg3[%swap3A_190, %swap3A_191, %swap3A_192] : memref<1x256x16xi32, #tpu.memory_space<vmem>>, vector<1x256x1xi32>
      %swap3A_194 = vector.shape_cast %swap3A_193 : vector<1x256x1xi32> to vector<256x1xi32>
      %swap3A_195 = vector.shape_cast %select_n3A_189 : vector<256x1xi32> to vector<1x256x1xi32>
      tpu.vector_store %arg3[%swap3A_190, %swap3A_191, %swap3A_192], %swap3A_195 {strides = array<i32>} : memref<1x256x16xi32, #tpu.memory_space<vmem>>, vector<1x256x1xi32>,
      %convert_element_type3A_196 = arith.extui %gt3A_182 : vector<256x1xi1> to vector<256x1xi32>
      %add3A_197 = arith.addi %add3A_163, %convert_element_type3A_196 : vector<256x1xi32>
      %lt3A_198 = vector.broadcast %broadcast_in_dim3A_171 : vector<256x1xf32> to vector<256x1536xf32>
      %lt3A_199 = arith.cmpf olt, %select_n3A, %lt3A_198 : vector<256x1536xf32>
      %jit3A_200 = arith.constant -1.000000e+30 : f32
      %broadcast_in_dim3A_201 = vector.broadcast %jit3A_200 : f32 to vector<256x1536xf32>
      %select_n3A_202 = arith.select %lt3A_199, %select_n3A, %broadcast_in_dim3A_201 : vector<256x1536xi1>, vector<256x1536xf32>
      %reduce_max3A_203 = arith.constant dense<0xFF800000> : vector<256xf32>
      %reduce_max3A_204 = vector.multi_reduction <maximumf>, %select_n3A_202, %reduce_max3A_203 [1] : vector<256x1536xf32> to vector<256xf32>
      %broadcast_in_dim3A_205 = vector.shape_cast %reduce_max3A_204 : vector<256xf32> to vector<256x1xf32>
      %eq3A_206 = vector.broadcast %broadcast_in_dim3A_205 : vector<256x1xf32> to vector<256x1536xf32>
      %eq3A_207 = arith.cmpf oeq, %select_n3A_202, %eq3A_206 : vector<256x1536xf32>
      %jit3A_208 = arith.constant 1073741824 : i32
      %broadcast_in_dim3A_209 = vector.broadcast %jit3A_208 : i32 to vector<256x1536xi32>
      %select_n3A_210 = arith.select %eq3A_207, %iota3A, %broadcast_in_dim3A_209 : vector<256x1536xi1>, vector<256x1536xi32>
      %reduce_min3A_211 = arith.constant dense<2147483647> : vector<256xi32>
      %reduce_min3A_212 = vector.multi_reduction <minsi>, %select_n3A_210, %reduce_min3A_211 [1] : vector<256x1536xi32> to vector<256xi32>
      %broadcast_in_dim3A_213 = vector.shape_cast %reduce_min3A_212 : vector<256xi32> to vector<256x1xi32>
      %gt3A_214 = arith.constant -1.000000e+29 : f32
      %gt3A_215 = vector.broadcast %gt3A_214 : f32 to vector<256x1xf32>
      %gt3A_216 = arith.cmpf ogt, %broadcast_in_dim3A_205, %gt3A_215 : vector<256x1xf32>
      %mul3A_217 = arith.constant 2048 : i32
      %mul3A_218 = arith.muli %arg0, %mul3A_217 : i32
      %add3A_219 = vector.broadcast %mul3A_218 : i32 to vector<256x1xi32>
      %add3A_220 = arith.addi %add3A_219, %broadcast_in_dim3A_213 : vector<256x1xi32>
      %jit3A_221 = arith.constant 4096 : i32
      %broadcast_in_dim3A_222 = vector.broadcast %jit3A_221 : i32 to vector<256x1xi32>
      %select_n3A_223 = arith.select %gt3A_216, %add3A_220, %broadcast_in_dim3A_222 : vector<256x1xi1>, vector<256x1xi32>
      %swap3A_224 = arith.constant 0 : index
      %swap3A_225 = arith.constant 0 : index
      %swap3A_226 = arith.constant 4 : index
      %swap3A_227 = vector.load %arg3[%swap3A_224, %swap3A_225, %swap3A_226] : memref<1x256x16xi32, #tpu.memory_space<vmem>>, vector<1x256x1xi32>
      %swap3A_228 = vector.shape_cast %swap3A_227 : vector<1x256x1xi32> to vector<256x1xi32>
      %swap3A_229 = vector.shape_cast %select_n3A_223 : vector<256x1xi32> to vector<1x256x1xi32>
      tpu.vector_store %arg3[%swap3A_224, %swap3A_225, %swap3A_226], %swap3A_229 {strides = array<i32>} : memref<1x256x16xi32, #tpu.memory_space<vmem>>, vector<1x256x1xi32>,
      %convert_element_type3A_230 = arith.extui %gt3A_216 : vector<256x1xi1> to vector<256x1xi32>
      %add3A_231 = arith.addi %add3A_197, %convert_element_type3A_230 : vector<256x1xi32>
      %lt3A_232 = vector.broadcast %broadcast_in_dim3A_205 : vector<256x1xf32> to vector<256x1536xf32>
      %lt3A_233 = arith.cmpf olt, %select_n3A, %lt3A_232 : vector<256x1536xf32>
      %jit3A_234 = arith.constant -1.000000e+30 : f32
      %broadcast_in_dim3A_235 = vector.broadcast %jit3A_234 : f32 to vector<256x1536xf32>
      %select_n3A_236 = arith.select %lt3A_233, %select_n3A, %broadcast_in_dim3A_235 : vector<256x1536xi1>, vector<256x1536xf32>
      %reduce_max3A_237 = arith.constant dense<0xFF800000> : vector<256xf32>
      %reduce_max3A_238 = vector.multi_reduction <maximumf>, %select_n3A_236, %reduce_max3A_237 [1] : vector<256x1536xf32> to vector<256xf32>
      %broadcast_in_dim3A_239 = vector.shape_cast %reduce_max3A_238 : vector<256xf32> to vector<256x1xf32>
      %eq3A_240 = vector.broadcast %broadcast_in_dim3A_239 : vector<256x1xf32> to vector<256x1536xf32>
      %eq3A_241 = arith.cmpf oeq, %select_n3A_236, %eq3A_240 : vector<256x1536xf32>
      %jit3A_242 = arith.constant 1073741824 : i32
      %broadcast_in_dim3A_243 = vector.broadcast %jit3A_242 : i32 to vector<256x1536xi32>
      %select_n3A_244 = arith.select %eq3A_241, %iota3A, %broadcast_in_dim3A_243 : vector<256x1536xi1>, vector<256x1536xi32>
      %reduce_min3A_245 = arith.constant dense<2147483647> : vector<256xi32>
      %reduce_min3A_246 = vector.multi_reduction <minsi>, %select_n3A_244, %reduce_min3A_245 [1] : vector<256x1536xi32> to vector<256xi32>
      %broadcast_in_dim3A_247 = vector.shape_cast %reduce_min3A_246 : vector<256xi32> to vector<256x1xi32>
      %gt3A_248 = arith.constant -1.000000e+29 : f32
      %gt3A_249 = vector.broadcast %gt3A_248 : f32 to vector<256x1xf32>
      %gt3A_250 = arith.cmpf ogt, %broadcast_in_dim3A_239, %gt3A_249 : vector<256x1xf32>
      %mul3A_251 = arith.constant 2048 : i32
      %mul3A_252 = arith.muli %arg0, %mul3A_251 : i32
      %add3A_253 = vector.broadcast %mul3A_252 : i32 to vector<256x1xi32>
      %add3A_254 = arith.addi %add3A_253, %broadcast_in_dim3A_247 : vector<256x1xi32>
      %jit3A_255 = arith.constant 4096 : i32
      %broadcast_in_dim3A_256 = vector.broadcast %jit3A_255 : i32 to vector<256x1xi32>
      %select_n3A_257 = arith.select %gt3A_250, %add3A_254, %broadcast_in_dim3A_256 : vector<256x1xi1>, vector<256x1xi32>
      %swap3A_258 = arith.constant 0 : index
      %swap3A_259 = arith.constant 0 : index
      %swap3A_260 = arith.constant 5 : index
      %swap3A_261 = vector.load %arg3[%swap3A_258, %swap3A_259, %swap3A_260] : memref<1x256x16xi32, #tpu.memory_space<vmem>>, vector<1x256x1xi32>
      %swap3A_262 = vector.shape_cast %swap3A_261 : vector<1x256x1xi32> to vector<256x1xi32>
      %swap3A_263 = vector.shape_cast %select_n3A_257 : vector<256x1xi32> to vector<1x256x1xi32>
      tpu.vector_store %arg3[%swap3A_258, %swap3A_259, %swap3A_260], %swap3A_263 {strides = array<i32>} : memref<1x256x16xi32, #tpu.memory_space<vmem>>, vector<1x256x1xi32>,
      %convert_element_type3A_264 = arith.extui %gt3A_250 : vector<256x1xi1> to vector<256x1xi32>
      %add3A_265 = arith.addi %add3A_231, %convert_element_type3A_264 : vector<256x1xi32>
      %lt3A_266 = vector.broadcast %broadcast_in_dim3A_239 : vector<256x1xf32> to vector<256x1536xf32>
      %lt3A_267 = arith.cmpf olt, %select_n3A, %lt3A_266 : vector<256x1536xf32>
      %jit3A_268 = arith.constant -1.000000e+30 : f32
      %broadcast_in_dim3A_269 = vector.broadcast %jit3A_268 : f32 to vector<256x1536xf32>
      %select_n3A_270 = arith.select %lt3A_267, %select_n3A, %broadcast_in_dim3A_269 : vector<256x1536xi1>, vector<256x1536xf32>
      %reduce_max3A_271 = arith.constant dense<0xFF800000> : vector<256xf32>
      %reduce_max3A_272 = vector.multi_reduction <maximumf>, %select_n3A_270, %reduce_max3A_271 [1] : vector<256x1536xf32> to vector<256xf32>
      %broadcast_in_dim3A_273 = vector.shape_cast %reduce_max3A_272 : vector<256xf32> to vector<256x1xf32>
      %eq3A_274 = vector.broadcast %broadcast_in_dim3A_273 : vector<256x1xf32> to vector<256x1536xf32>
      %eq3A_275 = arith.cmpf oeq, %select_n3A_270, %eq3A_274 : vector<256x1536xf32>
      %jit3A_276 = arith.constant 1073741824 : i32
      %broadcast_in_dim3A_277 = vector.broadcast %jit3A_276 : i32 to vector<256x1536xi32>
      %select_n3A_278 = arith.select %eq3A_275, %iota3A, %broadcast_in_dim3A_277 : vector<256x1536xi1>, vector<256x1536xi32>
      %reduce_min3A_279 = arith.constant dense<2147483647> : vector<256xi32>
      %reduce_min3A_280 = vector.multi_reduction <minsi>, %select_n3A_278, %reduce_min3A_279 [1] : vector<256x1536xi32> to vector<256xi32>
      %broadcast_in_dim3A_281 = vector.shape_cast %reduce_min3A_280 : vector<256xi32> to vector<256x1xi32>
      %gt3A_282 = arith.constant -1.000000e+29 : f32
      %gt3A_283 = vector.broadcast %gt3A_282 : f32 to vector<256x1xf32>
      %gt3A_284 = arith.cmpf ogt, %broadcast_in_dim3A_273, %gt3A_283 : vector<256x1xf32>
      %mul3A_285 = arith.constant 2048 : i32
      %mul3A_286 = arith.muli %arg0, %mul3A_285 : i32
      %add3A_287 = vector.broadcast %mul3A_286 : i32 to vector<256x1xi32>
      %add3A_288 = arith.addi %add3A_287, %broadcast_in_dim3A_281 : vector<256x1xi32>
      %jit3A_289 = arith.constant 4096 : i32
      %broadcast_in_dim3A_290 = vector.broadcast %jit3A_289 : i32 to vector<256x1xi32>
      %select_n3A_291 = arith.select %gt3A_284, %add3A_288, %broadcast_in_dim3A_290 : vector<256x1xi1>, vector<256x1xi32>
      %swap3A_292 = arith.constant 0 : index
      %swap3A_293 = arith.constant 0 : index
      %swap3A_294 = arith.constant 6 : index
      %swap3A_295 = vector.load %arg3[%swap3A_292, %swap3A_293, %swap3A_294] : memref<1x256x16xi32, #tpu.memory_space<vmem>>, vector<1x256x1xi32>
      %swap3A_296 = vector.shape_cast %swap3A_295 : vector<1x256x1xi32> to vector<256x1xi32>
      %swap3A_297 = vector.shape_cast %select_n3A_291 : vector<256x1xi32> to vector<1x256x1xi32>
      tpu.vector_store %arg3[%swap3A_292, %swap3A_293, %swap3A_294], %swap3A_297 {strides = array<i32>} : memref<1x256x16xi32, #tpu.memory_space<vmem>>, vector<1x256x1xi32>,
      %convert_element_type3A_298 = arith.extui %gt3A_284 : vector<256x1xi1> to vector<256x1xi32>
      %add3A_299 = arith.addi %add3A_265, %convert_element_type3A_298 : vector<256x1xi32>
      %lt3A_300 = vector.broadcast %broadcast_in_dim3A_273 : vector<256x1xf32> to vector<256x1536xf32>
      %lt3A_301 = arith.cmpf olt, %select_n3A, %lt3A_300 : vector<256x1536xf32>
      %jit3A_302 = arith.constant -1.000000e+30 : f32
      %broadcast_in_dim3A_303 = vector.broadcast %jit3A_302 : f32 to vector<256x1536xf32>
      %select_n3A_304 = arith.select %lt3A_301, %select_n3A, %broadcast_in_dim3A_303 : vector<256x1536xi1>, vector<256x1536xf32>
      %reduce_max3A_305 = arith.constant dense<0xFF800000> : vector<256xf32>
      %reduce_max3A_306 = vector.multi_reduction <maximumf>, %select_n3A_304, %reduce_max3A_305 [1] : vector<256x1536xf32> to vector<256xf32>
      %broadcast_in_dim3A_307 = vector.shape_cast %reduce_max3A_306 : vector<256xf32> to vector<256x1xf32>
      %eq3A_308 = vector.broadcast %broadcast_in_dim3A_307 : vector<256x1xf32> to vector<256x1536xf32>
      %eq3A_309 = arith.cmpf oeq, %select_n3A_304, %eq3A_308 : vector<256x1536xf32>
      %jit3A_310 = arith.constant 1073741824 : i32
      %broadcast_in_dim3A_311 = vector.broadcast %jit3A_310 : i32 to vector<256x1536xi32>
      %select_n3A_312 = arith.select %eq3A_309, %iota3A, %broadcast_in_dim3A_311 : vector<256x1536xi1>, vector<256x1536xi32>
      %reduce_min3A_313 = arith.constant dense<2147483647> : vector<256xi32>
      %reduce_min3A_314 = vector.multi_reduction <minsi>, %select_n3A_312, %reduce_min3A_313 [1] : vector<256x1536xi32> to vector<256xi32>
      %broadcast_in_dim3A_315 = vector.shape_cast %reduce_min3A_314 : vector<256xi32> to vector<256x1xi32>
      %gt3A_316 = arith.constant -1.000000e+29 : f32
      %gt3A_317 = vector.broadcast %gt3A_316 : f32 to vector<256x1xf32>
      %gt3A_318 = arith.cmpf ogt, %broadcast_in_dim3A_307, %gt3A_317 : vector<256x1xf32>
      %mul3A_319 = arith.constant 2048 : i32
      %mul3A_320 = arith.muli %arg0, %mul3A_319 : i32
      %add3A_321 = vector.broadcast %mul3A_320 : i32 to vector<256x1xi32>
      %add3A_322 = arith.addi %add3A_321, %broadcast_in_dim3A_315 : vector<256x1xi32>
      %jit3A_323 = arith.constant 4096 : i32
      %broadcast_in_dim3A_324 = vector.broadcast %jit3A_323 : i32 to vector<256x1xi32>
      %select_n3A_325 = arith.select %gt3A_318, %add3A_322, %broadcast_in_dim3A_324 : vector<256x1xi1>, vector<256x1xi32>
      %swap3A_326 = arith.constant 0 : index
      %swap3A_327 = arith.constant 0 : index
      %swap3A_328 = arith.constant 7 : index
      %swap3A_329 = vector.load %arg3[%swap3A_326, %swap3A_327, %swap3A_328] : memref<1x256x16xi32, #tpu.memory_space<vmem>>, vector<1x256x1xi32>
      %swap3A_330 = vector.shape_cast %swap3A_329 : vector<1x256x1xi32> to vector<256x1xi32>
      %swap3A_331 = vector.shape_cast %select_n3A_325 : vector<256x1xi32> to vector<1x256x1xi32>
      tpu.vector_store %arg3[%swap3A_326, %swap3A_327, %swap3A_328], %swap3A_331 {strides = array<i32>} : memref<1x256x16xi32, #tpu.memory_space<vmem>>, vector<1x256x1xi32>,
      %convert_element_type3A_332 = arith.extui %gt3A_318 : vector<256x1xi1> to vector<256x1xi32>
      %add3A_333 = arith.addi %add3A_299, %convert_element_type3A_332 : vector<256x1xi32>
      %swap3A_334 = arith.constant 0 : index
      %swap3A_335 = arith.constant 0 : index
      %swap3A_336 = arith.constant 8 : index
      %swap3A_337 = vector.load %arg3[%swap3A_334, %swap3A_335, %swap3A_336] : memref<1x256x16xi32, #tpu.memory_space<vmem>>, vector<1x256x1xi32>
      %swap3A_338 = vector.shape_cast %swap3A_337 : vector<1x256x1xi32> to vector<256x1xi32>
      %swap3A_339 = vector.shape_cast %add3A_333 : vector<256x1xi32> to vector<1x256x1xi32>
      tpu.vector_store %arg3[%swap3A_334, %swap3A_335, %swap3A_336], %swap3A_339 {strides = array<i32>} : memref<1x256x16xi32, #tpu.memory_space<vmem>>, vector<1x256x1xi32>,
    } else {
    }
    %ge3A_45 = arith.constant 6 : i32
    %ge3A_46 = arith.cmpi sge, %arg1, %ge3A_45 : i32
    %lt3A_47 = arith.constant 7 : i32
    %lt3A_48 = arith.cmpi slt, %arg1, %lt3A_47 : i32
    %and3A_49 = arith.andi %ge3A_46, %lt3A_48 : i1
    %convert_element_type3A_50 = arith.extui %and3A_49 : i1 to i32
    %cond3A_51 = arith.constant 0 : i32
    %cond3A_52 = arith.cmpi ne, %convert_element_type3A_50, %cond3A_51 : i32
    scf.if %cond3A_52 {
      %get3A = arith.index_cast %mul3A_2 : i32 to index
      %get3A_61 = arith.constant 0 : index
      %get3A_62 = vector.load %arg4[%get3A, %get3A_61] : memref<2048x768xf32, #tpu.memory_space<vmem>>, vector<256x768xf32>
      %get3A_63 = arith.constant 0 : index
      %get3A_64 = arith.constant 0 : index
      %get3A_65 = vector.load %arg4[%get3A_63, %get3A_64] : memref<2048x768xf32, #tpu.memory_space<vmem>>, vector<1792x768xf32>
      %dot_general3A = arith.constant dense<0.000000e+00> : vector<256x1792xf32>
      %dot_general3A_66 = tpu.matmul %get3A_62, %get3A_65, %dot_general3A {dimension_numbers = #tpu.dot_dimension_numbers<[1], [1], [0], [0], [0, 0, 1, 0], [], []>, transpose_lhs_hint = false} : vector<256x768xf32>, vector<1792x768xf32>, vector<256x1792xf32> -> vector<256x1792xf32>
      %iota3A = tpu.iota {dimensions = array<i32: 1>} : vector<256x1792xi32>
      %iota3A_67 = tpu.iota {dimensions = array<i32: 0>} : vector<256x1792xi32>
      %add3A = vector.broadcast %mul3A_2 : i32 to vector<256x1792xi32>
      %add3A_68 = arith.addi %add3A, %iota3A_67 : vector<256x1792xi32>
      %le3A = arith.cmpi sle, %iota3A, %add3A_68 : vector<256x1792xi32>
      %jit3A = arith.constant -1.000000e+30 : f32
      %broadcast_in_dim3A = vector.broadcast %jit3A : f32 to vector<256x1792xf32>
      %select_n3A = arith.select %le3A, %dot_general3A_66, %broadcast_in_dim3A : vector<256x1792xi1>, vector<256x1792xf32>
      %broadcast_in_dim3A_69 = arith.constant 0 : i32
      %broadcast_in_dim3A_70 = vector.broadcast %broadcast_in_dim3A_69 : i32 to vector<256x1xi32>
      %reduce_max3A = arith.constant dense<0xFF800000> : vector<256xf32>
      %reduce_max3A_71 = vector.multi_reduction <maximumf>, %select_n3A, %reduce_max3A [1] : vector<256x1792xf32> to vector<256xf32>
      %broadcast_in_dim3A_72 = vector.shape_cast %reduce_max3A_71 : vector<256xf32> to vector<256x1xf32>
      %eq3A_73 = vector.broadcast %broadcast_in_dim3A_72 : vector<256x1xf32> to vector<256x1792xf32>
      %eq3A_74 = arith.cmpf oeq, %select_n3A, %eq3A_73 : vector<256x1792xf32>
      %jit3A_75 = arith.constant 1073741824 : i32
      %broadcast_in_dim3A_76 = vector.broadcast %jit3A_75 : i32 to vector<256x1792xi32>
      %select_n3A_77 = arith.select %eq3A_74, %iota3A, %broadcast_in_dim3A_76 : vector<256x1792xi1>, vector<256x1792xi32>
      %reduce_min3A = arith.constant dense<2147483647> : vector<256xi32>
      %reduce_min3A_78 = vector.multi_reduction <minsi>, %select_n3A_77, %reduce_min3A [1] : vector<256x1792xi32> to vector<256xi32>
      %broadcast_in_dim3A_79 = vector.shape_cast %reduce_min3A_78 : vector<256xi32> to vector<256x1xi32>
      %gt3A = arith.constant -1.000000e+29 : f32
      %gt3A_80 = vector.broadcast %gt3A : f32 to vector<256x1xf32>
      %gt3A_81 = arith.cmpf ogt, %broadcast_in_dim3A_72, %gt3A_80 : vector<256x1xf32>
      %mul3A_82 = arith.constant 2048 : i32
      %mul3A_83 = arith.muli %arg0, %mul3A_82 : i32
      %add3A_84 = vector.broadcast %mul3A_83 : i32 to vector<256x1xi32>
      %add3A_85 = arith.addi %add3A_84, %broadcast_in_dim3A_79 : vector<256x1xi32>
      %jit3A_86 = arith.constant 4096 : i32
      %broadcast_in_dim3A_87 = vector.broadcast %jit3A_86 : i32 to vector<256x1xi32>
      %select_n3A_88 = arith.select %gt3A_81, %add3A_85, %broadcast_in_dim3A_87 : vector<256x1xi1>, vector<256x1xi32>
      %swap3A = arith.constant 0 : index
      %swap3A_89 = arith.constant 0 : index
      %swap3A_90 = arith.constant 0 : index
      %swap3A_91 = vector.load %arg3[%swap3A, %swap3A_89, %swap3A_90] : memref<1x256x16xi32, #tpu.memory_space<vmem>>, vector<1x256x1xi32>
      %swap3A_92 = vector.shape_cast %swap3A_91 : vector<1x256x1xi32> to vector<256x1xi32>
      %swap3A_93 = vector.shape_cast %select_n3A_88 : vector<256x1xi32> to vector<1x256x1xi32>
      tpu.vector_store %arg3[%swap3A, %swap3A_89, %swap3A_90], %swap3A_93 {strides = array<i32>} : memref<1x256x16xi32, #tpu.memory_space<vmem>>, vector<1x256x1xi32>,
      %convert_element_type3A_94 = arith.extui %gt3A_81 : vector<256x1xi1> to vector<256x1xi32>
      %add3A_95 = arith.addi %broadcast_in_dim3A_70, %convert_element_type3A_94 : vector<256x1xi32>
      %lt3A_96 = vector.broadcast %broadcast_in_dim3A_72 : vector<256x1xf32> to vector<256x1792xf32>
      %lt3A_97 = arith.cmpf olt, %select_n3A, %lt3A_96 : vector<256x1792xf32>
      %jit3A_98 = arith.constant -1.000000e+30 : f32
      %broadcast_in_dim3A_99 = vector.broadcast %jit3A_98 : f32 to vector<256x1792xf32>
      %select_n3A_100 = arith.select %lt3A_97, %select_n3A, %broadcast_in_dim3A_99 : vector<256x1792xi1>, vector<256x1792xf32>
      %reduce_max3A_101 = arith.constant dense<0xFF800000> : vector<256xf32>
      %reduce_max3A_102 = vector.multi_reduction <maximumf>, %select_n3A_100, %reduce_max3A_101 [1] : vector<256x1792xf32> to vector<256xf32>
      %broadcast_in_dim3A_103 = vector.shape_cast %reduce_max3A_102 : vector<256xf32> to vector<256x1xf32>
      %eq3A_104 = vector.broadcast %broadcast_in_dim3A_103 : vector<256x1xf32> to vector<256x1792xf32>
      %eq3A_105 = arith.cmpf oeq, %select_n3A_100, %eq3A_104 : vector<256x1792xf32>
      %jit3A_106 = arith.constant 1073741824 : i32
      %broadcast_in_dim3A_107 = vector.broadcast %jit3A_106 : i32 to vector<256x1792xi32>
      %select_n3A_108 = arith.select %eq3A_105, %iota3A, %broadcast_in_dim3A_107 : vector<256x1792xi1>, vector<256x1792xi32>
      %reduce_min3A_109 = arith.constant dense<2147483647> : vector<256xi32>
      %reduce_min3A_110 = vector.multi_reduction <minsi>, %select_n3A_108, %reduce_min3A_109 [1] : vector<256x1792xi32> to vector<256xi32>
      %broadcast_in_dim3A_111 = vector.shape_cast %reduce_min3A_110 : vector<256xi32> to vector<256x1xi32>
      %gt3A_112 = arith.constant -1.000000e+29 : f32
      %gt3A_113 = vector.broadcast %gt3A_112 : f32 to vector<256x1xf32>
      %gt3A_114 = arith.cmpf ogt, %broadcast_in_dim3A_103, %gt3A_113 : vector<256x1xf32>
      %mul3A_115 = arith.constant 2048 : i32
      %mul3A_116 = arith.muli %arg0, %mul3A_115 : i32
      %add3A_117 = vector.broadcast %mul3A_116 : i32 to vector<256x1xi32>
      %add3A_118 = arith.addi %add3A_117, %broadcast_in_dim3A_111 : vector<256x1xi32>
      %jit3A_119 = arith.constant 4096 : i32
      %broadcast_in_dim3A_120 = vector.broadcast %jit3A_119 : i32 to vector<256x1xi32>
      %select_n3A_121 = arith.select %gt3A_114, %add3A_118, %broadcast_in_dim3A_120 : vector<256x1xi1>, vector<256x1xi32>
      %swap3A_122 = arith.constant 0 : index
      %swap3A_123 = arith.constant 0 : index
      %swap3A_124 = arith.constant 1 : index
      %swap3A_125 = vector.load %arg3[%swap3A_122, %swap3A_123, %swap3A_124] : memref<1x256x16xi32, #tpu.memory_space<vmem>>, vector<1x256x1xi32>
      %swap3A_126 = vector.shape_cast %swap3A_125 : vector<1x256x1xi32> to vector<256x1xi32>
      %swap3A_127 = vector.shape_cast %select_n3A_121 : vector<256x1xi32> to vector<1x256x1xi32>
      tpu.vector_store %arg3[%swap3A_122, %swap3A_123, %swap3A_124], %swap3A_127 {strides = array<i32>} : memref<1x256x16xi32, #tpu.memory_space<vmem>>, vector<1x256x1xi32>,
      %convert_element_type3A_128 = arith.extui %gt3A_114 : vector<256x1xi1> to vector<256x1xi32>
      %add3A_129 = arith.addi %add3A_95, %convert_element_type3A_128 : vector<256x1xi32>
      %lt3A_130 = vector.broadcast %broadcast_in_dim3A_103 : vector<256x1xf32> to vector<256x1792xf32>
      %lt3A_131 = arith.cmpf olt, %select_n3A, %lt3A_130 : vector<256x1792xf32>
      %jit3A_132 = arith.constant -1.000000e+30 : f32
      %broadcast_in_dim3A_133 = vector.broadcast %jit3A_132 : f32 to vector<256x1792xf32>
      %select_n3A_134 = arith.select %lt3A_131, %select_n3A, %broadcast_in_dim3A_133 : vector<256x1792xi1>, vector<256x1792xf32>
      %reduce_max3A_135 = arith.constant dense<0xFF800000> : vector<256xf32>
      %reduce_max3A_136 = vector.multi_reduction <maximumf>, %select_n3A_134, %reduce_max3A_135 [1] : vector<256x1792xf32> to vector<256xf32>
      %broadcast_in_dim3A_137 = vector.shape_cast %reduce_max3A_136 : vector<256xf32> to vector<256x1xf32>
      %eq3A_138 = vector.broadcast %broadcast_in_dim3A_137 : vector<256x1xf32> to vector<256x1792xf32>
      %eq3A_139 = arith.cmpf oeq, %select_n3A_134, %eq3A_138 : vector<256x1792xf32>
      %jit3A_140 = arith.constant 1073741824 : i32
      %broadcast_in_dim3A_141 = vector.broadcast %jit3A_140 : i32 to vector<256x1792xi32>
      %select_n3A_142 = arith.select %eq3A_139, %iota3A, %broadcast_in_dim3A_141 : vector<256x1792xi1>, vector<256x1792xi32>
      %reduce_min3A_143 = arith.constant dense<2147483647> : vector<256xi32>
      %reduce_min3A_144 = vector.multi_reduction <minsi>, %select_n3A_142, %reduce_min3A_143 [1] : vector<256x1792xi32> to vector<256xi32>
      %broadcast_in_dim3A_145 = vector.shape_cast %reduce_min3A_144 : vector<256xi32> to vector<256x1xi32>
      %gt3A_146 = arith.constant -1.000000e+29 : f32
      %gt3A_147 = vector.broadcast %gt3A_146 : f32 to vector<256x1xf32>
      %gt3A_148 = arith.cmpf ogt, %broadcast_in_dim3A_137, %gt3A_147 : vector<256x1xf32>
      %mul3A_149 = arith.constant 2048 : i32
      %mul3A_150 = arith.muli %arg0, %mul3A_149 : i32
      %add3A_151 = vector.broadcast %mul3A_150 : i32 to vector<256x1xi32>
      %add3A_152 = arith.addi %add3A_151, %broadcast_in_dim3A_145 : vector<256x1xi32>
      %jit3A_153 = arith.constant 4096 : i32
      %broadcast_in_dim3A_154 = vector.broadcast %jit3A_153 : i32 to vector<256x1xi32>
      %select_n3A_155 = arith.select %gt3A_148, %add3A_152, %broadcast_in_dim3A_154 : vector<256x1xi1>, vector<256x1xi32>
      %swap3A_156 = arith.constant 0 : index
      %swap3A_157 = arith.constant 0 : index
      %swap3A_158 = arith.constant 2 : index
      %swap3A_159 = vector.load %arg3[%swap3A_156, %swap3A_157, %swap3A_158] : memref<1x256x16xi32, #tpu.memory_space<vmem>>, vector<1x256x1xi32>
      %swap3A_160 = vector.shape_cast %swap3A_159 : vector<1x256x1xi32> to vector<256x1xi32>
      %swap3A_161 = vector.shape_cast %select_n3A_155 : vector<256x1xi32> to vector<1x256x1xi32>
      tpu.vector_store %arg3[%swap3A_156, %swap3A_157, %swap3A_158], %swap3A_161 {strides = array<i32>} : memref<1x256x16xi32, #tpu.memory_space<vmem>>, vector<1x256x1xi32>,
      %convert_element_type3A_162 = arith.extui %gt3A_148 : vector<256x1xi1> to vector<256x1xi32>
      %add3A_163 = arith.addi %add3A_129, %convert_element_type3A_162 : vector<256x1xi32>
      %lt3A_164 = vector.broadcast %broadcast_in_dim3A_137 : vector<256x1xf32> to vector<256x1792xf32>
      %lt3A_165 = arith.cmpf olt, %select_n3A, %lt3A_164 : vector<256x1792xf32>
      %jit3A_166 = arith.constant -1.000000e+30 : f32
      %broadcast_in_dim3A_167 = vector.broadcast %jit3A_166 : f32 to vector<256x1792xf32>
      %select_n3A_168 = arith.select %lt3A_165, %select_n3A, %broadcast_in_dim3A_167 : vector<256x1792xi1>, vector<256x1792xf32>
      %reduce_max3A_169 = arith.constant dense<0xFF800000> : vector<256xf32>
      %reduce_max3A_170 = vector.multi_reduction <maximumf>, %select_n3A_168, %reduce_max3A_169 [1] : vector<256x1792xf32> to vector<256xf32>
      %broadcast_in_dim3A_171 = vector.shape_cast %reduce_max3A_170 : vector<256xf32> to vector<256x1xf32>
      %eq3A_172 = vector.broadcast %broadcast_in_dim3A_171 : vector<256x1xf32> to vector<256x1792xf32>
      %eq3A_173 = arith.cmpf oeq, %select_n3A_168, %eq3A_172 : vector<256x1792xf32>
      %jit3A_174 = arith.constant 1073741824 : i32
      %broadcast_in_dim3A_175 = vector.broadcast %jit3A_174 : i32 to vector<256x1792xi32>
      %select_n3A_176 = arith.select %eq3A_173, %iota3A, %broadcast_in_dim3A_175 : vector<256x1792xi1>, vector<256x1792xi32>
      %reduce_min3A_177 = arith.constant dense<2147483647> : vector<256xi32>
      %reduce_min3A_178 = vector.multi_reduction <minsi>, %select_n3A_176, %reduce_min3A_177 [1] : vector<256x1792xi32> to vector<256xi32>
      %broadcast_in_dim3A_179 = vector.shape_cast %reduce_min3A_178 : vector<256xi32> to vector<256x1xi32>
      %gt3A_180 = arith.constant -1.000000e+29 : f32
      %gt3A_181 = vector.broadcast %gt3A_180 : f32 to vector<256x1xf32>
      %gt3A_182 = arith.cmpf ogt, %broadcast_in_dim3A_171, %gt3A_181 : vector<256x1xf32>
      %mul3A_183 = arith.constant 2048 : i32
      %mul3A_184 = arith.muli %arg0, %mul3A_183 : i32
      %add3A_185 = vector.broadcast %mul3A_184 : i32 to vector<256x1xi32>
      %add3A_186 = arith.addi %add3A_185, %broadcast_in_dim3A_179 : vector<256x1xi32>
      %jit3A_187 = arith.constant 4096 : i32
      %broadcast_in_dim3A_188 = vector.broadcast %jit3A_187 : i32 to vector<256x1xi32>
      %select_n3A_189 = arith.select %gt3A_182, %add3A_186, %broadcast_in_dim3A_188 : vector<256x1xi1>, vector<256x1xi32>
      %swap3A_190 = arith.constant 0 : index
      %swap3A_191 = arith.constant 0 : index
      %swap3A_192 = arith.constant 3 : index
      %swap3A_193 = vector.load %arg3[%swap3A_190, %swap3A_191, %swap3A_192] : memref<1x256x16xi32, #tpu.memory_space<vmem>>, vector<1x256x1xi32>
      %swap3A_194 = vector.shape_cast %swap3A_193 : vector<1x256x1xi32> to vector<256x1xi32>
      %swap3A_195 = vector.shape_cast %select_n3A_189 : vector<256x1xi32> to vector<1x256x1xi32>
      tpu.vector_store %arg3[%swap3A_190, %swap3A_191, %swap3A_192], %swap3A_195 {strides = array<i32>} : memref<1x256x16xi32, #tpu.memory_space<vmem>>, vector<1x256x1xi32>,
      %convert_element_type3A_196 = arith.extui %gt3A_182 : vector<256x1xi1> to vector<256x1xi32>
      %add3A_197 = arith.addi %add3A_163, %convert_element_type3A_196 : vector<256x1xi32>
      %lt3A_198 = vector.broadcast %broadcast_in_dim3A_171 : vector<256x1xf32> to vector<256x1792xf32>
      %lt3A_199 = arith.cmpf olt, %select_n3A, %lt3A_198 : vector<256x1792xf32>
      %jit3A_200 = arith.constant -1.000000e+30 : f32
      %broadcast_in_dim3A_201 = vector.broadcast %jit3A_200 : f32 to vector<256x1792xf32>
      %select_n3A_202 = arith.select %lt3A_199, %select_n3A, %broadcast_in_dim3A_201 : vector<256x1792xi1>, vector<256x1792xf32>
      %reduce_max3A_203 = arith.constant dense<0xFF800000> : vector<256xf32>
      %reduce_max3A_204 = vector.multi_reduction <maximumf>, %select_n3A_202, %reduce_max3A_203 [1] : vector<256x1792xf32> to vector<256xf32>
      %broadcast_in_dim3A_205 = vector.shape_cast %reduce_max3A_204 : vector<256xf32> to vector<256x1xf32>
      %eq3A_206 = vector.broadcast %broadcast_in_dim3A_205 : vector<256x1xf32> to vector<256x1792xf32>
      %eq3A_207 = arith.cmpf oeq, %select_n3A_202, %eq3A_206 : vector<256x1792xf32>
      %jit3A_208 = arith.constant 1073741824 : i32
      %broadcast_in_dim3A_209 = vector.broadcast %jit3A_208 : i32 to vector<256x1792xi32>
      %select_n3A_210 = arith.select %eq3A_207, %iota3A, %broadcast_in_dim3A_209 : vector<256x1792xi1>, vector<256x1792xi32>
      %reduce_min3A_211 = arith.constant dense<2147483647> : vector<256xi32>
      %reduce_min3A_212 = vector.multi_reduction <minsi>, %select_n3A_210, %reduce_min3A_211 [1] : vector<256x1792xi32> to vector<256xi32>
      %broadcast_in_dim3A_213 = vector.shape_cast %reduce_min3A_212 : vector<256xi32> to vector<256x1xi32>
      %gt3A_214 = arith.constant -1.000000e+29 : f32
      %gt3A_215 = vector.broadcast %gt3A_214 : f32 to vector<256x1xf32>
      %gt3A_216 = arith.cmpf ogt, %broadcast_in_dim3A_205, %gt3A_215 : vector<256x1xf32>
      %mul3A_217 = arith.constant 2048 : i32
      %mul3A_218 = arith.muli %arg0, %mul3A_217 : i32
      %add3A_219 = vector.broadcast %mul3A_218 : i32 to vector<256x1xi32>
      %add3A_220 = arith.addi %add3A_219, %broadcast_in_dim3A_213 : vector<256x1xi32>
      %jit3A_221 = arith.constant 4096 : i32
      %broadcast_in_dim3A_222 = vector.broadcast %jit3A_221 : i32 to vector<256x1xi32>
      %select_n3A_223 = arith.select %gt3A_216, %add3A_220, %broadcast_in_dim3A_222 : vector<256x1xi1>, vector<256x1xi32>
      %swap3A_224 = arith.constant 0 : index
      %swap3A_225 = arith.constant 0 : index
      %swap3A_226 = arith.constant 4 : index
      %swap3A_227 = vector.load %arg3[%swap3A_224, %swap3A_225, %swap3A_226] : memref<1x256x16xi32, #tpu.memory_space<vmem>>, vector<1x256x1xi32>
      %swap3A_228 = vector.shape_cast %swap3A_227 : vector<1x256x1xi32> to vector<256x1xi32>
      %swap3A_229 = vector.shape_cast %select_n3A_223 : vector<256x1xi32> to vector<1x256x1xi32>
      tpu.vector_store %arg3[%swap3A_224, %swap3A_225, %swap3A_226], %swap3A_229 {strides = array<i32>} : memref<1x256x16xi32, #tpu.memory_space<vmem>>, vector<1x256x1xi32>,
      %convert_element_type3A_230 = arith.extui %gt3A_216 : vector<256x1xi1> to vector<256x1xi32>
      %add3A_231 = arith.addi %add3A_197, %convert_element_type3A_230 : vector<256x1xi32>
      %lt3A_232 = vector.broadcast %broadcast_in_dim3A_205 : vector<256x1xf32> to vector<256x1792xf32>
      %lt3A_233 = arith.cmpf olt, %select_n3A, %lt3A_232 : vector<256x1792xf32>
      %jit3A_234 = arith.constant -1.000000e+30 : f32
      %broadcast_in_dim3A_235 = vector.broadcast %jit3A_234 : f32 to vector<256x1792xf32>
      %select_n3A_236 = arith.select %lt3A_233, %select_n3A, %broadcast_in_dim3A_235 : vector<256x1792xi1>, vector<256x1792xf32>
      %reduce_max3A_237 = arith.constant dense<0xFF800000> : vector<256xf32>
      %reduce_max3A_238 = vector.multi_reduction <maximumf>, %select_n3A_236, %reduce_max3A_237 [1] : vector<256x1792xf32> to vector<256xf32>
      %broadcast_in_dim3A_239 = vector.shape_cast %reduce_max3A_238 : vector<256xf32> to vector<256x1xf32>
      %eq3A_240 = vector.broadcast %broadcast_in_dim3A_239 : vector<256x1xf32> to vector<256x1792xf32>
      %eq3A_241 = arith.cmpf oeq, %select_n3A_236, %eq3A_240 : vector<256x1792xf32>
      %jit3A_242 = arith.constant 1073741824 : i32
      %broadcast_in_dim3A_243 = vector.broadcast %jit3A_242 : i32 to vector<256x1792xi32>
      %select_n3A_244 = arith.select %eq3A_241, %iota3A, %broadcast_in_dim3A_243 : vector<256x1792xi1>, vector<256x1792xi32>
      %reduce_min3A_245 = arith.constant dense<2147483647> : vector<256xi32>
      %reduce_min3A_246 = vector.multi_reduction <minsi>, %select_n3A_244, %reduce_min3A_245 [1] : vector<256x1792xi32> to vector<256xi32>
      %broadcast_in_dim3A_247 = vector.shape_cast %reduce_min3A_246 : vector<256xi32> to vector<256x1xi32>
      %gt3A_248 = arith.constant -1.000000e+29 : f32
      %gt3A_249 = vector.broadcast %gt3A_248 : f32 to vector<256x1xf32>
      %gt3A_250 = arith.cmpf ogt, %broadcast_in_dim3A_239, %gt3A_249 : vector<256x1xf32>
      %mul3A_251 = arith.constant 2048 : i32
      %mul3A_252 = arith.muli %arg0, %mul3A_251 : i32
      %add3A_253 = vector.broadcast %mul3A_252 : i32 to vector<256x1xi32>
      %add3A_254 = arith.addi %add3A_253, %broadcast_in_dim3A_247 : vector<256x1xi32>
      %jit3A_255 = arith.constant 4096 : i32
      %broadcast_in_dim3A_256 = vector.broadcast %jit3A_255 : i32 to vector<256x1xi32>
      %select_n3A_257 = arith.select %gt3A_250, %add3A_254, %broadcast_in_dim3A_256 : vector<256x1xi1>, vector<256x1xi32>
      %swap3A_258 = arith.constant 0 : index
      %swap3A_259 = arith.constant 0 : index
      %swap3A_260 = arith.constant 5 : index
      %swap3A_261 = vector.load %arg3[%swap3A_258, %swap3A_259, %swap3A_260] : memref<1x256x16xi32, #tpu.memory_space<vmem>>, vector<1x256x1xi32>
      %swap3A_262 = vector.shape_cast %swap3A_261 : vector<1x256x1xi32> to vector<256x1xi32>
      %swap3A_263 = vector.shape_cast %select_n3A_257 : vector<256x1xi32> to vector<1x256x1xi32>
      tpu.vector_store %arg3[%swap3A_258, %swap3A_259, %swap3A_260], %swap3A_263 {strides = array<i32>} : memref<1x256x16xi32, #tpu.memory_space<vmem>>, vector<1x256x1xi32>,
      %convert_element_type3A_264 = arith.extui %gt3A_250 : vector<256x1xi1> to vector<256x1xi32>
      %add3A_265 = arith.addi %add3A_231, %convert_element_type3A_264 : vector<256x1xi32>
      %lt3A_266 = vector.broadcast %broadcast_in_dim3A_239 : vector<256x1xf32> to vector<256x1792xf32>
      %lt3A_267 = arith.cmpf olt, %select_n3A, %lt3A_266 : vector<256x1792xf32>
      %jit3A_268 = arith.constant -1.000000e+30 : f32
      %broadcast_in_dim3A_269 = vector.broadcast %jit3A_268 : f32 to vector<256x1792xf32>
      %select_n3A_270 = arith.select %lt3A_267, %select_n3A, %broadcast_in_dim3A_269 : vector<256x1792xi1>, vector<256x1792xf32>
      %reduce_max3A_271 = arith.constant dense<0xFF800000> : vector<256xf32>
      %reduce_max3A_272 = vector.multi_reduction <maximumf>, %select_n3A_270, %reduce_max3A_271 [1] : vector<256x1792xf32> to vector<256xf32>
      %broadcast_in_dim3A_273 = vector.shape_cast %reduce_max3A_272 : vector<256xf32> to vector<256x1xf32>
      %eq3A_274 = vector.broadcast %broadcast_in_dim3A_273 : vector<256x1xf32> to vector<256x1792xf32>
      %eq3A_275 = arith.cmpf oeq, %select_n3A_270, %eq3A_274 : vector<256x1792xf32>
      %jit3A_276 = arith.constant 1073741824 : i32
      %broadcast_in_dim3A_277 = vector.broadcast %jit3A_276 : i32 to vector<256x1792xi32>
      %select_n3A_278 = arith.select %eq3A_275, %iota3A, %broadcast_in_dim3A_277 : vector<256x1792xi1>, vector<256x1792xi32>
      %reduce_min3A_279 = arith.constant dense<2147483647> : vector<256xi32>
      %reduce_min3A_280 = vector.multi_reduction <minsi>, %select_n3A_278, %reduce_min3A_279 [1] : vector<256x1792xi32> to vector<256xi32>
      %broadcast_in_dim3A_281 = vector.shape_cast %reduce_min3A_280 : vector<256xi32> to vector<256x1xi32>
      %gt3A_282 = arith.constant -1.000000e+29 : f32
      %gt3A_283 = vector.broadcast %gt3A_282 : f32 to vector<256x1xf32>
      %gt3A_284 = arith.cmpf ogt, %broadcast_in_dim3A_273, %gt3A_283 : vector<256x1xf32>
      %mul3A_285 = arith.constant 2048 : i32
      %mul3A_286 = arith.muli %arg0, %mul3A_285 : i32
      %add3A_287 = vector.broadcast %mul3A_286 : i32 to vector<256x1xi32>
      %add3A_288 = arith.addi %add3A_287, %broadcast_in_dim3A_281 : vector<256x1xi32>
      %jit3A_289 = arith.constant 4096 : i32
      %broadcast_in_dim3A_290 = vector.broadcast %jit3A_289 : i32 to vector<256x1xi32>
      %select_n3A_291 = arith.select %gt3A_284, %add3A_288, %broadcast_in_dim3A_290 : vector<256x1xi1>, vector<256x1xi32>
      %swap3A_292 = arith.constant 0 : index
      %swap3A_293 = arith.constant 0 : index
      %swap3A_294 = arith.constant 6 : index
      %swap3A_295 = vector.load %arg3[%swap3A_292, %swap3A_293, %swap3A_294] : memref<1x256x16xi32, #tpu.memory_space<vmem>>, vector<1x256x1xi32>
      %swap3A_296 = vector.shape_cast %swap3A_295 : vector<1x256x1xi32> to vector<256x1xi32>
      %swap3A_297 = vector.shape_cast %select_n3A_291 : vector<256x1xi32> to vector<1x256x1xi32>
      tpu.vector_store %arg3[%swap3A_292, %swap3A_293, %swap3A_294], %swap3A_297 {strides = array<i32>} : memref<1x256x16xi32, #tpu.memory_space<vmem>>, vector<1x256x1xi32>,
      %convert_element_type3A_298 = arith.extui %gt3A_284 : vector<256x1xi1> to vector<256x1xi32>
      %add3A_299 = arith.addi %add3A_265, %convert_element_type3A_298 : vector<256x1xi32>
      %lt3A_300 = vector.broadcast %broadcast_in_dim3A_273 : vector<256x1xf32> to vector<256x1792xf32>
      %lt3A_301 = arith.cmpf olt, %select_n3A, %lt3A_300 : vector<256x1792xf32>
      %jit3A_302 = arith.constant -1.000000e+30 : f32
      %broadcast_in_dim3A_303 = vector.broadcast %jit3A_302 : f32 to vector<256x1792xf32>
      %select_n3A_304 = arith.select %lt3A_301, %select_n3A, %broadcast_in_dim3A_303 : vector<256x1792xi1>, vector<256x1792xf32>
      %reduce_max3A_305 = arith.constant dense<0xFF800000> : vector<256xf32>
      %reduce_max3A_306 = vector.multi_reduction <maximumf>, %select_n3A_304, %reduce_max3A_305 [1] : vector<256x1792xf32> to vector<256xf32>
      %broadcast_in_dim3A_307 = vector.shape_cast %reduce_max3A_306 : vector<256xf32> to vector<256x1xf32>
      %eq3A_308 = vector.broadcast %broadcast_in_dim3A_307 : vector<256x1xf32> to vector<256x1792xf32>
      %eq3A_309 = arith.cmpf oeq, %select_n3A_304, %eq3A_308 : vector<256x1792xf32>
      %jit3A_310 = arith.constant 1073741824 : i32
      %broadcast_in_dim3A_311 = vector.broadcast %jit3A_310 : i32 to vector<256x1792xi32>
      %select_n3A_312 = arith.select %eq3A_309, %iota3A, %broadcast_in_dim3A_311 : vector<256x1792xi1>, vector<256x1792xi32>
      %reduce_min3A_313 = arith.constant dense<2147483647> : vector<256xi32>
      %reduce_min3A_314 = vector.multi_reduction <minsi>, %select_n3A_312, %reduce_min3A_313 [1] : vector<256x1792xi32> to vector<256xi32>
      %broadcast_in_dim3A_315 = vector.shape_cast %reduce_min3A_314 : vector<256xi32> to vector<256x1xi32>
      %gt3A_316 = arith.constant -1.000000e+29 : f32
      %gt3A_317 = vector.broadcast %gt3A_316 : f32 to vector<256x1xf32>
      %gt3A_318 = arith.cmpf ogt, %broadcast_in_dim3A_307, %gt3A_317 : vector<256x1xf32>
      %mul3A_319 = arith.constant 2048 : i32
      %mul3A_320 = arith.muli %arg0, %mul3A_319 : i32
      %add3A_321 = vector.broadcast %mul3A_320 : i32 to vector<256x1xi32>
      %add3A_322 = arith.addi %add3A_321, %broadcast_in_dim3A_315 : vector<256x1xi32>
      %jit3A_323 = arith.constant 4096 : i32
      %broadcast_in_dim3A_324 = vector.broadcast %jit3A_323 : i32 to vector<256x1xi32>
      %select_n3A_325 = arith.select %gt3A_318, %add3A_322, %broadcast_in_dim3A_324 : vector<256x1xi1>, vector<256x1xi32>
      %swap3A_326 = arith.constant 0 : index
      %swap3A_327 = arith.constant 0 : index
      %swap3A_328 = arith.constant 7 : index
      %swap3A_329 = vector.load %arg3[%swap3A_326, %swap3A_327, %swap3A_328] : memref<1x256x16xi32, #tpu.memory_space<vmem>>, vector<1x256x1xi32>
      %swap3A_330 = vector.shape_cast %swap3A_329 : vector<1x256x1xi32> to vector<256x1xi32>
      %swap3A_331 = vector.shape_cast %select_n3A_325 : vector<256x1xi32> to vector<1x256x1xi32>
      tpu.vector_store %arg3[%swap3A_326, %swap3A_327, %swap3A_328], %swap3A_331 {strides = array<i32>} : memref<1x256x16xi32, #tpu.memory_space<vmem>>, vector<1x256x1xi32>,
      %convert_element_type3A_332 = arith.extui %gt3A_318 : vector<256x1xi1> to vector<256x1xi32>
      %add3A_333 = arith.addi %add3A_299, %convert_element_type3A_332 : vector<256x1xi32>
      %swap3A_334 = arith.constant 0 : index
      %swap3A_335 = arith.constant 0 : index
      %swap3A_336 = arith.constant 8 : index
      %swap3A_337 = vector.load %arg3[%swap3A_334, %swap3A_335, %swap3A_336] : memref<1x256x16xi32, #tpu.memory_space<vmem>>, vector<1x256x1xi32>
      %swap3A_338 = vector.shape_cast %swap3A_337 : vector<1x256x1xi32> to vector<256x1xi32>
      %swap3A_339 = vector.shape_cast %add3A_333 : vector<256x1xi32> to vector<1x256x1xi32>
      tpu.vector_store %arg3[%swap3A_334, %swap3A_335, %swap3A_336], %swap3A_339 {strides = array<i32>} : memref<1x256x16xi32, #tpu.memory_space<vmem>>, vector<1x256x1xi32>,
    } else {
    }
    %ge3A_53 = arith.constant 7 : i32
    %ge3A_54 = arith.cmpi sge, %arg1, %ge3A_53 : i32
    %lt3A_55 = arith.constant 8 : i32
    %lt3A_56 = arith.cmpi slt, %arg1, %lt3A_55 : i32
    %and3A_57 = arith.andi %ge3A_54, %lt3A_56 : i1
    %convert_element_type3A_58 = arith.extui %and3A_57 : i1 to i32
    %cond3A_59 = arith.constant 0 : i32
    %cond3A_60 = arith.cmpi ne, %convert_element_type3A_58, %cond3A_59 : i32
    scf.if %cond3A_60 {
      %get3A = arith.index_cast %mul3A_2 : i32 to index
      %get3A_61 = arith.constant 0 : index
      %get3A_62 = vector.load %arg4[%get3A, %get3A_61] : memref<2048x768xf32, #tpu.memory_space<vmem>>, vector<256x768xf32>
      %get3A_63 = arith.constant 0 : index
      %get3A_64 = arith.constant 0 : index
      %get3A_65 = vector.load %arg4[%get3A_63, %get3A_64] : memref<2048x768xf32, #tpu.memory_space<vmem>>, vector<2048x768xf32>
      %dot_general3A = arith.constant dense<0.000000e+00> : vector<256x2048xf32>
      %dot_general3A_66 = tpu.matmul %get3A_62, %get3A_65, %dot_general3A {dimension_numbers = #tpu.dot_dimension_numbers<[1], [1], [0], [0], [0, 0, 1, 0], [], []>, transpose_lhs_hint = false} : vector<256x768xf32>, vector<2048x768xf32>, vector<256x2048xf32> -> vector<256x2048xf32>
      %iota3A = tpu.iota {dimensions = array<i32: 1>} : vector<256x2048xi32>
      %iota3A_67 = tpu.iota {dimensions = array<i32: 0>} : vector<256x2048xi32>
      %add3A = vector.broadcast %mul3A_2 : i32 to vector<256x2048xi32>
      %add3A_68 = arith.addi %add3A, %iota3A_67 : vector<256x2048xi32>
      %le3A = arith.cmpi sle, %iota3A, %add3A_68 : vector<256x2048xi32>
      %jit3A = arith.constant -1.000000e+30 : f32
      %broadcast_in_dim3A = vector.broadcast %jit3A : f32 to vector<256x2048xf32>
      %select_n3A = arith.select %le3A, %dot_general3A_66, %broadcast_in_dim3A : vector<256x2048xi1>, vector<256x2048xf32>
      %broadcast_in_dim3A_69 = arith.constant 0 : i32
      %broadcast_in_dim3A_70 = vector.broadcast %broadcast_in_dim3A_69 : i32 to vector<256x1xi32>
      %reduce_max3A = arith.constant dense<0xFF800000> : vector<256xf32>
      %reduce_max3A_71 = vector.multi_reduction <maximumf>, %select_n3A, %reduce_max3A [1] : vector<256x2048xf32> to vector<256xf32>
      %broadcast_in_dim3A_72 = vector.shape_cast %reduce_max3A_71 : vector<256xf32> to vector<256x1xf32>
      %eq3A_73 = vector.broadcast %broadcast_in_dim3A_72 : vector<256x1xf32> to vector<256x2048xf32>
      %eq3A_74 = arith.cmpf oeq, %select_n3A, %eq3A_73 : vector<256x2048xf32>
      %jit3A_75 = arith.constant 1073741824 : i32
      %broadcast_in_dim3A_76 = vector.broadcast %jit3A_75 : i32 to vector<256x2048xi32>
      %select_n3A_77 = arith.select %eq3A_74, %iota3A, %broadcast_in_dim3A_76 : vector<256x2048xi1>, vector<256x2048xi32>
      %reduce_min3A = arith.constant dense<2147483647> : vector<256xi32>
      %reduce_min3A_78 = vector.multi_reduction <minsi>, %select_n3A_77, %reduce_min3A [1] : vector<256x2048xi32> to vector<256xi32>
      %broadcast_in_dim3A_79 = vector.shape_cast %reduce_min3A_78 : vector<256xi32> to vector<256x1xi32>
      %gt3A = arith.constant -1.000000e+29 : f32
      %gt3A_80 = vector.broadcast %gt3A : f32 to vector<256x1xf32>
      %gt3A_81 = arith.cmpf ogt, %broadcast_in_dim3A_72, %gt3A_80 : vector<256x1xf32>
      %mul3A_82 = arith.constant 2048 : i32
      %mul3A_83 = arith.muli %arg0, %mul3A_82 : i32
      %add3A_84 = vector.broadcast %mul3A_83 : i32 to vector<256x1xi32>
      %add3A_85 = arith.addi %add3A_84, %broadcast_in_dim3A_79 : vector<256x1xi32>
      %jit3A_86 = arith.constant 4096 : i32
      %broadcast_in_dim3A_87 = vector.broadcast %jit3A_86 : i32 to vector<256x1xi32>
      %select_n3A_88 = arith.select %gt3A_81, %add3A_85, %broadcast_in_dim3A_87 : vector<256x1xi1>, vector<256x1xi32>
      %swap3A = arith.constant 0 : index
      %swap3A_89 = arith.constant 0 : index
      %swap3A_90 = arith.constant 0 : index
      %swap3A_91 = vector.load %arg3[%swap3A, %swap3A_89, %swap3A_90] : memref<1x256x16xi32, #tpu.memory_space<vmem>>, vector<1x256x1xi32>
      %swap3A_92 = vector.shape_cast %swap3A_91 : vector<1x256x1xi32> to vector<256x1xi32>
      %swap3A_93 = vector.shape_cast %select_n3A_88 : vector<256x1xi32> to vector<1x256x1xi32>
      tpu.vector_store %arg3[%swap3A, %swap3A_89, %swap3A_90], %swap3A_93 {strides = array<i32>} : memref<1x256x16xi32, #tpu.memory_space<vmem>>, vector<1x256x1xi32>,
      %convert_element_type3A_94 = arith.extui %gt3A_81 : vector<256x1xi1> to vector<256x1xi32>
      %add3A_95 = arith.addi %broadcast_in_dim3A_70, %convert_element_type3A_94 : vector<256x1xi32>
      %lt3A_96 = vector.broadcast %broadcast_in_dim3A_72 : vector<256x1xf32> to vector<256x2048xf32>
      %lt3A_97 = arith.cmpf olt, %select_n3A, %lt3A_96 : vector<256x2048xf32>
      %jit3A_98 = arith.constant -1.000000e+30 : f32
      %broadcast_in_dim3A_99 = vector.broadcast %jit3A_98 : f32 to vector<256x2048xf32>
      %select_n3A_100 = arith.select %lt3A_97, %select_n3A, %broadcast_in_dim3A_99 : vector<256x2048xi1>, vector<256x2048xf32>
      %reduce_max3A_101 = arith.constant dense<0xFF800000> : vector<256xf32>
      %reduce_max3A_102 = vector.multi_reduction <maximumf>, %select_n3A_100, %reduce_max3A_101 [1] : vector<256x2048xf32> to vector<256xf32>
      %broadcast_in_dim3A_103 = vector.shape_cast %reduce_max3A_102 : vector<256xf32> to vector<256x1xf32>
      %eq3A_104 = vector.broadcast %broadcast_in_dim3A_103 : vector<256x1xf32> to vector<256x2048xf32>
      %eq3A_105 = arith.cmpf oeq, %select_n3A_100, %eq3A_104 : vector<256x2048xf32>
      %jit3A_106 = arith.constant 1073741824 : i32
      %broadcast_in_dim3A_107 = vector.broadcast %jit3A_106 : i32 to vector<256x2048xi32>
      %select_n3A_108 = arith.select %eq3A_105, %iota3A, %broadcast_in_dim3A_107 : vector<256x2048xi1>, vector<256x2048xi32>
      %reduce_min3A_109 = arith.constant dense<2147483647> : vector<256xi32>
      %reduce_min3A_110 = vector.multi_reduction <minsi>, %select_n3A_108, %reduce_min3A_109 [1] : vector<256x2048xi32> to vector<256xi32>
      %broadcast_in_dim3A_111 = vector.shape_cast %reduce_min3A_110 : vector<256xi32> to vector<256x1xi32>
      %gt3A_112 = arith.constant -1.000000e+29 : f32
      %gt3A_113 = vector.broadcast %gt3A_112 : f32 to vector<256x1xf32>
      %gt3A_114 = arith.cmpf ogt, %broadcast_in_dim3A_103, %gt3A_113 : vector<256x1xf32>
      %mul3A_115 = arith.constant 2048 : i32
      %mul3A_116 = arith.muli %arg0, %mul3A_115 : i32
      %add3A_117 = vector.broadcast %mul3A_116 : i32 to vector<256x1xi32>
      %add3A_118 = arith.addi %add3A_117, %broadcast_in_dim3A_111 : vector<256x1xi32>
      %jit3A_119 = arith.constant 4096 : i32
      %broadcast_in_dim3A_120 = vector.broadcast %jit3A_119 : i32 to vector<256x1xi32>
      %select_n3A_121 = arith.select %gt3A_114, %add3A_118, %broadcast_in_dim3A_120 : vector<256x1xi1>, vector<256x1xi32>
      %swap3A_122 = arith.constant 0 : index
      %swap3A_123 = arith.constant 0 : index
      %swap3A_124 = arith.constant 1 : index
      %swap3A_125 = vector.load %arg3[%swap3A_122, %swap3A_123, %swap3A_124] : memref<1x256x16xi32, #tpu.memory_space<vmem>>, vector<1x256x1xi32>
      %swap3A_126 = vector.shape_cast %swap3A_125 : vector<1x256x1xi32> to vector<256x1xi32>
      %swap3A_127 = vector.shape_cast %select_n3A_121 : vector<256x1xi32> to vector<1x256x1xi32>
      tpu.vector_store %arg3[%swap3A_122, %swap3A_123, %swap3A_124], %swap3A_127 {strides = array<i32>} : memref<1x256x16xi32, #tpu.memory_space<vmem>>, vector<1x256x1xi32>,
      %convert_element_type3A_128 = arith.extui %gt3A_114 : vector<256x1xi1> to vector<256x1xi32>
      %add3A_129 = arith.addi %add3A_95, %convert_element_type3A_128 : vector<256x1xi32>
      %lt3A_130 = vector.broadcast %broadcast_in_dim3A_103 : vector<256x1xf32> to vector<256x2048xf32>
      %lt3A_131 = arith.cmpf olt, %select_n3A, %lt3A_130 : vector<256x2048xf32>
      %jit3A_132 = arith.constant -1.000000e+30 : f32
      %broadcast_in_dim3A_133 = vector.broadcast %jit3A_132 : f32 to vector<256x2048xf32>
      %select_n3A_134 = arith.select %lt3A_131, %select_n3A, %broadcast_in_dim3A_133 : vector<256x2048xi1>, vector<256x2048xf32>
      %reduce_max3A_135 = arith.constant dense<0xFF800000> : vector<256xf32>
      %reduce_max3A_136 = vector.multi_reduction <maximumf>, %select_n3A_134, %reduce_max3A_135 [1] : vector<256x2048xf32> to vector<256xf32>
      %broadcast_in_dim3A_137 = vector.shape_cast %reduce_max3A_136 : vector<256xf32> to vector<256x1xf32>
      %eq3A_138 = vector.broadcast %broadcast_in_dim3A_137 : vector<256x1xf32> to vector<256x2048xf32>
      %eq3A_139 = arith.cmpf oeq, %select_n3A_134, %eq3A_138 : vector<256x2048xf32>
      %jit3A_140 = arith.constant 1073741824 : i32
      %broadcast_in_dim3A_141 = vector.broadcast %jit3A_140 : i32 to vector<256x2048xi32>
      %select_n3A_142 = arith.select %eq3A_139, %iota3A, %broadcast_in_dim3A_141 : vector<256x2048xi1>, vector<256x2048xi32>
      %reduce_min3A_143 = arith.constant dense<2147483647> : vector<256xi32>
      %reduce_min3A_144 = vector.multi_reduction <minsi>, %select_n3A_142, %reduce_min3A_143 [1] : vector<256x2048xi32> to vector<256xi32>
      %broadcast_in_dim3A_145 = vector.shape_cast %reduce_min3A_144 : vector<256xi32> to vector<256x1xi32>
      %gt3A_146 = arith.constant -1.000000e+29 : f32
      %gt3A_147 = vector.broadcast %gt3A_146 : f32 to vector<256x1xf32>
      %gt3A_148 = arith.cmpf ogt, %broadcast_in_dim3A_137, %gt3A_147 : vector<256x1xf32>
      %mul3A_149 = arith.constant 2048 : i32
      %mul3A_150 = arith.muli %arg0, %mul3A_149 : i32
      %add3A_151 = vector.broadcast %mul3A_150 : i32 to vector<256x1xi32>
      %add3A_152 = arith.addi %add3A_151, %broadcast_in_dim3A_145 : vector<256x1xi32>
      %jit3A_153 = arith.constant 4096 : i32
      %broadcast_in_dim3A_154 = vector.broadcast %jit3A_153 : i32 to vector<256x1xi32>
      %select_n3A_155 = arith.select %gt3A_148, %add3A_152, %broadcast_in_dim3A_154 : vector<256x1xi1>, vector<256x1xi32>
      %swap3A_156 = arith.constant 0 : index
      %swap3A_157 = arith.constant 0 : index
      %swap3A_158 = arith.constant 2 : index
      %swap3A_159 = vector.load %arg3[%swap3A_156, %swap3A_157, %swap3A_158] : memref<1x256x16xi32, #tpu.memory_space<vmem>>, vector<1x256x1xi32>
      %swap3A_160 = vector.shape_cast %swap3A_159 : vector<1x256x1xi32> to vector<256x1xi32>
      %swap3A_161 = vector.shape_cast %select_n3A_155 : vector<256x1xi32> to vector<1x256x1xi32>
      tpu.vector_store %arg3[%swap3A_156, %swap3A_157, %swap3A_158], %swap3A_161 {strides = array<i32>} : memref<1x256x16xi32, #tpu.memory_space<vmem>>, vector<1x256x1xi32>,
      %convert_element_type3A_162 = arith.extui %gt3A_148 : vector<256x1xi1> to vector<256x1xi32>
      %add3A_163 = arith.addi %add3A_129, %convert_element_type3A_162 : vector<256x1xi32>
      %lt3A_164 = vector.broadcast %broadcast_in_dim3A_137 : vector<256x1xf32> to vector<256x2048xf32>
      %lt3A_165 = arith.cmpf olt, %select_n3A, %lt3A_164 : vector<256x2048xf32>
      %jit3A_166 = arith.constant -1.000000e+30 : f32
      %broadcast_in_dim3A_167 = vector.broadcast %jit3A_166 : f32 to vector<256x2048xf32>
      %select_n3A_168 = arith.select %lt3A_165, %select_n3A, %broadcast_in_dim3A_167 : vector<256x2048xi1>, vector<256x2048xf32>
      %reduce_max3A_169 = arith.constant dense<0xFF800000> : vector<256xf32>
      %reduce_max3A_170 = vector.multi_reduction <maximumf>, %select_n3A_168, %reduce_max3A_169 [1] : vector<256x2048xf32> to vector<256xf32>
      %broadcast_in_dim3A_171 = vector.shape_cast %reduce_max3A_170 : vector<256xf32> to vector<256x1xf32>
      %eq3A_172 = vector.broadcast %broadcast_in_dim3A_171 : vector<256x1xf32> to vector<256x2048xf32>
      %eq3A_173 = arith.cmpf oeq, %select_n3A_168, %eq3A_172 : vector<256x2048xf32>
      %jit3A_174 = arith.constant 1073741824 : i32
      %broadcast_in_dim3A_175 = vector.broadcast %jit3A_174 : i32 to vector<256x2048xi32>
      %select_n3A_176 = arith.select %eq3A_173, %iota3A, %broadcast_in_dim3A_175 : vector<256x2048xi1>, vector<256x2048xi32>
      %reduce_min3A_177 = arith.constant dense<2147483647> : vector<256xi32>
      %reduce_min3A_178 = vector.multi_reduction <minsi>, %select_n3A_176, %reduce_min3A_177 [1] : vector<256x2048xi32> to vector<256xi32>
      %broadcast_in_dim3A_179 = vector.shape_cast %reduce_min3A_178 : vector<256xi32> to vector<256x1xi32>
      %gt3A_180 = arith.constant -1.000000e+29 : f32
      %gt3A_181 = vector.broadcast %gt3A_180 : f32 to vector<256x1xf32>
      %gt3A_182 = arith.cmpf ogt, %broadcast_in_dim3A_171, %gt3A_181 : vector<256x1xf32>
      %mul3A_183 = arith.constant 2048 : i32
      %mul3A_184 = arith.muli %arg0, %mul3A_183 : i32
      %add3A_185 = vector.broadcast %mul3A_184 : i32 to vector<256x1xi32>
      %add3A_186 = arith.addi %add3A_185, %broadcast_in_dim3A_179 : vector<256x1xi32>
      %jit3A_187 = arith.constant 4096 : i32
      %broadcast_in_dim3A_188 = vector.broadcast %jit3A_187 : i32 to vector<256x1xi32>
      %select_n3A_189 = arith.select %gt3A_182, %add3A_186, %broadcast_in_dim3A_188 : vector<256x1xi1>, vector<256x1xi32>
      %swap3A_190 = arith.constant 0 : index
      %swap3A_191 = arith.constant 0 : index
      %swap3A_192 = arith.constant 3 : index
      %swap3A_193 = vector.load %arg3[%swap3A_190, %swap3A_191, %swap3A_192] : memref<1x256x16xi32, #tpu.memory_space<vmem>>, vector<1x256x1xi32>
      %swap3A_194 = vector.shape_cast %swap3A_193 : vector<1x256x1xi32> to vector<256x1xi32>
      %swap3A_195 = vector.shape_cast %select_n3A_189 : vector<256x1xi32> to vector<1x256x1xi32>
      tpu.vector_store %arg3[%swap3A_190, %swap3A_191, %swap3A_192], %swap3A_195 {strides = array<i32>} : memref<1x256x16xi32, #tpu.memory_space<vmem>>, vector<1x256x1xi32>,
      %convert_element_type3A_196 = arith.extui %gt3A_182 : vector<256x1xi1> to vector<256x1xi32>
      %add3A_197 = arith.addi %add3A_163, %convert_element_type3A_196 : vector<256x1xi32>
      %lt3A_198 = vector.broadcast %broadcast_in_dim3A_171 : vector<256x1xf32> to vector<256x2048xf32>
      %lt3A_199 = arith.cmpf olt, %select_n3A, %lt3A_198 : vector<256x2048xf32>
      %jit3A_200 = arith.constant -1.000000e+30 : f32
      %broadcast_in_dim3A_201 = vector.broadcast %jit3A_200 : f32 to vector<256x2048xf32>
      %select_n3A_202 = arith.select %lt3A_199, %select_n3A, %broadcast_in_dim3A_201 : vector<256x2048xi1>, vector<256x2048xf32>
      %reduce_max3A_203 = arith.constant dense<0xFF800000> : vector<256xf32>
      %reduce_max3A_204 = vector.multi_reduction <maximumf>, %select_n3A_202, %reduce_max3A_203 [1] : vector<256x2048xf32> to vector<256xf32>
      %broadcast_in_dim3A_205 = vector.shape_cast %reduce_max3A_204 : vector<256xf32> to vector<256x1xf32>
      %eq3A_206 = vector.broadcast %broadcast_in_dim3A_205 : vector<256x1xf32> to vector<256x2048xf32>
      %eq3A_207 = arith.cmpf oeq, %select_n3A_202, %eq3A_206 : vector<256x2048xf32>
      %jit3A_208 = arith.constant 1073741824 : i32
      %broadcast_in_dim3A_209 = vector.broadcast %jit3A_208 : i32 to vector<256x2048xi32>
      %select_n3A_210 = arith.select %eq3A_207, %iota3A, %broadcast_in_dim3A_209 : vector<256x2048xi1>, vector<256x2048xi32>
      %reduce_min3A_211 = arith.constant dense<2147483647> : vector<256xi32>
      %reduce_min3A_212 = vector.multi_reduction <minsi>, %select_n3A_210, %reduce_min3A_211 [1] : vector<256x2048xi32> to vector<256xi32>
      %broadcast_in_dim3A_213 = vector.shape_cast %reduce_min3A_212 : vector<256xi32> to vector<256x1xi32>
      %gt3A_214 = arith.constant -1.000000e+29 : f32
      %gt3A_215 = vector.broadcast %gt3A_214 : f32 to vector<256x1xf32>
      %gt3A_216 = arith.cmpf ogt, %broadcast_in_dim3A_205, %gt3A_215 : vector<256x1xf32>
      %mul3A_217 = arith.constant 2048 : i32
      %mul3A_218 = arith.muli %arg0, %mul3A_217 : i32
      %add3A_219 = vector.broadcast %mul3A_218 : i32 to vector<256x1xi32>
      %add3A_220 = arith.addi %add3A_219, %broadcast_in_dim3A_213 : vector<256x1xi32>
      %jit3A_221 = arith.constant 4096 : i32
      %broadcast_in_dim3A_222 = vector.broadcast %jit3A_221 : i32 to vector<256x1xi32>
      %select_n3A_223 = arith.select %gt3A_216, %add3A_220, %broadcast_in_dim3A_222 : vector<256x1xi1>, vector<256x1xi32>
      %swap3A_224 = arith.constant 0 : index
      %swap3A_225 = arith.constant 0 : index
      %swap3A_226 = arith.constant 4 : index
      %swap3A_227 = vector.load %arg3[%swap3A_224, %swap3A_225, %swap3A_226] : memref<1x256x16xi32, #tpu.memory_space<vmem>>, vector<1x256x1xi32>
      %swap3A_228 = vector.shape_cast %swap3A_227 : vector<1x256x1xi32> to vector<256x1xi32>
      %swap3A_229 = vector.shape_cast %select_n3A_223 : vector<256x1xi32> to vector<1x256x1xi32>
      tpu.vector_store %arg3[%swap3A_224, %swap3A_225, %swap3A_226], %swap3A_229 {strides = array<i32>} : memref<1x256x16xi32, #tpu.memory_space<vmem>>, vector<1x256x1xi32>,
      %convert_element_type3A_230 = arith.extui %gt3A_216 : vector<256x1xi1> to vector<256x1xi32>
      %add3A_231 = arith.addi %add3A_197, %convert_element_type3A_230 : vector<256x1xi32>
      %lt3A_232 = vector.broadcast %broadcast_in_dim3A_205 : vector<256x1xf32> to vector<256x2048xf32>
      %lt3A_233 = arith.cmpf olt, %select_n3A, %lt3A_232 : vector<256x2048xf32>
      %jit3A_234 = arith.constant -1.000000e+30 : f32
      %broadcast_in_dim3A_235 = vector.broadcast %jit3A_234 : f32 to vector<256x2048xf32>
      %select_n3A_236 = arith.select %lt3A_233, %select_n3A, %broadcast_in_dim3A_235 : vector<256x2048xi1>, vector<256x2048xf32>
      %reduce_max3A_237 = arith.constant dense<0xFF800000> : vector<256xf32>
      %reduce_max3A_238 = vector.multi_reduction <maximumf>, %select_n3A_236, %reduce_max3A_237 [1] : vector<256x2048xf32> to vector<256xf32>
      %broadcast_in_dim3A_239 = vector.shape_cast %reduce_max3A_238 : vector<256xf32> to vector<256x1xf32>
      %eq3A_240 = vector.broadcast %broadcast_in_dim3A_239 : vector<256x1xf32> to vector<256x2048xf32>
      %eq3A_241 = arith.cmpf oeq, %select_n3A_236, %eq3A_240 : vector<256x2048xf32>
      %jit3A_242 = arith.constant 1073741824 : i32
      %broadcast_in_dim3A_243 = vector.broadcast %jit3A_242 : i32 to vector<256x2048xi32>
      %select_n3A_244 = arith.select %eq3A_241, %iota3A, %broadcast_in_dim3A_243 : vector<256x2048xi1>, vector<256x2048xi32>
      %reduce_min3A_245 = arith.constant dense<2147483647> : vector<256xi32>
      %reduce_min3A_246 = vector.multi_reduction <minsi>, %select_n3A_244, %reduce_min3A_245 [1] : vector<256x2048xi32> to vector<256xi32>
      %broadcast_in_dim3A_247 = vector.shape_cast %reduce_min3A_246 : vector<256xi32> to vector<256x1xi32>
      %gt3A_248 = arith.constant -1.000000e+29 : f32
      %gt3A_249 = vector.broadcast %gt3A_248 : f32 to vector<256x1xf32>
      %gt3A_250 = arith.cmpf ogt, %broadcast_in_dim3A_239, %gt3A_249 : vector<256x1xf32>
      %mul3A_251 = arith.constant 2048 : i32
      %mul3A_252 = arith.muli %arg0, %mul3A_251 : i32
      %add3A_253 = vector.broadcast %mul3A_252 : i32 to vector<256x1xi32>
      %add3A_254 = arith.addi %add3A_253, %broadcast_in_dim3A_247 : vector<256x1xi32>
      %jit3A_255 = arith.constant 4096 : i32
      %broadcast_in_dim3A_256 = vector.broadcast %jit3A_255 : i32 to vector<256x1xi32>
      %select_n3A_257 = arith.select %gt3A_250, %add3A_254, %broadcast_in_dim3A_256 : vector<256x1xi1>, vector<256x1xi32>
      %swap3A_258 = arith.constant 0 : index
      %swap3A_259 = arith.constant 0 : index
      %swap3A_260 = arith.constant 5 : index
      %swap3A_261 = vector.load %arg3[%swap3A_258, %swap3A_259, %swap3A_260] : memref<1x256x16xi32, #tpu.memory_space<vmem>>, vector<1x256x1xi32>
      %swap3A_262 = vector.shape_cast %swap3A_261 : vector<1x256x1xi32> to vector<256x1xi32>
      %swap3A_263 = vector.shape_cast %select_n3A_257 : vector<256x1xi32> to vector<1x256x1xi32>
      tpu.vector_store %arg3[%swap3A_258, %swap3A_259, %swap3A_260], %swap3A_263 {strides = array<i32>} : memref<1x256x16xi32, #tpu.memory_space<vmem>>, vector<1x256x1xi32>,
      %convert_element_type3A_264 = arith.extui %gt3A_250 : vector<256x1xi1> to vector<256x1xi32>
      %add3A_265 = arith.addi %add3A_231, %convert_element_type3A_264 : vector<256x1xi32>
      %lt3A_266 = vector.broadcast %broadcast_in_dim3A_239 : vector<256x1xf32> to vector<256x2048xf32>
      %lt3A_267 = arith.cmpf olt, %select_n3A, %lt3A_266 : vector<256x2048xf32>
      %jit3A_268 = arith.constant -1.000000e+30 : f32
      %broadcast_in_dim3A_269 = vector.broadcast %jit3A_268 : f32 to vector<256x2048xf32>
      %select_n3A_270 = arith.select %lt3A_267, %select_n3A, %broadcast_in_dim3A_269 : vector<256x2048xi1>, vector<256x2048xf32>
      %reduce_max3A_271 = arith.constant dense<0xFF800000> : vector<256xf32>
      %reduce_max3A_272 = vector.multi_reduction <maximumf>, %select_n3A_270, %reduce_max3A_271 [1] : vector<256x2048xf32> to vector<256xf32>
      %broadcast_in_dim3A_273 = vector.shape_cast %reduce_max3A_272 : vector<256xf32> to vector<256x1xf32>
      %eq3A_274 = vector.broadcast %broadcast_in_dim3A_273 : vector<256x1xf32> to vector<256x2048xf32>
      %eq3A_275 = arith.cmpf oeq, %select_n3A_270, %eq3A_274 : vector<256x2048xf32>
      %jit3A_276 = arith.constant 1073741824 : i32
      %broadcast_in_dim3A_277 = vector.broadcast %jit3A_276 : i32 to vector<256x2048xi32>
      %select_n3A_278 = arith.select %eq3A_275, %iota3A, %broadcast_in_dim3A_277 : vector<256x2048xi1>, vector<256x2048xi32>
      %reduce_min3A_279 = arith.constant dense<2147483647> : vector<256xi32>
      %reduce_min3A_280 = vector.multi_reduction <minsi>, %select_n3A_278, %reduce_min3A_279 [1] : vector<256x2048xi32> to vector<256xi32>
      %broadcast_in_dim3A_281 = vector.shape_cast %reduce_min3A_280 : vector<256xi32> to vector<256x1xi32>
      %gt3A_282 = arith.constant -1.000000e+29 : f32
      %gt3A_283 = vector.broadcast %gt3A_282 : f32 to vector<256x1xf32>
      %gt3A_284 = arith.cmpf ogt, %broadcast_in_dim3A_273, %gt3A_283 : vector<256x1xf32>
      %mul3A_285 = arith.constant 2048 : i32
      %mul3A_286 = arith.muli %arg0, %mul3A_285 : i32
      %add3A_287 = vector.broadcast %mul3A_286 : i32 to vector<256x1xi32>
      %add3A_288 = arith.addi %add3A_287, %broadcast_in_dim3A_281 : vector<256x1xi32>
      %jit3A_289 = arith.constant 4096 : i32
      %broadcast_in_dim3A_290 = vector.broadcast %jit3A_289 : i32 to vector<256x1xi32>
      %select_n3A_291 = arith.select %gt3A_284, %add3A_288, %broadcast_in_dim3A_290 : vector<256x1xi1>, vector<256x1xi32>
      %swap3A_292 = arith.constant 0 : index
      %swap3A_293 = arith.constant 0 : index
      %swap3A_294 = arith.constant 6 : index
      %swap3A_295 = vector.load %arg3[%swap3A_292, %swap3A_293, %swap3A_294] : memref<1x256x16xi32, #tpu.memory_space<vmem>>, vector<1x256x1xi32>
      %swap3A_296 = vector.shape_cast %swap3A_295 : vector<1x256x1xi32> to vector<256x1xi32>
      %swap3A_297 = vector.shape_cast %select_n3A_291 : vector<256x1xi32> to vector<1x256x1xi32>
      tpu.vector_store %arg3[%swap3A_292, %swap3A_293, %swap3A_294], %swap3A_297 {strides = array<i32>} : memref<1x256x16xi32, #tpu.memory_space<vmem>>, vector<1x256x1xi32>,
      %convert_element_type3A_298 = arith.extui %gt3A_284 : vector<256x1xi1> to vector<256x1xi32>
      %add3A_299 = arith.addi %add3A_265, %convert_element_type3A_298 : vector<256x1xi32>
      %lt3A_300 = vector.broadcast %broadcast_in_dim3A_273 : vector<256x1xf32> to vector<256x2048xf32>
      %lt3A_301 = arith.cmpf olt, %select_n3A, %lt3A_300 : vector<256x2048xf32>
      %jit3A_302 = arith.constant -1.000000e+30 : f32
      %broadcast_in_dim3A_303 = vector.broadcast %jit3A_302 : f32 to vector<256x2048xf32>
      %select_n3A_304 = arith.select %lt3A_301, %select_n3A, %broadcast_in_dim3A_303 : vector<256x2048xi1>, vector<256x2048xf32>
      %reduce_max3A_305 = arith.constant dense<0xFF800000> : vector<256xf32>
      %reduce_max3A_306 = vector.multi_reduction <maximumf>, %select_n3A_304, %reduce_max3A_305 [1] : vector<256x2048xf32> to vector<256xf32>
      %broadcast_in_dim3A_307 = vector.shape_cast %reduce_max3A_306 : vector<256xf32> to vector<256x1xf32>
      %eq3A_308 = vector.broadcast %broadcast_in_dim3A_307 : vector<256x1xf32> to vector<256x2048xf32>
      %eq3A_309 = arith.cmpf oeq, %select_n3A_304, %eq3A_308 : vector<256x2048xf32>
      %jit3A_310 = arith.constant 1073741824 : i32
      %broadcast_in_dim3A_311 = vector.broadcast %jit3A_310 : i32 to vector<256x2048xi32>
      %select_n3A_312 = arith.select %eq3A_309, %iota3A, %broadcast_in_dim3A_311 : vector<256x2048xi1>, vector<256x2048xi32>
      %reduce_min3A_313 = arith.constant dense<2147483647> : vector<256xi32>
      %reduce_min3A_314 = vector.multi_reduction <minsi>, %select_n3A_312, %reduce_min3A_313 [1] : vector<256x2048xi32> to vector<256xi32>
      %broadcast_in_dim3A_315 = vector.shape_cast %reduce_min3A_314 : vector<256xi32> to vector<256x1xi32>
      %gt3A_316 = arith.constant -1.000000e+29 : f32
      %gt3A_317 = vector.broadcast %gt3A_316 : f32 to vector<256x1xf32>
      %gt3A_318 = arith.cmpf ogt, %broadcast_in_dim3A_307, %gt3A_317 : vector<256x1xf32>
      %mul3A_319 = arith.constant 2048 : i32
      %mul3A_320 = arith.muli %arg0, %mul3A_319 : i32
      %add3A_321 = vector.broadcast %mul3A_320 : i32 to vector<256x1xi32>
      %add3A_322 = arith.addi %add3A_321, %broadcast_in_dim3A_315 : vector<256x1xi32>
      %jit3A_323 = arith.constant 4096 : i32
      %broadcast_in_dim3A_324 = vector.broadcast %jit3A_323 : i32 to vector<256x1xi32>
      %select_n3A_325 = arith.select %gt3A_318, %add3A_322, %broadcast_in_dim3A_324 : vector<256x1xi1>, vector<256x1xi32>
      %swap3A_326 = arith.constant 0 : index
      %swap3A_327 = arith.constant 0 : index
      %swap3A_328 = arith.constant 7 : index
      %swap3A_329 = vector.load %arg3[%swap3A_326, %swap3A_327, %swap3A_328] : memref<1x256x16xi32, #tpu.memory_space<vmem>>, vector<1x256x1xi32>
      %swap3A_330 = vector.shape_cast %swap3A_329 : vector<1x256x1xi32> to vector<256x1xi32>
      %swap3A_331 = vector.shape_cast %select_n3A_325 : vector<256x1xi32> to vector<1x256x1xi32>
      tpu.vector_store %arg3[%swap3A_326, %swap3A_327, %swap3A_328], %swap3A_331 {strides = array<i32>} : memref<1x256x16xi32, #tpu.memory_space<vmem>>, vector<1x256x1xi32>,
      %convert_element_type3A_332 = arith.extui %gt3A_318 : vector<256x1xi1> to vector<256x1xi32>
      %add3A_333 = arith.addi %add3A_299, %convert_element_type3A_332 : vector<256x1xi32>
      %swap3A_334 = arith.constant 0 : index
      %swap3A_335 = arith.constant 0 : index
      %swap3A_336 = arith.constant 8 : index
      %swap3A_337 = vector.load %arg3[%swap3A_334, %swap3A_335, %swap3A_336] : memref<1x256x16xi32, #tpu.memory_space<vmem>>, vector<1x256x1xi32>
      %swap3A_338 = vector.shape_cast %swap3A_337 : vector<1x256x1xi32> to vector<256x1xi32>
      %swap3A_339 = vector.shape_cast %add3A_333 : vector<256x1xi32> to vector<1x256x1xi32>
      tpu.vector_store %arg3[%swap3A_334, %swap3A_335, %swap3A_336], %swap3A_339 {strides = array<i32>} : memref<1x256x16xi32, #tpu.memory_space<vmem>>, vector<1x256x1xi32>,
    } else {
    }
    return
  }
  func.func @transform_0(%arg0: i32, %arg1: i32) -> (i32, i32, i32) {
    %c0_i32 = arith.constant 0 : i32
    %c0_i32_0 = arith.constant 0 : i32
    %c0_i32_1 = arith.constant 0 : i32
    return %arg0, %c0_i32, %c0_i32_0 : i32, i32, i32
  }
  func.func @transform_1(%arg0: i32, %arg1: i32) -> (i32, i32, i32) {
    %c0_i32 = arith.constant 0 : i32
    %c0_i32_0 = arith.constant 0 : i32
    return %arg0, %arg1, %c0_i32 : i32, i32, i32
  }
}

</mosaic_0001>

<sc_bundles>
// kernel: kernel.5.cloned.1.call-start
scs
__scs_entry_jumppad:
0x0: {  	(pc) =	sbr.rel $0x88, $3  }
0x1: {  	(tag) =	ssettag $0x0;
	lr =	simm.s32 $0x1  }
0x2: {  	[smem:$0x3F9C] =	sst lr;
	_ =	strace $0xD0000000  }
0x3: {  	_ = 	snop  }
0x4: {  	_ = 	snop  }
0x5: {  	_ = 	snop  }
0x6: {  	_ = 	snop  }
0x7: {  	_ = 	snop  }
__scs_overlays_trampoline_lowered:
0x8: {  	[smem:$0x3FAB] =	sst s0  }
0x9: {  	[smem:$0x3FAC] =	sst s1  }
0xa: {  	[smem:$0x3FAD] =	sst s2  }
0xb: {  	[smem:$0x3FAE] =	sst s3  }
0xc: {  	[smem:$0x3FAF] =	sst s4  }
0xd: {  	[smem:$0x3FB0] =	sst s5  }
0xe: {  	[smem:$0x3FB1] =	sst s6  }
0xf: {  	[smem:$0x3FB2] =	sst s7  }
0x10: {  	[smem:$0x3FB3] =	sst s8  }
0x11: {  	[smem:$0x3FB4] =	sst s9;
	s0 =	simm.s32 @!p0 $0x0  }
0x12: {  	s1 =	sld [smem:$0x3F9A];
	s0 =	simm.s32 @p0 $0x1  }
0x13: {  	[smem:$0x3FB5] =	sst s0;
	s0 =	simm.s32 @!p1 $0x0  }
0x14: {  	s2 =	sld [smem:$0x3F99];
	s0 =	simm.s32 @p1 $0x1  }
0x15: {  	[smem:$0x3FB6] =	sst s0;
	s0 =	simm.s32 @!p2 $0x0  }
0x16: {  	s3 =	sld [smem:$0x3FDB];
	s0 =	simm.s32 @p2 $0x1  }
0x17: {  	s4 =	simm.s32 $0x1BF5;
	[smem:$0x3FB8] =	sst s0  }
0x18: {  	s0 =	sld [smem:$0x3F9B];
	_ =	swait.ge [sflag:s4], $0x0  }
0x19: {  	s7 =	sld [smem:$0x3F9C]  }
0x1a: {  	s8 =	sadd.s32 $0xFFFFE003, lr  }
0x1b: {  	s9 =	sadd.s32 $0xFFFFFEF7, lr;
	s5 =	simm.s32 $0xFFFFFFFF;
	p2 =	slt.u32 s8, $0xFFFFF086  }
0x1c: {  	p1 =	slt.u32 s9, $0xF7A;
	s5 =	simm.s32 @!p2 $0x0  }
0x1d: {  	s5 =	simm.s32 @p1 $0x1;
	p0 =	seq.s32 s7, s2  }
0x1e: {  	s7 =	smul.u32 @!p0 $0xF7A, s2;
	p2 =	seq.s32 @!p0 s5, $0x0  }
0x1f: {  	s9 =	smul.u32 $0xF7A, s1;
	s8 =	simm.s32 @!p0 $0x1BF5;
	p2 =	por !p2, p0  }
0x20: {  	[sflag:s8] =	ssyncset.s32 @!p0 $0xFFFFF086;
	s6 =	sadd.s32 @!p0 s3, s7;
	s7 =	simm.s32 @!p0 $0x108  }
0x21: {  	s3 =	sadd.s32 s3, s9;
	s6 =	sadd.s32 @!p0 $0x88, s6;
	s7 =	simm.s32 @p2 $0x1082  }
0x22: {  	[simem:s7], [sflag:s8] =	dma.local @!p0 [hbm:s6], $0xF7A  }
0x23: {  	s9 =	sor.u32 $0xD0000000, s2;
	s6 =	simm.s32 $0x108;
	_ =	swait.ge @!p0 [sflag:s8], $0x0  }
0x24: {  	s3 =	sadd.s32 $0x88, s3;
	s6 =	simm.s32 @!p1 $0x1082;
	[sflag:s4] =	ssyncset.s32 $0xFFFFF086  }
0x25: {  	[simem:s6], [sflag:s4] =	dma.local [hbm:s3], $0xF7A  }
0x26: {  	[smem:$0x3F9C] =	sst s1;
	(tag) =	ssettag s2;
	_ =	strace s9  }
0x27: {  	s1 =	sld [smem:$0x3FAC]  }
0x28: {  	s2 =	sld [smem:$0x3FAD]  }
0x29: {  	s4 =	sld [smem:$0x3FAF]  }
0x2a: {  	p0 =	seq.s32 s5, $0x0;
	s5 =	sld [smem:$0x3FB0]  }
0x2b: {  	s6 =	sld [smem:$0x3FB1]  }
0x2c: {  	s7 =	sld [smem:$0x3FB2]  }
0x2d: {  	s3 =	simm.s32 $0x108;
	s8 =	sld [smem:$0x3FB3]  }
0x2e: {  	s3 =	simm.s32 @!p0 $0x1082;
	s9 =	sld [smem:$0x3FB4]  }
0x2f: {  	lr =	sadd.s32 s0, s3;
	s0 =	sld [smem:$0x3FAB]  }
0x30: {  	s3 =	sld [smem:$0x3FAE]  }
0x31: {  	[smem:$0x3FB7] =	sst s10  }
0x32: {  	s10 =	sld [smem:$0x3FB5];
	_ =	sdelay $0x3  }
0x33: {  	p0 =	seq.s32 s10, $0x1;
	s10 =	sld [smem:$0x3FB7];
	_ =	sdelay $0x3  }
0x34: {  	[smem:$0x3FB7] =	sst s10  }
0x35: {  	s10 =	sld [smem:$0x3FB6];
	_ =	sdelay $0x3  }
0x36: {  	p1 =	seq.s32 s10, $0x1;
	s10 =	sld [smem:$0x3FB7];
	_ =	sdelay $0x3  }
0x37: {  	[smem:$0x3FB7] =	sst s10  }
0x38: {  	s10 =	sld [smem:$0x3FB8]  }
0x39: {  	_ = 	snop;
	(pc) =	sbr.ind lr, $3  }
0x3a: {  	_ = 	snop  }
0x3b: {  	_ = 	snop  }
0x3c: {  	p2 =	seq.s32 s10, $0x1;
	s10 =	sld [smem:$0x3FB7]  }
0x3d: {  	_ =	shalt  }
0x3e: {  	_ =	shalt  }
0x3f: {  	_ =	shalt  }
0x40: {  	_ =	shalt  }
0x41: {  	_ =	shalt  }
0x42: {  	_ =	shalt  }
0x43: {  	_ =	shalt  }
0x44: {  	_ =	shalt  }
0x45: {  	_ =	shalt  }
0x46: {  	_ =	shalt  }
0x47: {  	_ =	shalt  }
0x48: {  	_ =	shalt  }
0x49: {  	_ =	shalt  }
0x4a: {  	_ =	shalt  }
0x4b: {  	_ =	shalt  }
0x4c: {  	_ =	shalt  }
0x4d: {  	_ =	shalt  }
0x4e: {  	_ =	shalt  }
0x4f: {  	_ =	shalt  }
0x50: {  	_ =	shalt  }
0x51: {  	_ =	shalt  }
0x52: {  	_ =	shalt  }
0x53: {  	_ =	shalt  }
0x54: {  	_ =	shalt  }
0x55: {  	_ =	shalt  }
0x56: {  	_ =	shalt  }
0x57: {  	_ =	shalt  }
0x58: {  	_ =	shalt  }
0x59: {  	_ =	shalt  }
0x5a: {  	_ =	shalt  }
0x5b: {  	_ =	shalt  }
0x5c: {  	_ =	shalt  }
0x5d: {  	_ =	shalt  }
0x5e: {  	_ =	shalt  }
0x5f: {  	_ =	shalt  }
0x60: {  	_ =	shalt  }
0x61: {  	_ =	shalt  }
0x62: {  	_ =	shalt  }
0x63: {  	_ =	shalt  }
0x64: {  	_ =	shalt  }
0x65: {  	_ =	shalt  }
0x66: {  	_ =	shalt  }
0x67: {  	_ =	shalt  }
0x68: {  	_ =	shalt  }
0x69: {  	_ =	shalt  }
0x6a: {  	_ =	shalt  }
0x6b: {  	_ =	shalt  }
0x6c: {  	_ =	shalt  }
0x6d: {  	_ =	shalt  }
0x6e: {  	_ =	shalt  }
0x6f: {  	_ =	shalt  }
0x70: {  	_ =	shalt  }
0x71: {  	_ =	shalt  }
0x72: {  	_ =	shalt  }
0x73: {  	_ =	shalt  }
0x74: {  	_ =	shalt  }
0x75: {  	_ =	shalt  }
0x76: {  	_ =	shalt  }
0x77: {  	_ =	shalt  }
0x78: {  	_ =	shalt  }
0x79: {  	_ =	shalt  }
0x7a: {  	_ =	shalt  }
0x7b: {  	_ =	shalt  }
0x7c: {  	_ =	shalt  }
0x7d: {  	_ =	shalt  }
0x7e: {  	_ =	shalt  }
0x7f: {  	_ =	shalt  }
0x80: {  	_ =	shalt  }
0x81: {  	_ =	shalt  }
0x82: {  	_ =	shalt  }
0x83: {  	_ =	shalt  }
0x84: {  	_ =	shalt  }
0x85: {  	_ =	shalt  }
0x86: {  	_ =	shalt  }
0x87: {  	_ =	shalt  }
.Lfunc_end0:
.L_simem_size_0:
called_computation_lowered:
.L_overlay_start_0:
0x88: {  	s2 =	sld [smem:$0x3FD9]  }
0x89: {  	s3 =	sld [smem:$0x3FFE];
	_ =	sdelay $0x1  }
0x8a: {  	s1 =	srdreg.scid  }
0x8b: {  	s0 =	sand.u32 $0x1, s1  }
0x8c: {  	s17 =	sshll.u32 s0, $0xA;
	s2 =	sadd.s32 s3, s2  }
0x8d: {  	s2 =	sadd.s32 s2, s17  }
0x8e: {  	[smem:$0x3FC3] =	sst s2  }
0x8f: {  	_ = 	snop  }
0x90: {  	s2 =	sld [smem:$0x3FD0];
	(tm) =	ssettm $0x1  }
0x91: {  	s18 =	sld [smem:$0x3FFB];
	_ =	sdelay $0x3  }
0x92: {  	_ =	strace s18  }
0x93: {  	s3 =	sld [smem:$0x3FFC];
	_ =	sdelay $0x3  }
0x94: {  	_ =	strace s3  }
0x95: {  	s3 =	sld [smem:$0x3FFD];
	_ =	sdelay $0x3  }
0x96: {  	_ =	strace s3  }
0x97: {  	_ =	strace $0x8FFFFFFF  }
0x98: {  	s19 =	sld [smem:$0x3FDB];
	_ =	sdelay $0x1  }
0x99: {  	s4 =	simm.s32 $_scs_section_size  }
0x9a: {  	s5 =	simm.s32 $_size__tile_overlayer_lowered;
	s6 =	simm.s32 $_tile_overlayer_lowered  }
0x9b: {  	s22 =	simm.s32 $0x1BFF;
	s21 =	sshll.u32 s6, $0x1;
	s3 =	sadd.s32 s4, s19  }
0x9c: {  	s7 =	simm.s32 $0x0;
	s20 =	sshll.u32 s5, $0x1;
	s5 =	sadd.s32 s21, s3  }
0x9d: {  	[timem:s7], [sflag:s22] =	dma.local [hbm:s5], s20  }
0x9e: {  	_ =	swait.ge [sflag:s22], s20  }
0x9f: {  	s4 =	ssub.s32 $0x0, s20;
	[sflag:s22] =	ssyncset.done $0x0  }
0xa0: {  	[sflag:s22] =	ssyncadd.s32 s4;
	_ =	sdelay $0x1  }
0xa1: {  	s23 =	simm.s32 $0x1B8B  }
0xa2: {  	_ =	swait.ge [sflag:s23], $0x1  }
0xa3: {  	[sflag:s23] =	ssyncset.done $0x0  }
0xa4: {  	s25 =	simm.s32 $0x1B8E;
	s24 =	sld [smem:$0x3FFE];
	[sflag:s23] =	ssyncadd.s32 $0xFFFFFFFF  }
0xa5: {  	s26 =	simm.s32 $execute0_lowered;
	[smem:$0x3FD2] =	sst s25  }
0xa6: {  	s5 =	sshll.u32 s26, $0x1;
	_ =	strace $0x80000046;
	[dreg:$0x1] =	wrdreg $0xFFFFFFFF  }
0xa7: {  	s28 =	simm.s32 $_size_execute0_lowered;
	s3 =	sadd.s32 s3, s5;
	[dreg:$0x0] =	wrdreg $0x0  }
0xa8: {  	s5 =	sshll.u32 s28, $0x1;
	[dreg:$0x2] =	wrdreg s3  }
0xa9: {  	[dreg:$0x3] =	wrdreg s5  }
0xaa: {  	[dreg:$0x4] =	wrdreg $0xC0  }
0xab: {  	_ =	task [dreg:s7], $0x5FFFF  }
0xac: {  	[dreg:$0x1] =	wrdreg $0xFFFFFFFF  }
0xad: {  	[dreg:$0x0] =	wrdreg $0x60  }
0xae: {  	[dreg:$0x2] =	wrdreg s2  }
0xaf: {  	[dreg:$0x3] =	wrdreg s24  }
0xb0: {  	[dreg:$0x4] =	wrdreg $0x9  }
0xb1: {  	_ =	task.clear_ibuf [dreg:s7], $0x5FFFF;
	_ =	strace $0x90000046  }
0xb2: {  	s29 =	simm.s32 $0x9;
	_ =	strace $0x80000048  }
0xb3: {  	_ =	swait.ge [sflag:s29], $0x1  }
0xb4: {  	[sflag:s29] =	ssyncadd.s32 $0xFFFFFFFF  }
0xb5: {  	_ =	strace $0x90000048  }
0xb6: {  	_ =	sfence  }
0xb7: {  	s30 =	sld [smem:$0x0];
	_ =	sdelay $0x2  }
0xb8: {  	s31 =	sshll.u32 s1, $0xD;
	s1 =	sshrl.u32 s1, $0x2  }
0xb9: {  	s3 =	sand.u32 $0x4000, s31;
	s1 =	sadd.s32 s1, s30  }
0xba: {  	s0 =	sor.u32 s3, s0;
	s1 =	sshll.u32 s1, $0x11  }
0xbb: {  	s0 =	sor.u32 s1, s0  }
0xbc: {  	s0 =	sadd.s32 $0x8F2B, s0  }
0xbd: {  	[sflag:s0] =	ssyncadd.remote.s32 $0x1  }
0xbe: {  	_ =	sfence.sel $0xFFFF  }
0xbf: {  	[dreg:$0x0] =	wrdreg $0xFFFFFFFF;
	(pc) =	sbr.abs _section_cstart, $3  }
0xc0: {  	[dreg:$0x1] =	wrdreg $0xFFFFFFFF  }
0xc1: {  	_ =	task.clear_ibuf [dreg:s7], $0x2FFFF;
	_ =	strace $0x9FFFFFFF  }
0xc2: {  	(tm) =	ssettm $0x7FFFFFFF  }
0xc3: {  	_ =	shalt  }
tec
execute0_lowered:
.L_overlay_start_1:
0x0: {  	(tag) =	ssettag $0x1  }
0x1: {  	s0 =	rddreg [dreg:$0x0]  }
0x2: {  	s1 =	rddreg [dreg:$0x1]  }
0x3: {  	s3 =	simm.s32 $0x0;
	s2 =	srdreg.scid;
	s24 =	stileid.u32  }
0x4: {  	s10 =	simm.s32 $0x2;
	s28 =	simm.s32 $0x8400;
	s29 =	simm.s32 $0x8C00  }
0x5: {  	s30 =	simm.s32 $0x9400;
	s31 =	simm.s32 $0x9C00;
	s9 =	simm.s32 $0xBC00  }
0x6: {  	s11 =	simm.s32 $0xC400;
	s13 =	simm.s32 $0x0;
	[smem:$0x7FF] =	sst s3  }
0x7: {  	s2 =	sand.u32 $0x1, s2;
	s4 =	sshll.u32 s24, $0x1;
	s3 =	sadd.s32 $0xA00, s1  }
0x8: {  	s7 =	sadd.s32 $0xC00, s1;
	s24 =	simm.s32 $0x6C00;
	_ =	strace $0x80000047  }
0x9: {  	s5 =	ssub.s32 $0x2, s2;
	s2 =	sor.u32 s2, s4;
	s4 =	sadd.s32 $0x60E00, s1  }
0xa: {  	s6 =	sshrl.u32 s5, $0x1;
	s25 =	sshll.u32 s2, $0x7;
	s8 =	sshll.u32 s2, $0x4  }
0xb: {  	s2 =	simm.s32 $0x1;
	s5 =	ssub.s32 s5, s6;
	s0 =	sadd.s32 s0, s25  }
0xc: {  	v2 =	vlaneseq.u32;
	s6 =	sadd.s32 $0xB00, s1;
	s25 =	simm.s32 $0x7400;
	s1 =	simm.s32 $0xAC00  }
0xd: {  	vm0 =	vmmov $0xffff;
	v1 =	vshrl.u32 v2, $0x3;
	[dreg:$0x3] =	wrdreg s0;
	s26 =	smax.u32 s5, $0x1;
	s0 =	simm.s32 $0xA400  }
0xe: {  	v0 =	vand.u32 $0x7, v2;
	v2 =	vor.u32 $0x8, v2;
	v1 =	vmul.u32 $0x8, v1;
	s5 =	simm.s32 $0xB400;
	[dreg:$0x4] =	wrdreg s26;
	s26 =	simm.s32 $0x7C00  }
.LBB2_1:
0xf: {  	[dreg:$0x5] =	wrdreg s13  }
0x10: {  	s12 =	simm.s32 $0x0;
	s23 =	rddreg [dreg:$0x3]  }
0x11: {  	[tilespmem:s12], [sflag:$0x2] =	stream.linear.gather [hbm4b:s23+s12], $0x400, $0x38;
	[tilespmem:$0xDC00] =	vst v63  }
0x12: {  	_ =	swait.ge [sflag:s10], $0x400  }
0x13: {  	[sflag:s10] =	ssyncset.done $0x0  }
0x14: {  	s12 =	simm.s32 $0x0;
	[sflag:s10] =	ssyncadd.s32 $0xFFFFFC00  }
.LBB2_2:
0x15: {  	s13 =	sshll.u32 s12, $0x6  }
0x16: {  	s14 =	sand.u32 $0x3FFFFFC0, s13  }
0x17: {  	v3 =	vld [tilespmem:s14+$0x0];
	_ =	sdelay $0x4  }
0x18: {  	v4 =	vshrl.u32 v3, $0x3  }
0x19: {  	v4 =	vmul.u32 $0x30, v4  }
0x1a: {  	v3 =	vand.u32 $0x7, v3  }
0x1b: {  	v3 =	vor.u32 v3, v4  }
0x1c: {  	v4 =	vperm.xlane v3, v0;
	_ =	sdelay $0x1  }
0x1d: {  	v4 =	vadd.s32 v1, v4;
	_ =	sdelay $0x3  }
0x1e: {  	s15 =	simm.s32 $0x400;
	s13 =	simm.s32 $0x0;
	v3 =	vperm.xlane v3, v2  }
0x1f: {  	[tilespmem:s15], [sflag:$0x1] =	stream.indirect_vreg.gather [hbm4b:s3+s13], $0x80, v4, vm0, $0xb8;
	[tilespmem:$0xDC00] =	vst v63  }
0x20: {  	s20 =	simm.s32 $0xC00;
	v3 =	vadd.s32 v1, v3  }
0x21: {  	[tilespmem:s20], [sflag:$0x1] =	stream.indirect_vreg.gather [hbm4b:s6+s13], $0x80, v4, vm0, $0xb8;
	[tilespmem:$0xDC00] =	vst v63  }
0x22: {  	s21 =	simm.s32 $0x1400  }
0x23: {  	[tilespmem:s21], [sflag:$0x1] =	stream.indirect_vreg.gather [hbm4b:s7+s13], $0x80, v4, vm0, $0xb8;
	[tilespmem:$0xDC00] =	vst v63  }
0x24: {  	s22 =	simm.s32 $0x1C00  }
0x25: {  	[tilespmem:s22], [sflag:$0x1] =	stream.indirect_vreg.gather [hbm4b:s3+s13], $0x80, v3, vm0, $0xb8;
	[tilespmem:$0xDC00] =	vst v63  }
0x26: {  	s23 =	simm.s32 $0x2400  }
0x27: {  	[tilespmem:s23], [sflag:$0x1] =	stream.indirect_vreg.gather [hbm4b:s6+s13], $0x80, v3, vm0, $0xb8;
	[tilespmem:$0xDC00] =	vst v63  }
0x28: {  	s16 =	simm.s32 $0x2C00  }
0x29: {  	[tilespmem:s16], [sflag:$0x1] =	stream.indirect_vreg.gather [hbm4b:s7+s13], $0x80, v3, vm0, $0xb8;
	[tilespmem:$0xDC00] =	vst v63  }
0x2a: {  	v3 =	vld [tilespmem:s14+$0x10];
	_ =	sdelay $0x4  }
0x2b: {  	v61 =	vshrl.u32 v3, $0x3  }
0x2c: {  	v4 =	vmul.u32 $0x30, v61  }
0x2d: {  	v3 =	vand.u32 $0x7, v3  }
0x2e: {  	v3 =	vor.u32 v3, v4  }
0x2f: {  	v4 =	vperm.xlane v3, v0;
	_ =	sdelay $0x1  }
0x30: {  	v4 =	vadd.s32 v1, v4;
	_ =	sdelay $0x3  }
0x31: {  	s17 =	simm.s32 $0x3400;
	v3 =	vperm.xlane v3, v2  }
0x32: {  	[tilespmem:s17], [sflag:$0x1] =	stream.indirect_vreg.gather [hbm4b:s3+s13], $0x80, v4, vm0, $0xb8;
	[tilespmem:$0xDC00] =	vst v63  }
0x33: {  	s18 =	simm.s32 $0x3C00;
	v3 =	vadd.s32 v1, v3  }
0x34: {  	[tilespmem:s18], [sflag:$0x1] =	stream.indirect_vreg.gather [hbm4b:s6+s13], $0x80, v4, vm0, $0xb8;
	[tilespmem:$0xDC00] =	vst v63  }
0x35: {  	s19 =	simm.s32 $0x4400  }
0x36: {  	[tilespmem:s19], [sflag:$0x1] =	stream.indirect_vreg.gather [hbm4b:s7+s13], $0x80, v4, vm0, $0xb8;
	[tilespmem:$0xDC00] =	vst v63  }
0x37: {  	s20 =	simm.s32 $0x4C00  }
0x38: {  	[tilespmem:s20], [sflag:$0x1] =	stream.indirect_vreg.gather [hbm4b:s3+s13], $0x80, v3, vm0, $0xb8;
	[tilespmem:$0xDC00] =	vst v63  }
0x39: {  	s21 =	simm.s32 $0x5400  }
0x3a: {  	[tilespmem:s21], [sflag:$0x1] =	stream.indirect_vreg.gather [hbm4b:s6+s13], $0x80, v3, vm0, $0xb8;
	[tilespmem:$0xDC00] =	vst v63  }
0x3b: {  	s22 =	simm.s32 $0x5C00  }
0x3c: {  	[tilespmem:s22], [sflag:$0x1] =	stream.indirect_vreg.gather [hbm4b:s7+s13], $0x80, v3, vm0, $0xb8;
	[tilespmem:$0xDC00] =	vst v63  }
0x3d: {  	v3 =	vld [tilespmem:s14+$0x20];
	_ =	sdelay $0x4  }
0x3e: {  	v62 =	vshrl.u32 v3, $0x3  }
0x3f: {  	v4 =	vmul.u32 $0x30, v62  }
0x40: {  	v3 =	vand.u32 $0x7, v3  }
0x41: {  	v3 =	vor.u32 v3, v4  }
0x42: {  	v4 =	vperm.xlane v3, v0;
	_ =	sdelay $0x1  }
0x43: {  	v4 =	vadd.s32 v1, v4;
	_ =	sdelay $0x3  }
0x44: {  	s23 =	simm.s32 $0x6400;
	v3 =	vperm.xlane v3, v2  }
0x45: {  	[tilespmem:s23], [sflag:$0x1] =	stream.indirect_vreg.gather [hbm4b:s3+s13], $0x80, v4, vm0, $0xb8;
	[tilespmem:$0xDC00] =	vst v63  }
0x46: {  	v3 =	vadd.s32 v1, v3  }
0x47: {  	[tilespmem:s24], [sflag:$0x1] =	stream.indirect_vreg.gather [hbm4b:s6+s13], $0x80, v4, vm0, $0xb8;
	[tilespmem:$0xDC00] =	vst v63  }
0x48: {  	_ = 	snop  }
0x49: {  	[tilespmem:s25], [sflag:$0x1] =	stream.indirect_vreg.gather [hbm4b:s7+s13], $0x80, v4, vm0, $0xb8;
	[tilespmem:$0xDC00] =	vst v63  }
0x4a: {  	_ = 	snop  }
0x4b: {  	[tilespmem:s26], [sflag:$0x1] =	stream.indirect_vreg.gather [hbm4b:s3+s13], $0x80, v3, vm0, $0xb8;
	[tilespmem:$0xDC00] =	vst v63  }
0x4c: {  	_ = 	snop  }
0x4d: {  	[tilespmem:s28], [sflag:$0x1] =	stream.indirect_vreg.gather [hbm4b:s6+s13], $0x80, v3, vm0, $0xb8;
	[tilespmem:$0xDC00] =	vst v63  }
0x4e: {  	_ = 	snop  }
0x4f: {  	[tilespmem:s29], [sflag:$0x1] =	stream.indirect_vreg.gather [hbm4b:s7+s13], $0x80, v3, vm0, $0xb8;
	[tilespmem:$0xDC00] =	vst v63  }
0x50: {  	v3 =	vld [tilespmem:s14+$0x30];
	_ =	sdelay $0x4  }
0x51: {  	v63 =	vshrl.u32 v3, $0x3  }
0x52: {  	v4 =	vmul.u32 $0x30, v63  }
0x53: {  	v3 =	vand.u32 $0x7, v3  }
0x54: {  	v3 =	vor.u32 v3, v4  }
0x55: {  	v4 =	vperm.xlane v3, v0;
	_ =	sdelay $0x1  }
0x56: {  	v4 =	vadd.s32 v1, v4;
	_ =	sdelay $0x3  }
0x57: {  	v3 =	vperm.xlane v3, v2  }
0x58: {  	[tilespmem:s30], [sflag:$0x1] =	stream.indirect_vreg.gather [hbm4b:s3+s13], $0x80, v4, vm0, $0xb8;
	[tilespmem:$0xDC00] =	vst v63  }
0x59: {  	v3 =	vadd.s32 v1, v3  }
0x5a: {  	[tilespmem:s31], [sflag:$0x1] =	stream.indirect_vreg.gather [hbm4b:s6+s13], $0x80, v4, vm0, $0xb8;
	[tilespmem:$0xDC00] =	vst v63  }
0x5b: {  	_ = 	snop  }
0x5c: {  	[tilespmem:s0], [sflag:$0x1] =	stream.indirect_vreg.gather [hbm4b:s7+s13], $0x80, v4, vm0, $0xb8;
	[tilespmem:$0xDC00] =	vst v63  }
0x5d: {  	_ = 	snop  }
0x5e: {  	[tilespmem:s1], [sflag:$0x1] =	stream.indirect_vreg.gather [hbm4b:s3+s13], $0x80, v3, vm0, $0xb8;
	[tilespmem:$0xDC00] =	vst v63  }
0x5f: {  	_ = 	snop  }
0x60: {  	[tilespmem:s5], [sflag:$0x1] =	stream.indirect_vreg.gather [hbm4b:s6+s13], $0x80, v3, vm0, $0xb8;
	[tilespmem:$0xDC00] =	vst v63  }
0x61: {  	_ = 	snop  }
0x62: {  	[tilespmem:s9], [sflag:$0x1] =	stream.indirect_vreg.gather [hbm4b:s7+s13], $0x80, v3, vm0, $0xb8;
	[tilespmem:$0xDC00] =	vst v63  }
0x63: {  	_ =	swait.ge [sflag:s2], $0xC000  }
0x64: {  	[sflag:s2] =	ssyncset.done $0x0  }
0x65: {  	s14 =	simm.s32 $0x0;
	[sflag:s2] =	ssyncadd.s32 $0xFFFF4000  }
.LBB2_3:
0x66: {  	s15 =	smul.u32 $0x6000, s14;
	_ =	sdelay $0x1  }
0x67: {  	s15 =	sshra.s32 s15, $0x2  }
0x68: {  	s19 =	sand.u32 $0x1C00, s13;
	s15 =	sor.u32 $0x400, s15  }
0x69: {  	s22 =	sand.u32 $0x70, s13;
	s16 =	sadd.s32 s19, s15  }
0x6a: {  	s16 =	sadd.s32 s22, s16  }
0x6b: {  	v3 =	vld [tilespmem:s16+$0x80]  }
0x6c: {  	v4 =	vld [tilespmem:s16+$0x0];
	_ =	sdelay $0x1  }
0x6d: {  	v5 =	vld [tilespmem:s16+$0x100];
	_ =	sdelay $0x1  }
0x6e: {  	v6 =	vld [tilespmem:s16+$0x180]  }
0x6f: {  	v3 =	vadd.f32 v3, v4  }
0x70: {  	v4 =	vld [tilespmem:s16+$0x200]  }
0x71: {  	v3 =	vadd.f32 v5, v3  }
0x72: {  	v5 =	vld [tilespmem:s16+$0x280]  }
0x73: {  	v3 =	vadd.f32 v6, v3  }
0x74: {  	v63 =	vld [tilespmem:s16+$0x300]  }
0x75: {  	v3 =	vadd.f32 v4, v3  }
0x76: {  	v4 =	vld [tilespmem:s16+$0x380]  }
0x77: {  	v3 =	vadd.f32 v5, v3  }
0x78: {  	s23 =	sshll.u32 s14, $0x7  }
0x79: {  	s16 =	sand.u32 $0x3FFFFF80, s23;
	v3 =	vadd.f32 v63, v3  }
0x7a: {  	s17 =	simm.s32 $0x10;
	s18 =	simm.s32 $0x80;
	s16 =	sadd.s32 $0xC400, s16  }
0x7b: {  	s20 =	sand.u32 $0x70, s17;
	s17 =	sand.u32 $0x1C00, s18;
	s23 =	sadd.s32 s19, s16;
	v3 =	vadd.f32 v4, v3  }
0x7c: {  	s21 =	sadd.s32 s17, s15;
	s19 =	simm.s32 $0x20;
	s22 =	sadd.s32 s22, s23  }
.LBB2_4:
0x7d: {  	p0 =	sne.s32 s19, $0x2F0;
	s21 =	sadd.s32 s20, s21;
	[tilespmem:s22+$0x0] =	vst v3;
	s22 =	smov.u32 s20  }
0x7e: {  	v3 =	vld [tilespmem:s21+$0x80]  }
0x7f: {  	v4 =	vld [tilespmem:s21+$0x0];
	_ =	sdelay $0x1  }
0x80: {  	v5 =	vld [tilespmem:s21+$0x100];
	_ =	sdelay $0x1  }
0x81: {  	v6 =	vld [tilespmem:s21+$0x180]  }
0x82: {  	v3 =	vadd.f32 v3, v4  }
0x83: {  	v4 =	vld [tilespmem:s21+$0x200]  }
0x84: {  	v3 =	vadd.f32 v5, v3  }
0x85: {  	v5 =	vld [tilespmem:s21+$0x280]  }
0x86: {  	v3 =	vadd.f32 v6, v3  }
0x87: {  	v6 =	vld [tilespmem:s21+$0x300]  }
0x88: {  	v3 =	vadd.f32 v4, v3  }
0x89: {  	v4 =	vld [tilespmem:s21+$0x380]  }
0x8a: {  	v3 =	vadd.f32 v5, v3  }
.Ltmp0:
0x8b: {  	(pc) =	sbr.rel @p0 .LBB2_4-.Ltmp0, $4  }
0x8c: {  	v3 =	vadd.f32 v6, v3  }
0x8d: {  	s18 =	sadd.s32 $0x80, s18  }
0x8e: {  	s20 =	sand.u32 $0x70, s19;
	s23 =	sadd.s32 s17, s16;
	s17 =	sand.u32 $0x1C00, s18;
	v3 =	vadd.f32 v4, v3  }
0x8f: {  	s19 =	sadd.s32 $0x10, s19;
	s22 =	sadd.s32 s22, s23;
	s21 =	sadd.s32 s17, s15  }
0x90: {  	s15 =	sadd.s32 s20, s21;
	[tilespmem:s22+$0x0] =	vst v3  }
0x91: {  	v3 =	vld [tilespmem:s15+$0x80]  }
0x92: {  	v4 =	vld [tilespmem:s15+$0x0];
	_ =	sdelay $0x1  }
0x93: {  	v5 =	vld [tilespmem:s15+$0x100];
	_ =	sdelay $0x1  }
0x94: {  	v6 =	vld [tilespmem:s15+$0x180]  }
0x95: {  	v3 =	vadd.f32 v3, v4  }
0x96: {  	v60 =	vld [tilespmem:s15+$0x200]  }
0x97: {  	v3 =	vadd.f32 v5, v3  }
0x98: {  	v61 =	vld [tilespmem:s15+$0x280]  }
0x99: {  	v3 =	vadd.f32 v6, v3  }
0x9a: {  	v62 =	vld [tilespmem:s15+$0x300]  }
0x9b: {  	v3 =	vadd.f32 v60, v3  }
0x9c: {  	v63 =	vld [tilespmem:s15+$0x380]  }
0x9d: {  	s14 =	sadd.s32 $0x1, s14;
	v3 =	vadd.f32 v61, v3  }
0x9e: {  	p0 =	sne.s32 s14, $0x8  }
.Ltmp1:
0x9f: {  	v3 =	vadd.f32 v62, v3;
	(pc) =	sbr.rel @p0 .LBB2_3-.Ltmp1, $4  }
0xa0: {  	_ = 	snop  }
0xa1: {  	s23 =	sadd.s32 s17, s16;
	v3 =	vadd.f32 v63, v3  }
0xa2: {  	s15 =	sadd.s32 s20, s23  }
0xa3: {  	[tilespmem:s15+$0x0] =	vst v3  }
0xa4: {  	s13 =	sadd.s32 s8, s12  }
0xa5: {  	s12 =	sadd.s32 $0x1, s12;
	s13 =	smul.u32 $0x300, s13  }
0xa6: {  	p0 =	sne.s32 s12, $0x10  }
.Ltmp2:
0xa7: {  	s14 =	simm.s32 $0x0;
	s13 =	sadd.s32 s4, s13;
	(pc) =	sbr.rel @p0 .LBB2_2-.Ltmp2, $4  }
0xa8: {  	[hbm4b:s13+s14] =	stream.linear.scatter [tilespmem:s11], [sflag:$0x2], $0x1800, $0x38;
	[tilespmem:$0xDC00] =	vst v63  }
0xa9: {  	_ =	swait.ge [sflag:s10], $0x1800  }
0xaa: {  	[sflag:s10] =	ssyncset.done $0x0  }
0xab: {  	[sflag:s10] =	ssyncadd.s32 $0xFFFFE800  }
0xac: {  	s13 =	rddreg [dreg:$0x5]  }
0xad: {  	s12 =	rddreg [dreg:$0x4];
	s13 =	sadd.s32 $0x1, s13  }
0xae: {  	p0 =	sne.s32 s13, s12  }
.Ltmp3:
0xaf: {  	_ = 	snop;
	(pc) =	sbr.rel @p0 .LBB2_1-.Ltmp3, $1  }
0xb0: {  	_ =	sdelay $0x3  }
0xb1: {  	_ =	sfence.sel $0x180000  }
0xb2: {  	[bflag:$0x0] =	sbarrier.arrive $0xFFFF  }
0xb3: {  	_ =	strace $0x90000047  }
0xb4: {  	s0 =	stileid.u32;
	[bflag:$0x2] =	sbarrier.arrive $0xFFFF  }
0xb5: {  	p0 =	sne.s32 s0, $0x0;
	s0 =	rddreg [dreg:$0x2]  }
0xb6: {  	s0 =	sadd.s32 @!p0 $0x100000, s0  }
0xb7: {  	[sflag:s0] =	ssyncadd.tile.s32 @!p0 $0x1;
	_ =	shalt  }
.Lfunc_end2:
_tile_overlayer_lowered:
.L_overlay_start_2:
0xb8: {  	(tag) =	ssettag $0x2  }
0xb9: {  	s0 =	rddreg [dreg:$0x0];
	s2 =	stileid.u32  }
0xba: {  	s1 =	rddreg [dreg:$0x1];
	p0 =	sne.s32 s2, $0x0  }
0xbb: {  	s3 =	rddreg [dreg:$0x2];
	[bflag:$0x3] =	sbarrier.arrive $0xFFFF;
	s2 =	simm.s32 @!p0 $0x1C02  }
0xbc: {  	[timem:s3], [sflag:s2] =	dma.local @!p0 [hbm:s0], s1  }
0xbd: {  	s0 =	simm.s32 @!p0 $0x2  }
0xbe: {  	_ =	swait.ge @!p0 [sflag:s0], s1  }
0xbf: {  	s1 =	ssub.s32 @!p0 $0x0, s1;
	[sflag:s0] =	ssyncset.done @!p0 $0x0  }
0xc0: {  	[sflag:s0] =	ssyncadd.s32 @!p0 s1  }
0xc1: {  	[bflag:$0x3] =	sbarrier.arrive $0xFFFF  }
0xc2: {  	_ =	shalt  }

</sc_bundles>
